<compile_context>
chip_gen: v7x
topology: tpu7x:2x2x1
jax: 0.10.2.dev20260603
libtpu: 0.0.44.dev20260713+nightly
codegen_flags: <defaults>
</compile_context>

<pallas_src>
import functools

import jax
import jax.numpy as jnp
from jax import lax
from jax.experimental import pallas as pl
from jax.experimental.pallas import tpu as pltpu
from jax.experimental.pallas import tpu_sc as plsc

_SCORE_THRESHOLD = 0.05
_IOU_THRESHOLD = 0.5
_MAX_DET = 300
_NEG = float("-inf")

_B = 8
_N = 5000
_C = 80
_NPAD = 5024
_NCHUNK = _NPAD // 32
_CMPAD = 160
_OUTPAD = 304


_CBLK = 8


def _prep_body(cls_ref, s_ref, lab_ref):
    i = pl.program_id(0)
    best = cls_ref[0]
    labv = jnp.zeros((_B, _N), jnp.int32)
    for c in range(1, _CBLK):
        v = cls_ref[c]
        upd = v > best
        best = jnp.where(upd, v, best)
        labv = jnp.where(upd, c, labv)
    labv = labv + i * _CBLK

    @pl.when(i == 0)
    def _():
        s_ref[...] = best
        lab_ref[...] = labv

    @pl.when(i > 0)
    def _():
        prev = s_ref[...]
        upd = best > prev
        s_ref[...] = jnp.where(upd, best, prev)
        lab_ref[...] = jnp.where(upd, labv, lab_ref[...])

    @pl.when(i == _C // _CBLK - 1)
    def _():
        cur = s_ref[...]
        s_ref[...] = jnp.where(cur > _SCORE_THRESHOLD, cur, _NEG)


def _sc_nms(s_hbm, lab_hbm, box_hbm,
            oy1_hbm, ox1_hbm, oy2_hbm, ox2_hbm, osc_hbm, olab_hbm,
            s_v, lab_v, box_v, cm_v,
            ky1_v, kx1_v, ky2_v, kx2_v, osc_v, olab_v,
            sy1_v, sx1_v, sy2_v, sx2_v, sarea_v):
    w = lax.axis_index("s") * 2 + lax.axis_index("c")

    @pl.when(w < _B)
    def _():
        b = w
        pltpu.sync_copy(s_hbm.at[b], s_v.at[pl.ds(0, _N)])
        pltpu.sync_copy(lab_hbm.at[b], lab_v.at[pl.ds(0, _N)])
        pltpu.sync_copy(box_hbm.at[b], box_v.at[pl.ds(0, _N * 4)])

        iota = lax.iota(jnp.int32, 16)
        negv = jnp.full((16,), _NEG, jnp.float32)

        tail = s_v[pl.ds(_NPAD - 32, 16)]
        s_v[pl.ds(_NPAD - 32, 16)] = jnp.where(iota < _N - (_NPAD - 32),
                                               tail, negv)
        s_v[pl.ds(_NPAD - 16, 16)] = negv
        m1f = jnp.full((16,), -1.0, jnp.float32)
        m1i = jnp.full((16,), -1, jnp.int32)
        z16 = jnp.zeros((16,), jnp.float32)

        for k in range(_CMPAD // 16):
            cm_v[pl.ds(16 * k, 16)] = negv
        for k in range(_OUTPAD // 16):
            sl = pl.ds(16 * k, 16)
            ky1_v[sl] = m1f
            kx1_v[sl] = m1f
            ky2_v[sl] = m1f
            kx2_v[sl] = m1f
            osc_v[sl] = m1f
            olab_v[sl] = m1i
            sy1_v[sl] = m1f
            sx1_v[sl] = m1f
            sy2_v[sl] = m1f
            sx2_v[sl] = m1f
            sarea_v[sl] = z16

        def cmbody(k, _):
            m = jnp.max(jnp.maximum(s_v[pl.ds(k * 32, 16)],
                                    s_v[pl.ds(k * 32 + 16, 16)]))
            base = (k // 16) * 16
            lane = k - base
            old = cm_v[pl.ds(base, 16)]
            cm_v[pl.ds(base, 16)] = jnp.where(iota == lane,
                                              jnp.full((16,), m, jnp.float32),
                                              old)
            return 0
        lax.fori_loop(0, _NCHUNK, cmbody, 0)

        BIG = jnp.int32(10 ** 6)
        _NREG = _CMPAD // 16

        def _tree(op, vs):
            vs = list(vs)
            while len(vs) > 1:
                vs = [op(vs[i], vs[i + 1]) if i + 1 < len(vs) else vs[i]
                      for i in range(0, len(vs), 2)]
            return vs[0]

        cms0 = tuple(cm_v[pl.ds(16 * k, 16)] for k in range(_NREG))

        def cond(st):
            cnt, done = st[0], st[2]
            return jnp.logical_and(cnt < _MAX_DET, jnp.logical_not(done))

        def body(st):
            cnt, kcnt, done, cms = st[0], st[1], st[2], st[3]
            best = jnp.max(_tree(jnp.maximum, cms))
            valid = best > _NEG
            bestv = jnp.full((16,), best, jnp.float32)
            idxs = [jnp.where(cms[k] == bestv, iota + 16 * k, BIG)
                    for k in range(_NREG)]
            cstar = jnp.min(_tree(jnp.minimum, idxs))
            sv0 = s_v[pl.ds(cstar * 32, 16)]
            sv1 = s_v[pl.ds(cstar * 32 + 16, 16)]
            l0 = jnp.min(jnp.where(sv0 == bestv, iota, BIG))
            l1 = jnp.min(jnp.where(sv1 == bestv, iota + 16, BIG))
            lanew = jnp.minimum(l0, l1)
            g = cstar * 32 + lanew
            gc = jnp.minimum(g, _N - 1)

            bv = box_v[pl.ds(gc * 4, 16)]
            cy1s = bv[0]
            cx1s = bv[1]
            cy2s = bv[2]
            cx2s = bv[3]
            clabs = lab_v[pl.ds(gc, 16)][0]
            cy1 = jnp.full((16,), cy1s, jnp.float32)
            cx1 = jnp.full((16,), cx1s, jnp.float32)
            cy2 = jnp.full((16,), cy2s, jnp.float32)
            cx2 = jnp.full((16,), cx2s, jnp.float32)
            careas = (cy2s - cy1s) * (cx2s - cx1s)
            carea = jnp.full((16,), careas, jnp.float32)

            newsv0 = jnp.where(iota == lanew, negv, sv0)
            newsv1 = jnp.where(iota == lanew - 16, negv, sv1)
            s_v[pl.ds(cstar * 32, 16)] = newsv0
            s_v[pl.ds(cstar * 32 + 16, 16)] = newsv1
            newm = jnp.max(jnp.maximum(newsv0, newsv1))
            newmv = jnp.full((16,), newm, jnp.float32)
            kreg = cstar // 16
            klane = cstar - kreg * 16
            cms_new = tuple(
                jnp.where(kreg == k, jnp.where(iota == klane, newmv, cms[k]),
                          cms[k])
                for k in range(_NREG))

            def iou_supp(ky1, kx1, ky2, kx2, karea):
                yy1 = jnp.maximum(ky1, cy1)
                xx1 = jnp.maximum(kx1, cx1)
                yy2 = jnp.minimum(ky2, cy2)
                xx2 = jnp.minimum(kx2, cx2)
                inter = jnp.maximum(0.0, yy2 - yy1) * jnp.maximum(0.0, xx2 - xx1)
                union = karea + carea - inter
                iou = jnp.where(union > 0, inter / union, 0.0)
                return iou > _IOU_THRESHOLD

            cproper = jnp.logical_and(cy2s > cy1s, cx2s > cx1s)
            nk = jnp.where(cproper, (kcnt + 15) // 16, 0)

            def jbody(j, suppacc):
                sl = pl.ds(j * 16, 16)
                return jnp.logical_or(
                    suppacc,
                    iou_supp(sy1_v[sl], sx1_v[sl], sy2_v[sl], sx2_v[sl],
                             sarea_v[sl]))

            suppv = lax.fori_loop(0, nk, jbody, jnp.zeros((16,), jnp.bool_))
            anysupp = jnp.max(jnp.where(suppv, 1, 0).astype(jnp.int32)) > 0
            accept = jnp.logical_and(valid, jnp.logical_not(anysupp))

            obase = (cnt // 16) * 16
            olane = cnt - obase
            am = jnp.logical_and(iota == olane, jnp.full((16,), accept))
            osl = pl.ds(obase, 16)

            def blend_f(ref, vals):
                ref[osl] = jnp.where(am, jnp.full((16,), vals, jnp.float32),
                                     ref[osl])

            blend_f(ky1_v, cy1s)
            blend_f(kx1_v, cx1s)
            blend_f(ky2_v, cy2s)
            blend_f(kx2_v, cx2s)
            blend_f(osc_v, best)
            olab_v[osl] = jnp.where(am, jnp.full((16,), clabs - 1, jnp.int32),
                                    olab_v[osl])

            keep = jnp.logical_and(accept, cproper)
            kbase = (kcnt // 16) * 16
            klne = kcnt - kbase
            amk = jnp.logical_and(iota == klne, jnp.full((16,), keep))
            ksl = pl.ds(kbase, 16)

            def blend_k(ref, vals):
                ref[ksl] = jnp.where(amk, jnp.full((16,), vals, jnp.float32),
                                     ref[ksl])

            blend_k(sy1_v, cy1s)
            blend_k(sx1_v, cx1s)
            blend_k(sy2_v, cy2s)
            blend_k(sx2_v, cx2s)
            blend_k(sarea_v, careas)

            cnt2 = cnt + jnp.where(accept, 1, 0).astype(jnp.int32)
            kcnt2 = kcnt + jnp.where(keep, 1, 0).astype(jnp.int32)
            return cnt2, kcnt2, jnp.logical_not(valid), cms_new

        lax.while_loop(cond, body,
                       (jnp.int32(0), jnp.int32(0), jnp.bool_(False), cms0))

        pltpu.sync_copy(ky1_v, oy1_hbm.at[b])
        pltpu.sync_copy(kx1_v, ox1_hbm.at[b])
        pltpu.sync_copy(ky2_v, oy2_hbm.at[b])
        pltpu.sync_copy(kx2_v, ox2_hbm.at[b])
        pltpu.sync_copy(osc_v, osc_hbm.at[b])
        pltpu.sync_copy(olab_v, olab_hbm.at[b])


_sc_nms_call = functools.partial(
    pl.kernel,
    out_type=(
        jax.ShapeDtypeStruct((_B, _OUTPAD), jnp.float32),
        jax.ShapeDtypeStruct((_B, _OUTPAD), jnp.float32),
        jax.ShapeDtypeStruct((_B, _OUTPAD), jnp.float32),
        jax.ShapeDtypeStruct((_B, _OUTPAD), jnp.float32),
        jax.ShapeDtypeStruct((_B, _OUTPAD), jnp.float32),
        jax.ShapeDtypeStruct((_B, _OUTPAD), jnp.int32),
    ),
    mesh=plsc.VectorSubcoreMesh(core_axis_name="c", subcore_axis_name="s"),
    compiler_params=pltpu.CompilerParams(needs_layout_passes=False,
                                         use_tc_tiling_on_sc=False),
    scratch_types=[
        pltpu.VMEM((_NPAD,), jnp.float32),
        pltpu.VMEM((_NPAD + 16,), jnp.int32),
        pltpu.VMEM((_N * 4 + 16,), jnp.float32),
        pltpu.VMEM((_CMPAD,), jnp.float32),
        pltpu.VMEM((_OUTPAD,), jnp.float32),
        pltpu.VMEM((_OUTPAD,), jnp.float32),
        pltpu.VMEM((_OUTPAD,), jnp.float32),
        pltpu.VMEM((_OUTPAD,), jnp.float32),
        pltpu.VMEM((_OUTPAD,), jnp.float32),
        pltpu.VMEM((_OUTPAD,), jnp.int32),
        pltpu.VMEM((_OUTPAD,), jnp.float32),
        pltpu.VMEM((_OUTPAD,), jnp.float32),
        pltpu.VMEM((_OUTPAD,), jnp.float32),
        pltpu.VMEM((_OUTPAD,), jnp.float32),
        pltpu.VMEM((_OUTPAD,), jnp.float32),
    ],
)(_sc_nms)


def kernel(boxes, classification):
    cls_t = jnp.transpose(classification, (2, 0, 1))
    s_pad, lab_pad = pl.pallas_call(
        _prep_body,
        grid=(_C // _CBLK,),
        in_specs=[pl.BlockSpec((_CBLK, _B, _N), lambda i: (i, 0, 0))],
        out_specs=(pl.BlockSpec((_B, _N), lambda i: (0, 0)),
                   pl.BlockSpec((_B, _N), lambda i: (0, 0))),
        out_shape=(
            jax.ShapeDtypeStruct((_B, _N), jnp.float32),
            jax.ShapeDtypeStruct((_B, _N), jnp.int32),
        ),
    )(cls_t)
    box_flat = boxes.reshape(_B, _N * 4)
    oy1, ox1, oy2, ox2, osc, olab = _sc_nms_call(s_pad, lab_pad, box_flat)
    out_boxes = jnp.stack(
        [oy1[:, :_MAX_DET], ox1[:, :_MAX_DET],
         oy2[:, :_MAX_DET], ox2[:, :_MAX_DET]], axis=-1)
    return out_boxes, osc[:, :_MAX_DET], olab[:, :_MAX_DET]

# --- scband reference (transcript-rebuilt; emitter-appended) ---
"""Pipeline reference for scband-filter-detections-18906446037164 (READ-ONLY COPY).

The authoritative reference and input builder live on the scoring server;
editing this copy changes nothing except your own understanding.
"""

import jax, jax.numpy as jnp
import numpy as np
from jax import lax

SCORE_THRESHOLD = 0.05
IOU_THRESHOLD = 0.5
MAX_DETECTIONS = 300


def setup_inputs(seed: int = 0) -> dict:
    key = jax.random.key(seed)
    k1, k2 = jax.random.split(key)
    boxes = jax.random.uniform(k1, (8, 5000, 4), dtype=jnp.float32)
    classification = jax.random.uniform(k2, (8, 5000, 80), dtype=jnp.float32)
    return {"boxes": boxes, "classification": classification}


def _iou_one_to_many(box, boxes):
    y1 = jnp.maximum(box[0], boxes[:, 0])
    x1 = jnp.maximum(box[1], boxes[:, 1])
    y2 = jnp.minimum(box[2], boxes[:, 2])
    x2 = jnp.minimum(box[3], boxes[:, 3])
    inter = jnp.maximum(0.0, y2 - y1) * jnp.maximum(0.0, x2 - x1)
    area_a = (box[2] - box[0]) * (box[3] - box[1])
    area_b = (boxes[:, 2] - boxes[:, 0]) * (boxes[:, 3] - boxes[:, 1])
    union = area_a + area_b - inter
    return jnp.where(union > 0, inter / union, 0.0)


def _filter_single(boxes, classification):
    # class_specific_filter=False path: best class per box
    scores_all = jnp.max(classification, axis=1)
    labels_all = jnp.argmax(classification, axis=1)

    # greedy NMS on stop-gradient copies (index selection is non-differentiable)
    b_sg = lax.stop_gradient(boxes)
    s_sg = lax.stop_gradient(scores_all)
    s0 = jnp.where(s_sg > SCORE_THRESHOLD, s_sg, -jnp.inf)

    def step(s, _):
        idx = jnp.argmax(s)
        best = s[idx]
        valid = best > -jnp.inf
        box = b_sg[idx]
        ious = _iou_one_to_many(box, b_sg)
        s_new = jnp.where(ious > IOU_THRESHOLD, -jnp.inf, s)
        s_new = s_new.at[idx].set(-jnp.inf)
        s_new = jnp.where(valid, s_new, s)
        return s_new, (jnp.where(valid, idx, 0), valid)

    _, (sel_idx, sel_valid) = lax.scan(step, s0, None, length=MAX_DETECTIONS)

    # gather per-selection scores = classification[box_idx, label] (== max score)
    sel_labels = labels_all[sel_idx]
    sel_scores = classification[sel_idx, sel_labels]
    sel_scores = jnp.where(sel_valid, sel_scores, -jnp.inf)

    # top-k over the surviving detections (TF: tf.nn.top_k)
    _, top_idx = lax.top_k(sel_scores, MAX_DETECTIONS)
    order_idx = sel_idx[top_idx]
    order_valid = sel_valid[top_idx]
    order_labels = labels_all[order_idx]

    out_boxes = jnp.where(order_valid[:, None], boxes[order_idx], -1.0)
    out_scores = jnp.where(order_valid, classification[order_idx, order_labels], -1.0)
    out_labels = jnp.where(order_valid, order_labels.astype(jnp.int32) - 1, -1).astype(jnp.int32)
    return out_boxes, out_scores, out_labels


def reference(boxes, classification):
    fb, fs, fl = jax.vmap(_filter_single)(boxes, classification)
    return fb, fs, fl

if __name__ == "__main__":
    import jax
    _d = setup_inputs()
    print(jax.jit(kernel)(*tuple(_d.values())))

</pallas_src>

<mosaic_0001>
#map = affine_map<(d0, d1) -> (0, 0)>
module attributes {stable_mosaic.version = 14 : i64} {
  func.func @_sc_nms(%arg0: i32, %arg1: i32, %arg2: memref<8x5000xf32, #tpu.memory_space<hbm>>, %arg3: memref<8x5000xi32, #tpu.memory_space<hbm>>, %arg4: memref<8x20000xf32, #tpu.memory_space<hbm>>, %arg5: memref<8x304xf32, #tpu.memory_space<hbm>>, %arg6: memref<8x304xf32, #tpu.memory_space<hbm>>, %arg7: memref<8x304xf32, #tpu.memory_space<hbm>>, %arg8: memref<8x304xf32, #tpu.memory_space<hbm>>, %arg9: memref<8x304xf32, #tpu.memory_space<hbm>>, %arg10: memref<8x304xi32, #tpu.memory_space<hbm>>, %arg11: memref<5024xf32, #tpu.memory_space<vmem>>, %arg12: memref<5040xi32, #tpu.memory_space<vmem>>, %arg13: memref<20016xf32, #tpu.memory_space<vmem>>, %arg14: memref<160xf32, #tpu.memory_space<vmem>>, %arg15: memref<304xf32, #tpu.memory_space<vmem>>, %arg16: memref<304xf32, #tpu.memory_space<vmem>>, %arg17: memref<304xf32, #tpu.memory_space<vmem>>, %arg18: memref<304xf32, #tpu.memory_space<vmem>>, %arg19: memref<304xf32, #tpu.memory_space<vmem>>, %arg20: memref<304xi32, #tpu.memory_space<vmem>>, %arg21: memref<304xf32, #tpu.memory_space<vmem>>, %arg22: memref<304xf32, #tpu.memory_space<vmem>>, %arg23: memref<304xf32, #tpu.memory_space<vmem>>, %arg24: memref<304xf32, #tpu.memory_space<vmem>>, %arg25: memref<304xf32, #tpu.memory_space<vmem>>) attributes {dimension_semantics = [#tpu.dimension_semantics<core_parallel>, #tpu.dimension_semantics<subcore_parallel>], iteration_bounds = array<i64: 2, 16>, scalar_prefetch = 0 : i64, scratch_operands = 15 : i64, tpu.core_type = #tpu.core_type<sc_vector_subcore>, window_params = [{transform_indices = #map}, {transform_indices = #map}, {transform_indices = #map}, {transform_indices = #map}, {transform_indices = #map}, {transform_indices = #map}, {transform_indices = #map}, {transform_indices = #map}, {transform_indices = #map}]} {
    %mul3A = arith.constant 2 : i32
    %mul3A_0 = arith.muli %arg1, %mul3A : i32
    %add3A = arith.addi %mul3A_0, %arg0 : i32
    %lt3A = arith.constant 8 : i32
    %lt3A_1 = arith.cmpi slt, %add3A, %lt3A : i32
    %convert_element_type3A = arith.extui %lt3A_1 : i1 to i32
    %cond3A = arith.constant 0 : i32
    %cond3A_2 = arith.cmpi ne, %convert_element_type3A, %cond3A : i32
    scf.if %cond3A_2 {
      "tpu.region"() ({
        %run_scoped3A = tpu.sem_alloc : memref<!tpu.dma_semaphore, #tpu.memory_space<semaphore_mem>>
        %dma_start3A = arith.constant 0 : i32
        %dma_start3A_485 = tpu.memref_slice %arg11[%dma_start3A] : memref<5024xf32, #tpu.memory_space<vmem>> -> memref<5000xf32, #tpu.memory_space<vmem>>
        %dma_start3A_486 = arith.constant 0 : i32
        %dma_start3A_487 = tpu.memref_slice %arg2[%add3A, %dma_start3A_486] : memref<8x5000xf32, #tpu.memory_space<hbm>> -> memref<1x5000xf32, #tpu.memory_space<hbm>>
        %dma_start3A_488 = tpu.memref_squeeze %dma_start3A_487 : memref<1x5000xf32, #tpu.memory_space<hbm>> -> memref<5000xf32, #tpu.memory_space<hbm>>
        %dma_start3A_489 = arith.constant 0 : i32
        %dma_start3A_490 = tpu.memref_slice %arg11[%dma_start3A_489] : memref<5024xf32, #tpu.memory_space<vmem>> -> memref<5000xf32, #tpu.memory_space<vmem>>
        %dma_start3A_491 = arith.constant 0 : i32
        %dma_start3A_492 = tpu.memref_slice %arg2[%add3A, %dma_start3A_491] : memref<8x5000xf32, #tpu.memory_space<hbm>> -> memref<1x5000xf32, #tpu.memory_space<hbm>>
        %dma_start3A_493 = tpu.memref_squeeze %dma_start3A_492 : memref<1x5000xf32, #tpu.memory_space<hbm>> -> memref<5000xf32, #tpu.memory_space<hbm>>
        tpu.enqueue_dma source(%dma_start3A_493 : memref<5000xf32, #tpu.memory_space<hbm>>) target(%dma_start3A_490 : memref<5000xf32, #tpu.memory_space<vmem>>) target_semaphore(%run_scoped3A : memref<!tpu.dma_semaphore, #tpu.memory_space<semaphore_mem>>)
        %dma_wait3A = arith.constant 0 : i32
        %dma_wait3A_494 = tpu.memref_slice %arg11[%dma_wait3A] : memref<5024xf32, #tpu.memory_space<vmem>> -> memref<5000xf32, #tpu.memory_space<vmem>>
        %dma_wait3A_495 = arith.constant 0 : i32
        %dma_wait3A_496 = tpu.memref_slice %arg2[%add3A, %dma_wait3A_495] : memref<8x5000xf32, #tpu.memory_space<hbm>> -> memref<1x5000xf32, #tpu.memory_space<hbm>>
        %dma_wait3A_497 = tpu.memref_squeeze %dma_wait3A_496 : memref<1x5000xf32, #tpu.memory_space<hbm>> -> memref<5000xf32, #tpu.memory_space<hbm>>
        %dma_wait3A_498 = arith.constant 0 : i32
        %dma_wait3A_499 = tpu.memref_slice %arg11[%dma_wait3A_498] : memref<5024xf32, #tpu.memory_space<vmem>> -> memref<5000xf32, #tpu.memory_space<vmem>>
        %dma_wait3A_500 = arith.constant 0 : i32
        %dma_wait3A_501 = tpu.memref_slice %arg2[%add3A, %dma_wait3A_500] : memref<8x5000xf32, #tpu.memory_space<hbm>> -> memref<1x5000xf32, #tpu.memory_space<hbm>>
        %dma_wait3A_502 = tpu.memref_squeeze %dma_wait3A_501 : memref<1x5000xf32, #tpu.memory_space<hbm>> -> memref<5000xf32, #tpu.memory_space<hbm>>
        tpu.wait_dma2 semaphore(%run_scoped3A : memref<!tpu.dma_semaphore, #tpu.memory_space<semaphore_mem>>) src(%dma_wait3A_502 : memref<5000xf32, #tpu.memory_space<hbm>>) dst(%dma_wait3A_499 : memref<5000xf32, #tpu.memory_space<vmem>>)
        tpu.yield
      }) : () -> ()
      "tpu.region"() ({
        %run_scoped3A = tpu.sem_alloc : memref<!tpu.dma_semaphore, #tpu.memory_space<semaphore_mem>>
        %dma_start3A = arith.constant 0 : i32
        %dma_start3A_485 = tpu.memref_slice %arg12[%dma_start3A] : memref<5040xi32, #tpu.memory_space<vmem>> -> memref<5000xi32, #tpu.memory_space<vmem>>
        %dma_start3A_486 = arith.constant 0 : i32
        %dma_start3A_487 = tpu.memref_slice %arg3[%add3A, %dma_start3A_486] : memref<8x5000xi32, #tpu.memory_space<hbm>> -> memref<1x5000xi32, #tpu.memory_space<hbm>>
        %dma_start3A_488 = tpu.memref_squeeze %dma_start3A_487 : memref<1x5000xi32, #tpu.memory_space<hbm>> -> memref<5000xi32, #tpu.memory_space<hbm>>
        %dma_start3A_489 = arith.constant 0 : i32
        %dma_start3A_490 = tpu.memref_slice %arg12[%dma_start3A_489] : memref<5040xi32, #tpu.memory_space<vmem>> -> memref<5000xi32, #tpu.memory_space<vmem>>
        %dma_start3A_491 = arith.constant 0 : i32
        %dma_start3A_492 = tpu.memref_slice %arg3[%add3A, %dma_start3A_491] : memref<8x5000xi32, #tpu.memory_space<hbm>> -> memref<1x5000xi32, #tpu.memory_space<hbm>>
        %dma_start3A_493 = tpu.memref_squeeze %dma_start3A_492 : memref<1x5000xi32, #tpu.memory_space<hbm>> -> memref<5000xi32, #tpu.memory_space<hbm>>
        tpu.enqueue_dma source(%dma_start3A_493 : memref<5000xi32, #tpu.memory_space<hbm>>) target(%dma_start3A_490 : memref<5000xi32, #tpu.memory_space<vmem>>) target_semaphore(%run_scoped3A : memref<!tpu.dma_semaphore, #tpu.memory_space<semaphore_mem>>)
        %dma_wait3A = arith.constant 0 : i32
        %dma_wait3A_494 = tpu.memref_slice %arg12[%dma_wait3A] : memref<5040xi32, #tpu.memory_space<vmem>> -> memref<5000xi32, #tpu.memory_space<vmem>>
        %dma_wait3A_495 = arith.constant 0 : i32
        %dma_wait3A_496 = tpu.memref_slice %arg3[%add3A, %dma_wait3A_495] : memref<8x5000xi32, #tpu.memory_space<hbm>> -> memref<1x5000xi32, #tpu.memory_space<hbm>>
        %dma_wait3A_497 = tpu.memref_squeeze %dma_wait3A_496 : memref<1x5000xi32, #tpu.memory_space<hbm>> -> memref<5000xi32, #tpu.memory_space<hbm>>
        %dma_wait3A_498 = arith.constant 0 : i32
        %dma_wait3A_499 = tpu.memref_slice %arg12[%dma_wait3A_498] : memref<5040xi32, #tpu.memory_space<vmem>> -> memref<5000xi32, #tpu.memory_space<vmem>>
        %dma_wait3A_500 = arith.constant 0 : i32
        %dma_wait3A_501 = tpu.memref_slice %arg3[%add3A, %dma_wait3A_500] : memref<8x5000xi32, #tpu.memory_space<hbm>> -> memref<1x5000xi32, #tpu.memory_space<hbm>>
        %dma_wait3A_502 = tpu.memref_squeeze %dma_wait3A_501 : memref<1x5000xi32, #tpu.memory_space<hbm>> -> memref<5000xi32, #tpu.memory_space<hbm>>
        tpu.wait_dma2 semaphore(%run_scoped3A : memref<!tpu.dma_semaphore, #tpu.memory_space<semaphore_mem>>) src(%dma_wait3A_502 : memref<5000xi32, #tpu.memory_space<hbm>>) dst(%dma_wait3A_499 : memref<5000xi32, #tpu.memory_space<vmem>>)
        tpu.yield
      }) : () -> ()
      "tpu.region"() ({
        %run_scoped3A = tpu.sem_alloc : memref<!tpu.dma_semaphore, #tpu.memory_space<semaphore_mem>>
        %dma_start3A = arith.constant 0 : i32
        %dma_start3A_485 = tpu.memref_slice %arg13[%dma_start3A] : memref<20016xf32, #tpu.memory_space<vmem>> -> memref<20000xf32, #tpu.memory_space<vmem>>
        %dma_start3A_486 = arith.constant 0 : i32
        %dma_start3A_487 = tpu.memref_slice %arg4[%add3A, %dma_start3A_486] : memref<8x20000xf32, #tpu.memory_space<hbm>> -> memref<1x20000xf32, #tpu.memory_space<hbm>>
        %dma_start3A_488 = tpu.memref_squeeze %dma_start3A_487 : memref<1x20000xf32, #tpu.memory_space<hbm>> -> memref<20000xf32, #tpu.memory_space<hbm>>
        %dma_start3A_489 = arith.constant 0 : i32
        %dma_start3A_490 = tpu.memref_slice %arg13[%dma_start3A_489] : memref<20016xf32, #tpu.memory_space<vmem>> -> memref<20000xf32, #tpu.memory_space<vmem>>
        %dma_start3A_491 = arith.constant 0 : i32
        %dma_start3A_492 = tpu.memref_slice %arg4[%add3A, %dma_start3A_491] : memref<8x20000xf32, #tpu.memory_space<hbm>> -> memref<1x20000xf32, #tpu.memory_space<hbm>>
        %dma_start3A_493 = tpu.memref_squeeze %dma_start3A_492 : memref<1x20000xf32, #tpu.memory_space<hbm>> -> memref<20000xf32, #tpu.memory_space<hbm>>
        tpu.enqueue_dma source(%dma_start3A_493 : memref<20000xf32, #tpu.memory_space<hbm>>) target(%dma_start3A_490 : memref<20000xf32, #tpu.memory_space<vmem>>) target_semaphore(%run_scoped3A : memref<!tpu.dma_semaphore, #tpu.memory_space<semaphore_mem>>)
        %dma_wait3A = arith.constant 0 : i32
        %dma_wait3A_494 = tpu.memref_slice %arg13[%dma_wait3A] : memref<20016xf32, #tpu.memory_space<vmem>> -> memref<20000xf32, #tpu.memory_space<vmem>>
        %dma_wait3A_495 = arith.constant 0 : i32
        %dma_wait3A_496 = tpu.memref_slice %arg4[%add3A, %dma_wait3A_495] : memref<8x20000xf32, #tpu.memory_space<hbm>> -> memref<1x20000xf32, #tpu.memory_space<hbm>>
        %dma_wait3A_497 = tpu.memref_squeeze %dma_wait3A_496 : memref<1x20000xf32, #tpu.memory_space<hbm>> -> memref<20000xf32, #tpu.memory_space<hbm>>
        %dma_wait3A_498 = arith.constant 0 : i32
        %dma_wait3A_499 = tpu.memref_slice %arg13[%dma_wait3A_498] : memref<20016xf32, #tpu.memory_space<vmem>> -> memref<20000xf32, #tpu.memory_space<vmem>>
        %dma_wait3A_500 = arith.constant 0 : i32
        %dma_wait3A_501 = tpu.memref_slice %arg4[%add3A, %dma_wait3A_500] : memref<8x20000xf32, #tpu.memory_space<hbm>> -> memref<1x20000xf32, #tpu.memory_space<hbm>>
        %dma_wait3A_502 = tpu.memref_squeeze %dma_wait3A_501 : memref<1x20000xf32, #tpu.memory_space<hbm>> -> memref<20000xf32, #tpu.memory_space<hbm>>
        tpu.wait_dma2 semaphore(%run_scoped3A : memref<!tpu.dma_semaphore, #tpu.memory_space<semaphore_mem>>) src(%dma_wait3A_502 : memref<20000xf32, #tpu.memory_space<hbm>>) dst(%dma_wait3A_499 : memref<20000xf32, #tpu.memory_space<vmem>>)
        tpu.yield
      }) : () -> ()
      %iota3A = tpu.iota {dimensions = array<i32: 0>} : vector<16xi32>
      %broadcast_in_dim3A = arith.constant 0xFF800000 : f32
      %broadcast_in_dim3A_3 = vector.broadcast %broadcast_in_dim3A : f32 to vector<16xf32>
      %get3A = arith.constant 4992 : index
      %get3A_4 = tpu.vector_load %arg11[%get3A] {strides = array<i32>} : memref<5024xf32, #tpu.memory_space<vmem>>, vector<16xf32>,
      %lt3A_5 = arith.constant 8 : i32
      %lt3A_6 = vector.broadcast %lt3A_5 : i32 to vector<16xi32>
      %lt3A_7 = arith.cmpi slt, %iota3A, %lt3A_6 : vector<16xi32>
      %select_n3A = arith.select %lt3A_7, %get3A_4, %broadcast_in_dim3A_3 : vector<16xi1>, vector<16xf32>
      %swap3A = arith.constant 4992 : index
      %swap3A_8 = tpu.vector_load %arg11[%swap3A] {strides = array<i32>} : memref<5024xf32, #tpu.memory_space<vmem>>, vector<16xf32>,
      tpu.vector_store %arg11[%swap3A], %select_n3A {strides = array<i32>} : memref<5024xf32, #tpu.memory_space<vmem>>, vector<16xf32>,
      %swap3A_9 = arith.constant 5008 : index
      %swap3A_10 = tpu.vector_load %arg11[%swap3A_9] {strides = array<i32>} : memref<5024xf32, #tpu.memory_space<vmem>>, vector<16xf32>,
      tpu.vector_store %arg11[%swap3A_9], %broadcast_in_dim3A_3 {strides = array<i32>} : memref<5024xf32, #tpu.memory_space<vmem>>, vector<16xf32>,
      %broadcast_in_dim3A_11 = arith.constant -1.000000e+00 : f32
      %broadcast_in_dim3A_12 = vector.broadcast %broadcast_in_dim3A_11 : f32 to vector<16xf32>
      %broadcast_in_dim3A_13 = arith.constant -1 : i32
      %broadcast_in_dim3A_14 = vector.broadcast %broadcast_in_dim3A_13 : i32 to vector<16xi32>
      %broadcast_in_dim3A_15 = arith.constant 0.000000e+00 : f32
      %broadcast_in_dim3A_16 = vector.broadcast %broadcast_in_dim3A_15 : f32 to vector<16xf32>
      %swap3A_17 = arith.constant 0 : index
      %swap3A_18 = tpu.vector_load %arg14[%swap3A_17] {strides = array<i32>} : memref<160xf32, #tpu.memory_space<vmem>>, vector<16xf32>,
      tpu.vector_store %arg14[%swap3A_17], %broadcast_in_dim3A_3 {strides = array<i32>} : memref<160xf32, #tpu.memory_space<vmem>>, vector<16xf32>,
      %swap3A_19 = arith.constant 16 : index
      %swap3A_20 = tpu.vector_load %arg14[%swap3A_19] {strides = array<i32>} : memref<160xf32, #tpu.memory_space<vmem>>, vector<16xf32>,
      tpu.vector_store %arg14[%swap3A_19], %broadcast_in_dim3A_3 {strides = array<i32>} : memref<160xf32, #tpu.memory_space<vmem>>, vector<16xf32>,
      %swap3A_21 = arith.constant 32 : index
      %swap3A_22 = tpu.vector_load %arg14[%swap3A_21] {strides = array<i32>} : memref<160xf32, #tpu.memory_space<vmem>>, vector<16xf32>,
      tpu.vector_store %arg14[%swap3A_21], %broadcast_in_dim3A_3 {strides = array<i32>} : memref<160xf32, #tpu.memory_space<vmem>>, vector<16xf32>,
      %swap3A_23 = arith.constant 48 : index
      %swap3A_24 = tpu.vector_load %arg14[%swap3A_23] {strides = array<i32>} : memref<160xf32, #tpu.memory_space<vmem>>, vector<16xf32>,
      tpu.vector_store %arg14[%swap3A_23], %broadcast_in_dim3A_3 {strides = array<i32>} : memref<160xf32, #tpu.memory_space<vmem>>, vector<16xf32>,
      %swap3A_25 = arith.constant 64 : index
      %swap3A_26 = tpu.vector_load %arg14[%swap3A_25] {strides = array<i32>} : memref<160xf32, #tpu.memory_space<vmem>>, vector<16xf32>,
      tpu.vector_store %arg14[%swap3A_25], %broadcast_in_dim3A_3 {strides = array<i32>} : memref<160xf32, #tpu.memory_space<vmem>>, vector<16xf32>,
      %swap3A_27 = arith.constant 80 : index
      %swap3A_28 = tpu.vector_load %arg14[%swap3A_27] {strides = array<i32>} : memref<160xf32, #tpu.memory_space<vmem>>, vector<16xf32>,
      tpu.vector_store %arg14[%swap3A_27], %broadcast_in_dim3A_3 {strides = array<i32>} : memref<160xf32, #tpu.memory_space<vmem>>, vector<16xf32>,
      %swap3A_29 = arith.constant 96 : index
      %swap3A_30 = tpu.vector_load %arg14[%swap3A_29] {strides = array<i32>} : memref<160xf32, #tpu.memory_space<vmem>>, vector<16xf32>,
      tpu.vector_store %arg14[%swap3A_29], %broadcast_in_dim3A_3 {strides = array<i32>} : memref<160xf32, #tpu.memory_space<vmem>>, vector<16xf32>,
      %swap3A_31 = arith.constant 112 : index
      %swap3A_32 = tpu.vector_load %arg14[%swap3A_31] {strides = array<i32>} : memref<160xf32, #tpu.memory_space<vmem>>, vector<16xf32>,
      tpu.vector_store %arg14[%swap3A_31], %broadcast_in_dim3A_3 {strides = array<i32>} : memref<160xf32, #tpu.memory_space<vmem>>, vector<16xf32>,
      %swap3A_33 = arith.constant 128 : index
      %swap3A_34 = tpu.vector_load %arg14[%swap3A_33] {strides = array<i32>} : memref<160xf32, #tpu.memory_space<vmem>>, vector<16xf32>,
      tpu.vector_store %arg14[%swap3A_33], %broadcast_in_dim3A_3 {strides = array<i32>} : memref<160xf32, #tpu.memory_space<vmem>>, vector<16xf32>,
      %swap3A_35 = arith.constant 144 : index
      %swap3A_36 = tpu.vector_load %arg14[%swap3A_35] {strides = array<i32>} : memref<160xf32, #tpu.memory_space<vmem>>, vector<16xf32>,
      tpu.vector_store %arg14[%swap3A_35], %broadcast_in_dim3A_3 {strides = array<i32>} : memref<160xf32, #tpu.memory_space<vmem>>, vector<16xf32>,
      %swap3A_37 = arith.constant 0 : index
      %swap3A_38 = tpu.vector_load %arg15[%swap3A_37] {strides = array<i32>} : memref<304xf32, #tpu.memory_space<vmem>>, vector<16xf32>,
      tpu.vector_store %arg15[%swap3A_37], %broadcast_in_dim3A_12 {strides = array<i32>} : memref<304xf32, #tpu.memory_space<vmem>>, vector<16xf32>,
      %swap3A_39 = arith.constant 0 : index
      %swap3A_40 = tpu.vector_load %arg16[%swap3A_39] {strides = array<i32>} : memref<304xf32, #tpu.memory_space<vmem>>, vector<16xf32>,
      tpu.vector_store %arg16[%swap3A_39], %broadcast_in_dim3A_12 {strides = array<i32>} : memref<304xf32, #tpu.memory_space<vmem>>, vector<16xf32>,
      %swap3A_41 = arith.constant 0 : index
      %swap3A_42 = tpu.vector_load %arg17[%swap3A_41] {strides = array<i32>} : memref<304xf32, #tpu.memory_space<vmem>>, vector<16xf32>,
      tpu.vector_store %arg17[%swap3A_41], %broadcast_in_dim3A_12 {strides = array<i32>} : memref<304xf32, #tpu.memory_space<vmem>>, vector<16xf32>,
      %swap3A_43 = arith.constant 0 : index
      %swap3A_44 = tpu.vector_load %arg18[%swap3A_43] {strides = array<i32>} : memref<304xf32, #tpu.memory_space<vmem>>, vector<16xf32>,
      tpu.vector_store %arg18[%swap3A_43], %broadcast_in_dim3A_12 {strides = array<i32>} : memref<304xf32, #tpu.memory_space<vmem>>, vector<16xf32>,
      %swap3A_45 = arith.constant 0 : index
      %swap3A_46 = tpu.vector_load %arg19[%swap3A_45] {strides = array<i32>} : memref<304xf32, #tpu.memory_space<vmem>>, vector<16xf32>,
      tpu.vector_store %arg19[%swap3A_45], %broadcast_in_dim3A_12 {strides = array<i32>} : memref<304xf32, #tpu.memory_space<vmem>>, vector<16xf32>,
      %swap3A_47 = arith.constant 0 : index
      %swap3A_48 = tpu.vector_load %arg20[%swap3A_47] {strides = array<i32>} : memref<304xi32, #tpu.memory_space<vmem>>, vector<16xi32>,
      tpu.vector_store %arg20[%swap3A_47], %broadcast_in_dim3A_14 {strides = array<i32>} : memref<304xi32, #tpu.memory_space<vmem>>, vector<16xi32>,
      %swap3A_49 = arith.constant 0 : index
      %swap3A_50 = tpu.vector_load %arg21[%swap3A_49] {strides = array<i32>} : memref<304xf32, #tpu.memory_space<vmem>>, vector<16xf32>,
      tpu.vector_store %arg21[%swap3A_49], %broadcast_in_dim3A_12 {strides = array<i32>} : memref<304xf32, #tpu.memory_space<vmem>>, vector<16xf32>,
      %swap3A_51 = arith.constant 0 : index
      %swap3A_52 = tpu.vector_load %arg22[%swap3A_51] {strides = array<i32>} : memref<304xf32, #tpu.memory_space<vmem>>, vector<16xf32>,
      tpu.vector_store %arg22[%swap3A_51], %broadcast_in_dim3A_12 {strides = array<i32>} : memref<304xf32, #tpu.memory_space<vmem>>, vector<16xf32>,
      %swap3A_53 = arith.constant 0 : index
      %swap3A_54 = tpu.vector_load %arg23[%swap3A_53] {strides = array<i32>} : memref<304xf32, #tpu.memory_space<vmem>>, vector<16xf32>,
      tpu.vector_store %arg23[%swap3A_53], %broadcast_in_dim3A_12 {strides = array<i32>} : memref<304xf32, #tpu.memory_space<vmem>>, vector<16xf32>,
      %swap3A_55 = arith.constant 0 : index
      %swap3A_56 = tpu.vector_load %arg24[%swap3A_55] {strides = array<i32>} : memref<304xf32, #tpu.memory_space<vmem>>, vector<16xf32>,
      tpu.vector_store %arg24[%swap3A_55], %broadcast_in_dim3A_12 {strides = array<i32>} : memref<304xf32, #tpu.memory_space<vmem>>, vector<16xf32>,
      %swap3A_57 = arith.constant 0 : index
      %swap3A_58 = tpu.vector_load %arg25[%swap3A_57] {strides = array<i32>} : memref<304xf32, #tpu.memory_space<vmem>>, vector<16xf32>,
      tpu.vector_store %arg25[%swap3A_57], %broadcast_in_dim3A_16 {strides = array<i32>} : memref<304xf32, #tpu.memory_space<vmem>>, vector<16xf32>,
      %swap3A_59 = arith.constant 16 : index
      %swap3A_60 = tpu.vector_load %arg15[%swap3A_59] {strides = array<i32>} : memref<304xf32, #tpu.memory_space<vmem>>, vector<16xf32>,
      tpu.vector_store %arg15[%swap3A_59], %broadcast_in_dim3A_12 {strides = array<i32>} : memref<304xf32, #tpu.memory_space<vmem>>, vector<16xf32>,
      %swap3A_61 = arith.constant 16 : index
      %swap3A_62 = tpu.vector_load %arg16[%swap3A_61] {strides = array<i32>} : memref<304xf32, #tpu.memory_space<vmem>>, vector<16xf32>,
      tpu.vector_store %arg16[%swap3A_61], %broadcast_in_dim3A_12 {strides = array<i32>} : memref<304xf32, #tpu.memory_space<vmem>>, vector<16xf32>,
      %swap3A_63 = arith.constant 16 : index
      %swap3A_64 = tpu.vector_load %arg17[%swap3A_63] {strides = array<i32>} : memref<304xf32, #tpu.memory_space<vmem>>, vector<16xf32>,
      tpu.vector_store %arg17[%swap3A_63], %broadcast_in_dim3A_12 {strides = array<i32>} : memref<304xf32, #tpu.memory_space<vmem>>, vector<16xf32>,
      %swap3A_65 = arith.constant 16 : index
      %swap3A_66 = tpu.vector_load %arg18[%swap3A_65] {strides = array<i32>} : memref<304xf32, #tpu.memory_space<vmem>>, vector<16xf32>,
      tpu.vector_store %arg18[%swap3A_65], %broadcast_in_dim3A_12 {strides = array<i32>} : memref<304xf32, #tpu.memory_space<vmem>>, vector<16xf32>,
      %swap3A_67 = arith.constant 16 : index
      %swap3A_68 = tpu.vector_load %arg19[%swap3A_67] {strides = array<i32>} : memref<304xf32, #tpu.memory_space<vmem>>, vector<16xf32>,
      tpu.vector_store %arg19[%swap3A_67], %broadcast_in_dim3A_12 {strides = array<i32>} : memref<304xf32, #tpu.memory_space<vmem>>, vector<16xf32>,
      %swap3A_69 = arith.constant 16 : index
      %swap3A_70 = tpu.vector_load %arg20[%swap3A_69] {strides = array<i32>} : memref<304xi32, #tpu.memory_space<vmem>>, vector<16xi32>,
      tpu.vector_store %arg20[%swap3A_69], %broadcast_in_dim3A_14 {strides = array<i32>} : memref<304xi32, #tpu.memory_space<vmem>>, vector<16xi32>,
      %swap3A_71 = arith.constant 16 : index
      %swap3A_72 = tpu.vector_load %arg21[%swap3A_71] {strides = array<i32>} : memref<304xf32, #tpu.memory_space<vmem>>, vector<16xf32>,
      tpu.vector_store %arg21[%swap3A_71], %broadcast_in_dim3A_12 {strides = array<i32>} : memref<304xf32, #tpu.memory_space<vmem>>, vector<16xf32>,
      %swap3A_73 = arith.constant 16 : index
      %swap3A_74 = tpu.vector_load %arg22[%swap3A_73] {strides = array<i32>} : memref<304xf32, #tpu.memory_space<vmem>>, vector<16xf32>,
      tpu.vector_store %arg22[%swap3A_73], %broadcast_in_dim3A_12 {strides = array<i32>} : memref<304xf32, #tpu.memory_space<vmem>>, vector<16xf32>,
      %swap3A_75 = arith.constant 16 : index
      %swap3A_76 = tpu.vector_load %arg23[%swap3A_75] {strides = array<i32>} : memref<304xf32, #tpu.memory_space<vmem>>, vector<16xf32>,
      tpu.vector_store %arg23[%swap3A_75], %broadcast_in_dim3A_12 {strides = array<i32>} : memref<304xf32, #tpu.memory_space<vmem>>, vector<16xf32>,
      %swap3A_77 = arith.constant 16 : index
      %swap3A_78 = tpu.vector_load %arg24[%swap3A_77] {strides = array<i32>} : memref<304xf32, #tpu.memory_space<vmem>>, vector<16xf32>,
      tpu.vector_store %arg24[%swap3A_77], %broadcast_in_dim3A_12 {strides = array<i32>} : memref<304xf32, #tpu.memory_space<vmem>>, vector<16xf32>,
      %swap3A_79 = arith.constant 16 : index
      %swap3A_80 = tpu.vector_load %arg25[%swap3A_79] {strides = array<i32>} : memref<304xf32, #tpu.memory_space<vmem>>, vector<16xf32>,
      tpu.vector_store %arg25[%swap3A_79], %broadcast_in_dim3A_16 {strides = array<i32>} : memref<304xf32, #tpu.memory_space<vmem>>, vector<16xf32>,
      %swap3A_81 = arith.constant 32 : index
      %swap3A_82 = tpu.vector_load %arg15[%swap3A_81] {strides = array<i32>} : memref<304xf32, #tpu.memory_space<vmem>>, vector<16xf32>,
      tpu.vector_store %arg15[%swap3A_81], %broadcast_in_dim3A_12 {strides = array<i32>} : memref<304xf32, #tpu.memory_space<vmem>>, vector<16xf32>,
      %swap3A_83 = arith.constant 32 : index
      %swap3A_84 = tpu.vector_load %arg16[%swap3A_83] {strides = array<i32>} : memref<304xf32, #tpu.memory_space<vmem>>, vector<16xf32>,
      tpu.vector_store %arg16[%swap3A_83], %broadcast_in_dim3A_12 {strides = array<i32>} : memref<304xf32, #tpu.memory_space<vmem>>, vector<16xf32>,
      %swap3A_85 = arith.constant 32 : index
      %swap3A_86 = tpu.vector_load %arg17[%swap3A_85] {strides = array<i32>} : memref<304xf32, #tpu.memory_space<vmem>>, vector<16xf32>,
      tpu.vector_store %arg17[%swap3A_85], %broadcast_in_dim3A_12 {strides = array<i32>} : memref<304xf32, #tpu.memory_space<vmem>>, vector<16xf32>,
      %swap3A_87 = arith.constant 32 : index
      %swap3A_88 = tpu.vector_load %arg18[%swap3A_87] {strides = array<i32>} : memref<304xf32, #tpu.memory_space<vmem>>, vector<16xf32>,
      tpu.vector_store %arg18[%swap3A_87], %broadcast_in_dim3A_12 {strides = array<i32>} : memref<304xf32, #tpu.memory_space<vmem>>, vector<16xf32>,
      %swap3A_89 = arith.constant 32 : index
      %swap3A_90 = tpu.vector_load %arg19[%swap3A_89] {strides = array<i32>} : memref<304xf32, #tpu.memory_space<vmem>>, vector<16xf32>,
      tpu.vector_store %arg19[%swap3A_89], %broadcast_in_dim3A_12 {strides = array<i32>} : memref<304xf32, #tpu.memory_space<vmem>>, vector<16xf32>,
      %swap3A_91 = arith.constant 32 : index
      %swap3A_92 = tpu.vector_load %arg20[%swap3A_91] {strides = array<i32>} : memref<304xi32, #tpu.memory_space<vmem>>, vector<16xi32>,
      tpu.vector_store %arg20[%swap3A_91], %broadcast_in_dim3A_14 {strides = array<i32>} : memref<304xi32, #tpu.memory_space<vmem>>, vector<16xi32>,
      %swap3A_93 = arith.constant 32 : index
      %swap3A_94 = tpu.vector_load %arg21[%swap3A_93] {strides = array<i32>} : memref<304xf32, #tpu.memory_space<vmem>>, vector<16xf32>,
      tpu.vector_store %arg21[%swap3A_93], %broadcast_in_dim3A_12 {strides = array<i32>} : memref<304xf32, #tpu.memory_space<vmem>>, vector<16xf32>,
      %swap3A_95 = arith.constant 32 : index
      %swap3A_96 = tpu.vector_load %arg22[%swap3A_95] {strides = array<i32>} : memref<304xf32, #tpu.memory_space<vmem>>, vector<16xf32>,
      tpu.vector_store %arg22[%swap3A_95], %broadcast_in_dim3A_12 {strides = array<i32>} : memref<304xf32, #tpu.memory_space<vmem>>, vector<16xf32>,
      %swap3A_97 = arith.constant 32 : index
      %swap3A_98 = tpu.vector_load %arg23[%swap3A_97] {strides = array<i32>} : memref<304xf32, #tpu.memory_space<vmem>>, vector<16xf32>,
      tpu.vector_store %arg23[%swap3A_97], %broadcast_in_dim3A_12 {strides = array<i32>} : memref<304xf32, #tpu.memory_space<vmem>>, vector<16xf32>,
      %swap3A_99 = arith.constant 32 : index
      %swap3A_100 = tpu.vector_load %arg24[%swap3A_99] {strides = array<i32>} : memref<304xf32, #tpu.memory_space<vmem>>, vector<16xf32>,
      tpu.vector_store %arg24[%swap3A_99], %broadcast_in_dim3A_12 {strides = array<i32>} : memref<304xf32, #tpu.memory_space<vmem>>, vector<16xf32>,
      %swap3A_101 = arith.constant 32 : index
      %swap3A_102 = tpu.vector_load %arg25[%swap3A_101] {strides = array<i32>} : memref<304xf32, #tpu.memory_space<vmem>>, vector<16xf32>,
      tpu.vector_store %arg25[%swap3A_101], %broadcast_in_dim3A_16 {strides = array<i32>} : memref<304xf32, #tpu.memory_space<vmem>>, vector<16xf32>,
      %swap3A_103 = arith.constant 48 : index
      %swap3A_104 = tpu.vector_load %arg15[%swap3A_103] {strides = array<i32>} : memref<304xf32, #tpu.memory_space<vmem>>, vector<16xf32>,
      tpu.vector_store %arg15[%swap3A_103], %broadcast_in_dim3A_12 {strides = array<i32>} : memref<304xf32, #tpu.memory_space<vmem>>, vector<16xf32>,
      %swap3A_105 = arith.constant 48 : index
      %swap3A_106 = tpu.vector_load %arg16[%swap3A_105] {strides = array<i32>} : memref<304xf32, #tpu.memory_space<vmem>>, vector<16xf32>,
      tpu.vector_store %arg16[%swap3A_105], %broadcast_in_dim3A_12 {strides = array<i32>} : memref<304xf32, #tpu.memory_space<vmem>>, vector<16xf32>,
      %swap3A_107 = arith.constant 48 : index
      %swap3A_108 = tpu.vector_load %arg17[%swap3A_107] {strides = array<i32>} : memref<304xf32, #tpu.memory_space<vmem>>, vector<16xf32>,
      tpu.vector_store %arg17[%swap3A_107], %broadcast_in_dim3A_12 {strides = array<i32>} : memref<304xf32, #tpu.memory_space<vmem>>, vector<16xf32>,
      %swap3A_109 = arith.constant 48 : index
      %swap3A_110 = tpu.vector_load %arg18[%swap3A_109] {strides = array<i32>} : memref<304xf32, #tpu.memory_space<vmem>>, vector<16xf32>,
      tpu.vector_store %arg18[%swap3A_109], %broadcast_in_dim3A_12 {strides = array<i32>} : memref<304xf32, #tpu.memory_space<vmem>>, vector<16xf32>,
      %swap3A_111 = arith.constant 48 : index
      %swap3A_112 = tpu.vector_load %arg19[%swap3A_111] {strides = array<i32>} : memref<304xf32, #tpu.memory_space<vmem>>, vector<16xf32>,
      tpu.vector_store %arg19[%swap3A_111], %broadcast_in_dim3A_12 {strides = array<i32>} : memref<304xf32, #tpu.memory_space<vmem>>, vector<16xf32>,
      %swap3A_113 = arith.constant 48 : index
      %swap3A_114 = tpu.vector_load %arg20[%swap3A_113] {strides = array<i32>} : memref<304xi32, #tpu.memory_space<vmem>>, vector<16xi32>,
      tpu.vector_store %arg20[%swap3A_113], %broadcast_in_dim3A_14 {strides = array<i32>} : memref<304xi32, #tpu.memory_space<vmem>>, vector<16xi32>,
      %swap3A_115 = arith.constant 48 : index
      %swap3A_116 = tpu.vector_load %arg21[%swap3A_115] {strides = array<i32>} : memref<304xf32, #tpu.memory_space<vmem>>, vector<16xf32>,
      tpu.vector_store %arg21[%swap3A_115], %broadcast_in_dim3A_12 {strides = array<i32>} : memref<304xf32, #tpu.memory_space<vmem>>, vector<16xf32>,
      %swap3A_117 = arith.constant 48 : index
      %swap3A_118 = tpu.vector_load %arg22[%swap3A_117] {strides = array<i32>} : memref<304xf32, #tpu.memory_space<vmem>>, vector<16xf32>,
      tpu.vector_store %arg22[%swap3A_117], %broadcast_in_dim3A_12 {strides = array<i32>} : memref<304xf32, #tpu.memory_space<vmem>>, vector<16xf32>,
      %swap3A_119 = arith.constant 48 : index
      %swap3A_120 = tpu.vector_load %arg23[%swap3A_119] {strides = array<i32>} : memref<304xf32, #tpu.memory_space<vmem>>, vector<16xf32>,
      tpu.vector_store %arg23[%swap3A_119], %broadcast_in_dim3A_12 {strides = array<i32>} : memref<304xf32, #tpu.memory_space<vmem>>, vector<16xf32>,
      %swap3A_121 = arith.constant 48 : index
      %swap3A_122 = tpu.vector_load %arg24[%swap3A_121] {strides = array<i32>} : memref<304xf32, #tpu.memory_space<vmem>>, vector<16xf32>,
      tpu.vector_store %arg24[%swap3A_121], %broadcast_in_dim3A_12 {strides = array<i32>} : memref<304xf32, #tpu.memory_space<vmem>>, vector<16xf32>,
      %swap3A_123 = arith.constant 48 : index
      %swap3A_124 = tpu.vector_load %arg25[%swap3A_123] {strides = array<i32>} : memref<304xf32, #tpu.memory_space<vmem>>, vector<16xf32>,
      tpu.vector_store %arg25[%swap3A_123], %broadcast_in_dim3A_16 {strides = array<i32>} : memref<304xf32, #tpu.memory_space<vmem>>, vector<16xf32>,
      %swap3A_125 = arith.constant 64 : index
      %swap3A_126 = tpu.vector_load %arg15[%swap3A_125] {strides = array<i32>} : memref<304xf32, #tpu.memory_space<vmem>>, vector<16xf32>,
      tpu.vector_store %arg15[%swap3A_125], %broadcast_in_dim3A_12 {strides = array<i32>} : memref<304xf32, #tpu.memory_space<vmem>>, vector<16xf32>,
      %swap3A_127 = arith.constant 64 : index
      %swap3A_128 = tpu.vector_load %arg16[%swap3A_127] {strides = array<i32>} : memref<304xf32, #tpu.memory_space<vmem>>, vector<16xf32>,
      tpu.vector_store %arg16[%swap3A_127], %broadcast_in_dim3A_12 {strides = array<i32>} : memref<304xf32, #tpu.memory_space<vmem>>, vector<16xf32>,
      %swap3A_129 = arith.constant 64 : index
      %swap3A_130 = tpu.vector_load %arg17[%swap3A_129] {strides = array<i32>} : memref<304xf32, #tpu.memory_space<vmem>>, vector<16xf32>,
      tpu.vector_store %arg17[%swap3A_129], %broadcast_in_dim3A_12 {strides = array<i32>} : memref<304xf32, #tpu.memory_space<vmem>>, vector<16xf32>,
      %swap3A_131 = arith.constant 64 : index
      %swap3A_132 = tpu.vector_load %arg18[%swap3A_131] {strides = array<i32>} : memref<304xf32, #tpu.memory_space<vmem>>, vector<16xf32>,
      tpu.vector_store %arg18[%swap3A_131], %broadcast_in_dim3A_12 {strides = array<i32>} : memref<304xf32, #tpu.memory_space<vmem>>, vector<16xf32>,
      %swap3A_133 = arith.constant 64 : index
      %swap3A_134 = tpu.vector_load %arg19[%swap3A_133] {strides = array<i32>} : memref<304xf32, #tpu.memory_space<vmem>>, vector<16xf32>,
      tpu.vector_store %arg19[%swap3A_133], %broadcast_in_dim3A_12 {strides = array<i32>} : memref<304xf32, #tpu.memory_space<vmem>>, vector<16xf32>,
      %swap3A_135 = arith.constant 64 : index
      %swap3A_136 = tpu.vector_load %arg20[%swap3A_135] {strides = array<i32>} : memref<304xi32, #tpu.memory_space<vmem>>, vector<16xi32>,
      tpu.vector_store %arg20[%swap3A_135], %broadcast_in_dim3A_14 {strides = array<i32>} : memref<304xi32, #tpu.memory_space<vmem>>, vector<16xi32>,
      %swap3A_137 = arith.constant 64 : index
      %swap3A_138 = tpu.vector_load %arg21[%swap3A_137] {strides = array<i32>} : memref<304xf32, #tpu.memory_space<vmem>>, vector<16xf32>,
      tpu.vector_store %arg21[%swap3A_137], %broadcast_in_dim3A_12 {strides = array<i32>} : memref<304xf32, #tpu.memory_space<vmem>>, vector<16xf32>,
      %swap3A_139 = arith.constant 64 : index
      %swap3A_140 = tpu.vector_load %arg22[%swap3A_139] {strides = array<i32>} : memref<304xf32, #tpu.memory_space<vmem>>, vector<16xf32>,
      tpu.vector_store %arg22[%swap3A_139], %broadcast_in_dim3A_12 {strides = array<i32>} : memref<304xf32, #tpu.memory_space<vmem>>, vector<16xf32>,
      %swap3A_141 = arith.constant 64 : index
      %swap3A_142 = tpu.vector_load %arg23[%swap3A_141] {strides = array<i32>} : memref<304xf32, #tpu.memory_space<vmem>>, vector<16xf32>,
      tpu.vector_store %arg23[%swap3A_141], %broadcast_in_dim3A_12 {strides = array<i32>} : memref<304xf32, #tpu.memory_space<vmem>>, vector<16xf32>,
      %swap3A_143 = arith.constant 64 : index
      %swap3A_144 = tpu.vector_load %arg24[%swap3A_143] {strides = array<i32>} : memref<304xf32, #tpu.memory_space<vmem>>, vector<16xf32>,
      tpu.vector_store %arg24[%swap3A_143], %broadcast_in_dim3A_12 {strides = array<i32>} : memref<304xf32, #tpu.memory_space<vmem>>, vector<16xf32>,
      %swap3A_145 = arith.constant 64 : index
      %swap3A_146 = tpu.vector_load %arg25[%swap3A_145] {strides = array<i32>} : memref<304xf32, #tpu.memory_space<vmem>>, vector<16xf32>,
      tpu.vector_store %arg25[%swap3A_145], %broadcast_in_dim3A_16 {strides = array<i32>} : memref<304xf32, #tpu.memory_space<vmem>>, vector<16xf32>,
      %swap3A_147 = arith.constant 80 : index
      %swap3A_148 = tpu.vector_load %arg15[%swap3A_147] {strides = array<i32>} : memref<304xf32, #tpu.memory_space<vmem>>, vector<16xf32>,
      tpu.vector_store %arg15[%swap3A_147], %broadcast_in_dim3A_12 {strides = array<i32>} : memref<304xf32, #tpu.memory_space<vmem>>, vector<16xf32>,
      %swap3A_149 = arith.constant 80 : index
      %swap3A_150 = tpu.vector_load %arg16[%swap3A_149] {strides = array<i32>} : memref<304xf32, #tpu.memory_space<vmem>>, vector<16xf32>,
      tpu.vector_store %arg16[%swap3A_149], %broadcast_in_dim3A_12 {strides = array<i32>} : memref<304xf32, #tpu.memory_space<vmem>>, vector<16xf32>,
      %swap3A_151 = arith.constant 80 : index
      %swap3A_152 = tpu.vector_load %arg17[%swap3A_151] {strides = array<i32>} : memref<304xf32, #tpu.memory_space<vmem>>, vector<16xf32>,
      tpu.vector_store %arg17[%swap3A_151], %broadcast_in_dim3A_12 {strides = array<i32>} : memref<304xf32, #tpu.memory_space<vmem>>, vector<16xf32>,
      %swap3A_153 = arith.constant 80 : index
      %swap3A_154 = tpu.vector_load %arg18[%swap3A_153] {strides = array<i32>} : memref<304xf32, #tpu.memory_space<vmem>>, vector<16xf32>,
      tpu.vector_store %arg18[%swap3A_153], %broadcast_in_dim3A_12 {strides = array<i32>} : memref<304xf32, #tpu.memory_space<vmem>>, vector<16xf32>,
      %swap3A_155 = arith.constant 80 : index
      %swap3A_156 = tpu.vector_load %arg19[%swap3A_155] {strides = array<i32>} : memref<304xf32, #tpu.memory_space<vmem>>, vector<16xf32>,
      tpu.vector_store %arg19[%swap3A_155], %broadcast_in_dim3A_12 {strides = array<i32>} : memref<304xf32, #tpu.memory_space<vmem>>, vector<16xf32>,
      %swap3A_157 = arith.constant 80 : index
      %swap3A_158 = tpu.vector_load %arg20[%swap3A_157] {strides = array<i32>} : memref<304xi32, #tpu.memory_space<vmem>>, vector<16xi32>,
      tpu.vector_store %arg20[%swap3A_157], %broadcast_in_dim3A_14 {strides = array<i32>} : memref<304xi32, #tpu.memory_space<vmem>>, vector<16xi32>,
      %swap3A_159 = arith.constant 80 : index
      %swap3A_160 = tpu.vector_load %arg21[%swap3A_159] {strides = array<i32>} : memref<304xf32, #tpu.memory_space<vmem>>, vector<16xf32>,
      tpu.vector_store %arg21[%swap3A_159], %broadcast_in_dim3A_12 {strides = array<i32>} : memref<304xf32, #tpu.memory_space<vmem>>, vector<16xf32>,
      %swap3A_161 = arith.constant 80 : index
      %swap3A_162 = tpu.vector_load %arg22[%swap3A_161] {strides = array<i32>} : memref<304xf32, #tpu.memory_space<vmem>>, vector<16xf32>,
      tpu.vector_store %arg22[%swap3A_161], %broadcast_in_dim3A_12 {strides = array<i32>} : memref<304xf32, #tpu.memory_space<vmem>>, vector<16xf32>,
      %swap3A_163 = arith.constant 80 : index
      %swap3A_164 = tpu.vector_load %arg23[%swap3A_163] {strides = array<i32>} : memref<304xf32, #tpu.memory_space<vmem>>, vector<16xf32>,
      tpu.vector_store %arg23[%swap3A_163], %broadcast_in_dim3A_12 {strides = array<i32>} : memref<304xf32, #tpu.memory_space<vmem>>, vector<16xf32>,
      %swap3A_165 = arith.constant 80 : index
      %swap3A_166 = tpu.vector_load %arg24[%swap3A_165] {strides = array<i32>} : memref<304xf32, #tpu.memory_space<vmem>>, vector<16xf32>,
      tpu.vector_store %arg24[%swap3A_165], %broadcast_in_dim3A_12 {strides = array<i32>} : memref<304xf32, #tpu.memory_space<vmem>>, vector<16xf32>,
      %swap3A_167 = arith.constant 80 : index
      %swap3A_168 = tpu.vector_load %arg25[%swap3A_167] {strides = array<i32>} : memref<304xf32, #tpu.memory_space<vmem>>, vector<16xf32>,
      tpu.vector_store %arg25[%swap3A_167], %broadcast_in_dim3A_16 {strides = array<i32>} : memref<304xf32, #tpu.memory_space<vmem>>, vector<16xf32>,
      %swap3A_169 = arith.constant 96 : index
      %swap3A_170 = tpu.vector_load %arg15[%swap3A_169] {strides = array<i32>} : memref<304xf32, #tpu.memory_space<vmem>>, vector<16xf32>,
      tpu.vector_store %arg15[%swap3A_169], %broadcast_in_dim3A_12 {strides = array<i32>} : memref<304xf32, #tpu.memory_space<vmem>>, vector<16xf32>,
      %swap3A_171 = arith.constant 96 : index
      %swap3A_172 = tpu.vector_load %arg16[%swap3A_171] {strides = array<i32>} : memref<304xf32, #tpu.memory_space<vmem>>, vector<16xf32>,
      tpu.vector_store %arg16[%swap3A_171], %broadcast_in_dim3A_12 {strides = array<i32>} : memref<304xf32, #tpu.memory_space<vmem>>, vector<16xf32>,
      %swap3A_173 = arith.constant 96 : index
      %swap3A_174 = tpu.vector_load %arg17[%swap3A_173] {strides = array<i32>} : memref<304xf32, #tpu.memory_space<vmem>>, vector<16xf32>,
      tpu.vector_store %arg17[%swap3A_173], %broadcast_in_dim3A_12 {strides = array<i32>} : memref<304xf32, #tpu.memory_space<vmem>>, vector<16xf32>,
      %swap3A_175 = arith.constant 96 : index
      %swap3A_176 = tpu.vector_load %arg18[%swap3A_175] {strides = array<i32>} : memref<304xf32, #tpu.memory_space<vmem>>, vector<16xf32>,
      tpu.vector_store %arg18[%swap3A_175], %broadcast_in_dim3A_12 {strides = array<i32>} : memref<304xf32, #tpu.memory_space<vmem>>, vector<16xf32>,
      %swap3A_177 = arith.constant 96 : index
      %swap3A_178 = tpu.vector_load %arg19[%swap3A_177] {strides = array<i32>} : memref<304xf32, #tpu.memory_space<vmem>>, vector<16xf32>,
      tpu.vector_store %arg19[%swap3A_177], %broadcast_in_dim3A_12 {strides = array<i32>} : memref<304xf32, #tpu.memory_space<vmem>>, vector<16xf32>,
      %swap3A_179 = arith.constant 96 : index
      %swap3A_180 = tpu.vector_load %arg20[%swap3A_179] {strides = array<i32>} : memref<304xi32, #tpu.memory_space<vmem>>, vector<16xi32>,
      tpu.vector_store %arg20[%swap3A_179], %broadcast_in_dim3A_14 {strides = array<i32>} : memref<304xi32, #tpu.memory_space<vmem>>, vector<16xi32>,
      %swap3A_181 = arith.constant 96 : index
      %swap3A_182 = tpu.vector_load %arg21[%swap3A_181] {strides = array<i32>} : memref<304xf32, #tpu.memory_space<vmem>>, vector<16xf32>,
      tpu.vector_store %arg21[%swap3A_181], %broadcast_in_dim3A_12 {strides = array<i32>} : memref<304xf32, #tpu.memory_space<vmem>>, vector<16xf32>,
      %swap3A_183 = arith.constant 96 : index
      %swap3A_184 = tpu.vector_load %arg22[%swap3A_183] {strides = array<i32>} : memref<304xf32, #tpu.memory_space<vmem>>, vector<16xf32>,
      tpu.vector_store %arg22[%swap3A_183], %broadcast_in_dim3A_12 {strides = array<i32>} : memref<304xf32, #tpu.memory_space<vmem>>, vector<16xf32>,
      %swap3A_185 = arith.constant 96 : index
      %swap3A_186 = tpu.vector_load %arg23[%swap3A_185] {strides = array<i32>} : memref<304xf32, #tpu.memory_space<vmem>>, vector<16xf32>,
      tpu.vector_store %arg23[%swap3A_185], %broadcast_in_dim3A_12 {strides = array<i32>} : memref<304xf32, #tpu.memory_space<vmem>>, vector<16xf32>,
      %swap3A_187 = arith.constant 96 : index
      %swap3A_188 = tpu.vector_load %arg24[%swap3A_187] {strides = array<i32>} : memref<304xf32, #tpu.memory_space<vmem>>, vector<16xf32>,
      tpu.vector_store %arg24[%swap3A_187], %broadcast_in_dim3A_12 {strides = array<i32>} : memref<304xf32, #tpu.memory_space<vmem>>, vector<16xf32>,
      %swap3A_189 = arith.constant 96 : index
      %swap3A_190 = tpu.vector_load %arg25[%swap3A_189] {strides = array<i32>} : memref<304xf32, #tpu.memory_space<vmem>>, vector<16xf32>,
      tpu.vector_store %arg25[%swap3A_189], %broadcast_in_dim3A_16 {strides = array<i32>} : memref<304xf32, #tpu.memory_space<vmem>>, vector<16xf32>,
      %swap3A_191 = arith.constant 112 : index
      %swap3A_192 = tpu.vector_load %arg15[%swap3A_191] {strides = array<i32>} : memref<304xf32, #tpu.memory_space<vmem>>, vector<16xf32>,
      tpu.vector_store %arg15[%swap3A_191], %broadcast_in_dim3A_12 {strides = array<i32>} : memref<304xf32, #tpu.memory_space<vmem>>, vector<16xf32>,
      %swap3A_193 = arith.constant 112 : index
      %swap3A_194 = tpu.vector_load %arg16[%swap3A_193] {strides = array<i32>} : memref<304xf32, #tpu.memory_space<vmem>>, vector<16xf32>,
      tpu.vector_store %arg16[%swap3A_193], %broadcast_in_dim3A_12 {strides = array<i32>} : memref<304xf32, #tpu.memory_space<vmem>>, vector<16xf32>,
      %swap3A_195 = arith.constant 112 : index
      %swap3A_196 = tpu.vector_load %arg17[%swap3A_195] {strides = array<i32>} : memref<304xf32, #tpu.memory_space<vmem>>, vector<16xf32>,
      tpu.vector_store %arg17[%swap3A_195], %broadcast_in_dim3A_12 {strides = array<i32>} : memref<304xf32, #tpu.memory_space<vmem>>, vector<16xf32>,
      %swap3A_197 = arith.constant 112 : index
      %swap3A_198 = tpu.vector_load %arg18[%swap3A_197] {strides = array<i32>} : memref<304xf32, #tpu.memory_space<vmem>>, vector<16xf32>,
      tpu.vector_store %arg18[%swap3A_197], %broadcast_in_dim3A_12 {strides = array<i32>} : memref<304xf32, #tpu.memory_space<vmem>>, vector<16xf32>,
      %swap3A_199 = arith.constant 112 : index
      %swap3A_200 = tpu.vector_load %arg19[%swap3A_199] {strides = array<i32>} : memref<304xf32, #tpu.memory_space<vmem>>, vector<16xf32>,
      tpu.vector_store %arg19[%swap3A_199], %broadcast_in_dim3A_12 {strides = array<i32>} : memref<304xf32, #tpu.memory_space<vmem>>, vector<16xf32>,
      %swap3A_201 = arith.constant 112 : index
      %swap3A_202 = tpu.vector_load %arg20[%swap3A_201] {strides = array<i32>} : memref<304xi32, #tpu.memory_space<vmem>>, vector<16xi32>,
      tpu.vector_store %arg20[%swap3A_201], %broadcast_in_dim3A_14 {strides = array<i32>} : memref<304xi32, #tpu.memory_space<vmem>>, vector<16xi32>,
      %swap3A_203 = arith.constant 112 : index
      %swap3A_204 = tpu.vector_load %arg21[%swap3A_203] {strides = array<i32>} : memref<304xf32, #tpu.memory_space<vmem>>, vector<16xf32>,
      tpu.vector_store %arg21[%swap3A_203], %broadcast_in_dim3A_12 {strides = array<i32>} : memref<304xf32, #tpu.memory_space<vmem>>, vector<16xf32>,
      %swap3A_205 = arith.constant 112 : index
      %swap3A_206 = tpu.vector_load %arg22[%swap3A_205] {strides = array<i32>} : memref<304xf32, #tpu.memory_space<vmem>>, vector<16xf32>,
      tpu.vector_store %arg22[%swap3A_205], %broadcast_in_dim3A_12 {strides = array<i32>} : memref<304xf32, #tpu.memory_space<vmem>>, vector<16xf32>,
      %swap3A_207 = arith.constant 112 : index
      %swap3A_208 = tpu.vector_load %arg23[%swap3A_207] {strides = array<i32>} : memref<304xf32, #tpu.memory_space<vmem>>, vector<16xf32>,
      tpu.vector_store %arg23[%swap3A_207], %broadcast_in_dim3A_12 {strides = array<i32>} : memref<304xf32, #tpu.memory_space<vmem>>, vector<16xf32>,
      %swap3A_209 = arith.constant 112 : index
      %swap3A_210 = tpu.vector_load %arg24[%swap3A_209] {strides = array<i32>} : memref<304xf32, #tpu.memory_space<vmem>>, vector<16xf32>,
      tpu.vector_store %arg24[%swap3A_209], %broadcast_in_dim3A_12 {strides = array<i32>} : memref<304xf32, #tpu.memory_space<vmem>>, vector<16xf32>,
      %swap3A_211 = arith.constant 112 : index
      %swap3A_212 = tpu.vector_load %arg25[%swap3A_211] {strides = array<i32>} : memref<304xf32, #tpu.memory_space<vmem>>, vector<16xf32>,
      tpu.vector_store %arg25[%swap3A_211], %broadcast_in_dim3A_16 {strides = array<i32>} : memref<304xf32, #tpu.memory_space<vmem>>, vector<16xf32>,
      %swap3A_213 = arith.constant 128 : index
      %swap3A_214 = tpu.vector_load %arg15[%swap3A_213] {strides = array<i32>} : memref<304xf32, #tpu.memory_space<vmem>>, vector<16xf32>,
      tpu.vector_store %arg15[%swap3A_213], %broadcast_in_dim3A_12 {strides = array<i32>} : memref<304xf32, #tpu.memory_space<vmem>>, vector<16xf32>,
      %swap3A_215 = arith.constant 128 : index
      %swap3A_216 = tpu.vector_load %arg16[%swap3A_215] {strides = array<i32>} : memref<304xf32, #tpu.memory_space<vmem>>, vector<16xf32>,
      tpu.vector_store %arg16[%swap3A_215], %broadcast_in_dim3A_12 {strides = array<i32>} : memref<304xf32, #tpu.memory_space<vmem>>, vector<16xf32>,
      %swap3A_217 = arith.constant 128 : index
      %swap3A_218 = tpu.vector_load %arg17[%swap3A_217] {strides = array<i32>} : memref<304xf32, #tpu.memory_space<vmem>>, vector<16xf32>,
      tpu.vector_store %arg17[%swap3A_217], %broadcast_in_dim3A_12 {strides = array<i32>} : memref<304xf32, #tpu.memory_space<vmem>>, vector<16xf32>,
      %swap3A_219 = arith.constant 128 : index
      %swap3A_220 = tpu.vector_load %arg18[%swap3A_219] {strides = array<i32>} : memref<304xf32, #tpu.memory_space<vmem>>, vector<16xf32>,
      tpu.vector_store %arg18[%swap3A_219], %broadcast_in_dim3A_12 {strides = array<i32>} : memref<304xf32, #tpu.memory_space<vmem>>, vector<16xf32>,
      %swap3A_221 = arith.constant 128 : index
      %swap3A_222 = tpu.vector_load %arg19[%swap3A_221] {strides = array<i32>} : memref<304xf32, #tpu.memory_space<vmem>>, vector<16xf32>,
      tpu.vector_store %arg19[%swap3A_221], %broadcast_in_dim3A_12 {strides = array<i32>} : memref<304xf32, #tpu.memory_space<vmem>>, vector<16xf32>,
      %swap3A_223 = arith.constant 128 : index
      %swap3A_224 = tpu.vector_load %arg20[%swap3A_223] {strides = array<i32>} : memref<304xi32, #tpu.memory_space<vmem>>, vector<16xi32>,
      tpu.vector_store %arg20[%swap3A_223], %broadcast_in_dim3A_14 {strides = array<i32>} : memref<304xi32, #tpu.memory_space<vmem>>, vector<16xi32>,
      %swap3A_225 = arith.constant 128 : index
      %swap3A_226 = tpu.vector_load %arg21[%swap3A_225] {strides = array<i32>} : memref<304xf32, #tpu.memory_space<vmem>>, vector<16xf32>,
      tpu.vector_store %arg21[%swap3A_225], %broadcast_in_dim3A_12 {strides = array<i32>} : memref<304xf32, #tpu.memory_space<vmem>>, vector<16xf32>,
      %swap3A_227 = arith.constant 128 : index
      %swap3A_228 = tpu.vector_load %arg22[%swap3A_227] {strides = array<i32>} : memref<304xf32, #tpu.memory_space<vmem>>, vector<16xf32>,
      tpu.vector_store %arg22[%swap3A_227], %broadcast_in_dim3A_12 {strides = array<i32>} : memref<304xf32, #tpu.memory_space<vmem>>, vector<16xf32>,
      %swap3A_229 = arith.constant 128 : index
      %swap3A_230 = tpu.vector_load %arg23[%swap3A_229] {strides = array<i32>} : memref<304xf32, #tpu.memory_space<vmem>>, vector<16xf32>,
      tpu.vector_store %arg23[%swap3A_229], %broadcast_in_dim3A_12 {strides = array<i32>} : memref<304xf32, #tpu.memory_space<vmem>>, vector<16xf32>,
      %swap3A_231 = arith.constant 128 : index
      %swap3A_232 = tpu.vector_load %arg24[%swap3A_231] {strides = array<i32>} : memref<304xf32, #tpu.memory_space<vmem>>, vector<16xf32>,
      tpu.vector_store %arg24[%swap3A_231], %broadcast_in_dim3A_12 {strides = array<i32>} : memref<304xf32, #tpu.memory_space<vmem>>, vector<16xf32>,
      %swap3A_233 = arith.constant 128 : index
      %swap3A_234 = tpu.vector_load %arg25[%swap3A_233] {strides = array<i32>} : memref<304xf32, #tpu.memory_space<vmem>>, vector<16xf32>,
      tpu.vector_store %arg25[%swap3A_233], %broadcast_in_dim3A_16 {strides = array<i32>} : memref<304xf32, #tpu.memory_space<vmem>>, vector<16xf32>,
      %swap3A_235 = arith.constant 144 : index
      %swap3A_236 = tpu.vector_load %arg15[%swap3A_235] {strides = array<i32>} : memref<304xf32, #tpu.memory_space<vmem>>, vector<16xf32>,
      tpu.vector_store %arg15[%swap3A_235], %broadcast_in_dim3A_12 {strides = array<i32>} : memref<304xf32, #tpu.memory_space<vmem>>, vector<16xf32>,
      %swap3A_237 = arith.constant 144 : index
      %swap3A_238 = tpu.vector_load %arg16[%swap3A_237] {strides = array<i32>} : memref<304xf32, #tpu.memory_space<vmem>>, vector<16xf32>,
      tpu.vector_store %arg16[%swap3A_237], %broadcast_in_dim3A_12 {strides = array<i32>} : memref<304xf32, #tpu.memory_space<vmem>>, vector<16xf32>,
      %swap3A_239 = arith.constant 144 : index
      %swap3A_240 = tpu.vector_load %arg17[%swap3A_239] {strides = array<i32>} : memref<304xf32, #tpu.memory_space<vmem>>, vector<16xf32>,
      tpu.vector_store %arg17[%swap3A_239], %broadcast_in_dim3A_12 {strides = array<i32>} : memref<304xf32, #tpu.memory_space<vmem>>, vector<16xf32>,
      %swap3A_241 = arith.constant 144 : index
      %swap3A_242 = tpu.vector_load %arg18[%swap3A_241] {strides = array<i32>} : memref<304xf32, #tpu.memory_space<vmem>>, vector<16xf32>,
      tpu.vector_store %arg18[%swap3A_241], %broadcast_in_dim3A_12 {strides = array<i32>} : memref<304xf32, #tpu.memory_space<vmem>>, vector<16xf32>,
      %swap3A_243 = arith.constant 144 : index
      %swap3A_244 = tpu.vector_load %arg19[%swap3A_243] {strides = array<i32>} : memref<304xf32, #tpu.memory_space<vmem>>, vector<16xf32>,
      tpu.vector_store %arg19[%swap3A_243], %broadcast_in_dim3A_12 {strides = array<i32>} : memref<304xf32, #tpu.memory_space<vmem>>, vector<16xf32>,
      %swap3A_245 = arith.constant 144 : index
      %swap3A_246 = tpu.vector_load %arg20[%swap3A_245] {strides = array<i32>} : memref<304xi32, #tpu.memory_space<vmem>>, vector<16xi32>,
      tpu.vector_store %arg20[%swap3A_245], %broadcast_in_dim3A_14 {strides = array<i32>} : memref<304xi32, #tpu.memory_space<vmem>>, vector<16xi32>,
      %swap3A_247 = arith.constant 144 : index
      %swap3A_248 = tpu.vector_load %arg21[%swap3A_247] {strides = array<i32>} : memref<304xf32, #tpu.memory_space<vmem>>, vector<16xf32>,
      tpu.vector_store %arg21[%swap3A_247], %broadcast_in_dim3A_12 {strides = array<i32>} : memref<304xf32, #tpu.memory_space<vmem>>, vector<16xf32>,
      %swap3A_249 = arith.constant 144 : index
      %swap3A_250 = tpu.vector_load %arg22[%swap3A_249] {strides = array<i32>} : memref<304xf32, #tpu.memory_space<vmem>>, vector<16xf32>,
      tpu.vector_store %arg22[%swap3A_249], %broadcast_in_dim3A_12 {strides = array<i32>} : memref<304xf32, #tpu.memory_space<vmem>>, vector<16xf32>,
      %swap3A_251 = arith.constant 144 : index
      %swap3A_252 = tpu.vector_load %arg23[%swap3A_251] {strides = array<i32>} : memref<304xf32, #tpu.memory_space<vmem>>, vector<16xf32>,
      tpu.vector_store %arg23[%swap3A_251], %broadcast_in_dim3A_12 {strides = array<i32>} : memref<304xf32, #tpu.memory_space<vmem>>, vector<16xf32>,
      %swap3A_253 = arith.constant 144 : index
      %swap3A_254 = tpu.vector_load %arg24[%swap3A_253] {strides = array<i32>} : memref<304xf32, #tpu.memory_space<vmem>>, vector<16xf32>,
      tpu.vector_store %arg24[%swap3A_253], %broadcast_in_dim3A_12 {strides = array<i32>} : memref<304xf32, #tpu.memory_space<vmem>>, vector<16xf32>,
      %swap3A_255 = arith.constant 144 : index
      %swap3A_256 = tpu.vector_load %arg25[%swap3A_255] {strides = array<i32>} : memref<304xf32, #tpu.memory_space<vmem>>, vector<16xf32>,
      tpu.vector_store %arg25[%swap3A_255], %broadcast_in_dim3A_16 {strides = array<i32>} : memref<304xf32, #tpu.memory_space<vmem>>, vector<16xf32>,
      %swap3A_257 = arith.constant 160 : index
      %swap3A_258 = tpu.vector_load %arg15[%swap3A_257] {strides = array<i32>} : memref<304xf32, #tpu.memory_space<vmem>>, vector<16xf32>,
      tpu.vector_store %arg15[%swap3A_257], %broadcast_in_dim3A_12 {strides = array<i32>} : memref<304xf32, #tpu.memory_space<vmem>>, vector<16xf32>,
      %swap3A_259 = arith.constant 160 : index
      %swap3A_260 = tpu.vector_load %arg16[%swap3A_259] {strides = array<i32>} : memref<304xf32, #tpu.memory_space<vmem>>, vector<16xf32>,
      tpu.vector_store %arg16[%swap3A_259], %broadcast_in_dim3A_12 {strides = array<i32>} : memref<304xf32, #tpu.memory_space<vmem>>, vector<16xf32>,
      %swap3A_261 = arith.constant 160 : index
      %swap3A_262 = tpu.vector_load %arg17[%swap3A_261] {strides = array<i32>} : memref<304xf32, #tpu.memory_space<vmem>>, vector<16xf32>,
      tpu.vector_store %arg17[%swap3A_261], %broadcast_in_dim3A_12 {strides = array<i32>} : memref<304xf32, #tpu.memory_space<vmem>>, vector<16xf32>,
      %swap3A_263 = arith.constant 160 : index
      %swap3A_264 = tpu.vector_load %arg18[%swap3A_263] {strides = array<i32>} : memref<304xf32, #tpu.memory_space<vmem>>, vector<16xf32>,
      tpu.vector_store %arg18[%swap3A_263], %broadcast_in_dim3A_12 {strides = array<i32>} : memref<304xf32, #tpu.memory_space<vmem>>, vector<16xf32>,
      %swap3A_265 = arith.constant 160 : index
      %swap3A_266 = tpu.vector_load %arg19[%swap3A_265] {strides = array<i32>} : memref<304xf32, #tpu.memory_space<vmem>>, vector<16xf32>,
      tpu.vector_store %arg19[%swap3A_265], %broadcast_in_dim3A_12 {strides = array<i32>} : memref<304xf32, #tpu.memory_space<vmem>>, vector<16xf32>,
      %swap3A_267 = arith.constant 160 : index
      %swap3A_268 = tpu.vector_load %arg20[%swap3A_267] {strides = array<i32>} : memref<304xi32, #tpu.memory_space<vmem>>, vector<16xi32>,
      tpu.vector_store %arg20[%swap3A_267], %broadcast_in_dim3A_14 {strides = array<i32>} : memref<304xi32, #tpu.memory_space<vmem>>, vector<16xi32>,
      %swap3A_269 = arith.constant 160 : index
      %swap3A_270 = tpu.vector_load %arg21[%swap3A_269] {strides = array<i32>} : memref<304xf32, #tpu.memory_space<vmem>>, vector<16xf32>,
      tpu.vector_store %arg21[%swap3A_269], %broadcast_in_dim3A_12 {strides = array<i32>} : memref<304xf32, #tpu.memory_space<vmem>>, vector<16xf32>,
      %swap3A_271 = arith.constant 160 : index
      %swap3A_272 = tpu.vector_load %arg22[%swap3A_271] {strides = array<i32>} : memref<304xf32, #tpu.memory_space<vmem>>, vector<16xf32>,
      tpu.vector_store %arg22[%swap3A_271], %broadcast_in_dim3A_12 {strides = array<i32>} : memref<304xf32, #tpu.memory_space<vmem>>, vector<16xf32>,
      %swap3A_273 = arith.constant 160 : index
      %swap3A_274 = tpu.vector_load %arg23[%swap3A_273] {strides = array<i32>} : memref<304xf32, #tpu.memory_space<vmem>>, vector<16xf32>,
      tpu.vector_store %arg23[%swap3A_273], %broadcast_in_dim3A_12 {strides = array<i32>} : memref<304xf32, #tpu.memory_space<vmem>>, vector<16xf32>,
      %swap3A_275 = arith.constant 160 : index
      %swap3A_276 = tpu.vector_load %arg24[%swap3A_275] {strides = array<i32>} : memref<304xf32, #tpu.memory_space<vmem>>, vector<16xf32>,
      tpu.vector_store %arg24[%swap3A_275], %broadcast_in_dim3A_12 {strides = array<i32>} : memref<304xf32, #tpu.memory_space<vmem>>, vector<16xf32>,
      %swap3A_277 = arith.constant 160 : index
      %swap3A_278 = tpu.vector_load %arg25[%swap3A_277] {strides = array<i32>} : memref<304xf32, #tpu.memory_space<vmem>>, vector<16xf32>,
      tpu.vector_store %arg25[%swap3A_277], %broadcast_in_dim3A_16 {strides = array<i32>} : memref<304xf32, #tpu.memory_space<vmem>>, vector<16xf32>,
      %swap3A_279 = arith.constant 176 : index
      %swap3A_280 = tpu.vector_load %arg15[%swap3A_279] {strides = array<i32>} : memref<304xf32, #tpu.memory_space<vmem>>, vector<16xf32>,
      tpu.vector_store %arg15[%swap3A_279], %broadcast_in_dim3A_12 {strides = array<i32>} : memref<304xf32, #tpu.memory_space<vmem>>, vector<16xf32>,
      %swap3A_281 = arith.constant 176 : index
      %swap3A_282 = tpu.vector_load %arg16[%swap3A_281] {strides = array<i32>} : memref<304xf32, #tpu.memory_space<vmem>>, vector<16xf32>,
      tpu.vector_store %arg16[%swap3A_281], %broadcast_in_dim3A_12 {strides = array<i32>} : memref<304xf32, #tpu.memory_space<vmem>>, vector<16xf32>,
      %swap3A_283 = arith.constant 176 : index
      %swap3A_284 = tpu.vector_load %arg17[%swap3A_283] {strides = array<i32>} : memref<304xf32, #tpu.memory_space<vmem>>, vector<16xf32>,
      tpu.vector_store %arg17[%swap3A_283], %broadcast_in_dim3A_12 {strides = array<i32>} : memref<304xf32, #tpu.memory_space<vmem>>, vector<16xf32>,
      %swap3A_285 = arith.constant 176 : index
      %swap3A_286 = tpu.vector_load %arg18[%swap3A_285] {strides = array<i32>} : memref<304xf32, #tpu.memory_space<vmem>>, vector<16xf32>,
      tpu.vector_store %arg18[%swap3A_285], %broadcast_in_dim3A_12 {strides = array<i32>} : memref<304xf32, #tpu.memory_space<vmem>>, vector<16xf32>,
      %swap3A_287 = arith.constant 176 : index
      %swap3A_288 = tpu.vector_load %arg19[%swap3A_287] {strides = array<i32>} : memref<304xf32, #tpu.memory_space<vmem>>, vector<16xf32>,
      tpu.vector_store %arg19[%swap3A_287], %broadcast_in_dim3A_12 {strides = array<i32>} : memref<304xf32, #tpu.memory_space<vmem>>, vector<16xf32>,
      %swap3A_289 = arith.constant 176 : index
      %swap3A_290 = tpu.vector_load %arg20[%swap3A_289] {strides = array<i32>} : memref<304xi32, #tpu.memory_space<vmem>>, vector<16xi32>,
      tpu.vector_store %arg20[%swap3A_289], %broadcast_in_dim3A_14 {strides = array<i32>} : memref<304xi32, #tpu.memory_space<vmem>>, vector<16xi32>,
      %swap3A_291 = arith.constant 176 : index
      %swap3A_292 = tpu.vector_load %arg21[%swap3A_291] {strides = array<i32>} : memref<304xf32, #tpu.memory_space<vmem>>, vector<16xf32>,
      tpu.vector_store %arg21[%swap3A_291], %broadcast_in_dim3A_12 {strides = array<i32>} : memref<304xf32, #tpu.memory_space<vmem>>, vector<16xf32>,
      %swap3A_293 = arith.constant 176 : index
      %swap3A_294 = tpu.vector_load %arg22[%swap3A_293] {strides = array<i32>} : memref<304xf32, #tpu.memory_space<vmem>>, vector<16xf32>,
      tpu.vector_store %arg22[%swap3A_293], %broadcast_in_dim3A_12 {strides = array<i32>} : memref<304xf32, #tpu.memory_space<vmem>>, vector<16xf32>,
      %swap3A_295 = arith.constant 176 : index
      %swap3A_296 = tpu.vector_load %arg23[%swap3A_295] {strides = array<i32>} : memref<304xf32, #tpu.memory_space<vmem>>, vector<16xf32>,
      tpu.vector_store %arg23[%swap3A_295], %broadcast_in_dim3A_12 {strides = array<i32>} : memref<304xf32, #tpu.memory_space<vmem>>, vector<16xf32>,
      %swap3A_297 = arith.constant 176 : index
      %swap3A_298 = tpu.vector_load %arg24[%swap3A_297] {strides = array<i32>} : memref<304xf32, #tpu.memory_space<vmem>>, vector<16xf32>,
      tpu.vector_store %arg24[%swap3A_297], %broadcast_in_dim3A_12 {strides = array<i32>} : memref<304xf32, #tpu.memory_space<vmem>>, vector<16xf32>,
      %swap3A_299 = arith.constant 176 : index
      %swap3A_300 = tpu.vector_load %arg25[%swap3A_299] {strides = array<i32>} : memref<304xf32, #tpu.memory_space<vmem>>, vector<16xf32>,
      tpu.vector_store %arg25[%swap3A_299], %broadcast_in_dim3A_16 {strides = array<i32>} : memref<304xf32, #tpu.memory_space<vmem>>, vector<16xf32>,
      %swap3A_301 = arith.constant 192 : index
      %swap3A_302 = tpu.vector_load %arg15[%swap3A_301] {strides = array<i32>} : memref<304xf32, #tpu.memory_space<vmem>>, vector<16xf32>,
      tpu.vector_store %arg15[%swap3A_301], %broadcast_in_dim3A_12 {strides = array<i32>} : memref<304xf32, #tpu.memory_space<vmem>>, vector<16xf32>,
      %swap3A_303 = arith.constant 192 : index
      %swap3A_304 = tpu.vector_load %arg16[%swap3A_303] {strides = array<i32>} : memref<304xf32, #tpu.memory_space<vmem>>, vector<16xf32>,
      tpu.vector_store %arg16[%swap3A_303], %broadcast_in_dim3A_12 {strides = array<i32>} : memref<304xf32, #tpu.memory_space<vmem>>, vector<16xf32>,
      %swap3A_305 = arith.constant 192 : index
      %swap3A_306 = tpu.vector_load %arg17[%swap3A_305] {strides = array<i32>} : memref<304xf32, #tpu.memory_space<vmem>>, vector<16xf32>,
      tpu.vector_store %arg17[%swap3A_305], %broadcast_in_dim3A_12 {strides = array<i32>} : memref<304xf32, #tpu.memory_space<vmem>>, vector<16xf32>,
      %swap3A_307 = arith.constant 192 : index
      %swap3A_308 = tpu.vector_load %arg18[%swap3A_307] {strides = array<i32>} : memref<304xf32, #tpu.memory_space<vmem>>, vector<16xf32>,
      tpu.vector_store %arg18[%swap3A_307], %broadcast_in_dim3A_12 {strides = array<i32>} : memref<304xf32, #tpu.memory_space<vmem>>, vector<16xf32>,
      %swap3A_309 = arith.constant 192 : index
      %swap3A_310 = tpu.vector_load %arg19[%swap3A_309] {strides = array<i32>} : memref<304xf32, #tpu.memory_space<vmem>>, vector<16xf32>,
      tpu.vector_store %arg19[%swap3A_309], %broadcast_in_dim3A_12 {strides = array<i32>} : memref<304xf32, #tpu.memory_space<vmem>>, vector<16xf32>,
      %swap3A_311 = arith.constant 192 : index
      %swap3A_312 = tpu.vector_load %arg20[%swap3A_311] {strides = array<i32>} : memref<304xi32, #tpu.memory_space<vmem>>, vector<16xi32>,
      tpu.vector_store %arg20[%swap3A_311], %broadcast_in_dim3A_14 {strides = array<i32>} : memref<304xi32, #tpu.memory_space<vmem>>, vector<16xi32>,
      %swap3A_313 = arith.constant 192 : index
      %swap3A_314 = tpu.vector_load %arg21[%swap3A_313] {strides = array<i32>} : memref<304xf32, #tpu.memory_space<vmem>>, vector<16xf32>,
      tpu.vector_store %arg21[%swap3A_313], %broadcast_in_dim3A_12 {strides = array<i32>} : memref<304xf32, #tpu.memory_space<vmem>>, vector<16xf32>,
      %swap3A_315 = arith.constant 192 : index
      %swap3A_316 = tpu.vector_load %arg22[%swap3A_315] {strides = array<i32>} : memref<304xf32, #tpu.memory_space<vmem>>, vector<16xf32>,
      tpu.vector_store %arg22[%swap3A_315], %broadcast_in_dim3A_12 {strides = array<i32>} : memref<304xf32, #tpu.memory_space<vmem>>, vector<16xf32>,
      %swap3A_317 = arith.constant 192 : index
      %swap3A_318 = tpu.vector_load %arg23[%swap3A_317] {strides = array<i32>} : memref<304xf32, #tpu.memory_space<vmem>>, vector<16xf32>,
      tpu.vector_store %arg23[%swap3A_317], %broadcast_in_dim3A_12 {strides = array<i32>} : memref<304xf32, #tpu.memory_space<vmem>>, vector<16xf32>,
      %swap3A_319 = arith.constant 192 : index
      %swap3A_320 = tpu.vector_load %arg24[%swap3A_319] {strides = array<i32>} : memref<304xf32, #tpu.memory_space<vmem>>, vector<16xf32>,
      tpu.vector_store %arg24[%swap3A_319], %broadcast_in_dim3A_12 {strides = array<i32>} : memref<304xf32, #tpu.memory_space<vmem>>, vector<16xf32>,
      %swap3A_321 = arith.constant 192 : index
      %swap3A_322 = tpu.vector_load %arg25[%swap3A_321] {strides = array<i32>} : memref<304xf32, #tpu.memory_space<vmem>>, vector<16xf32>,
      tpu.vector_store %arg25[%swap3A_321], %broadcast_in_dim3A_16 {strides = array<i32>} : memref<304xf32, #tpu.memory_space<vmem>>, vector<16xf32>,
      %swap3A_323 = arith.constant 208 : index
      %swap3A_324 = tpu.vector_load %arg15[%swap3A_323] {strides = array<i32>} : memref<304xf32, #tpu.memory_space<vmem>>, vector<16xf32>,
      tpu.vector_store %arg15[%swap3A_323], %broadcast_in_dim3A_12 {strides = array<i32>} : memref<304xf32, #tpu.memory_space<vmem>>, vector<16xf32>,
      %swap3A_325 = arith.constant 208 : index
      %swap3A_326 = tpu.vector_load %arg16[%swap3A_325] {strides = array<i32>} : memref<304xf32, #tpu.memory_space<vmem>>, vector<16xf32>,
      tpu.vector_store %arg16[%swap3A_325], %broadcast_in_dim3A_12 {strides = array<i32>} : memref<304xf32, #tpu.memory_space<vmem>>, vector<16xf32>,
      %swap3A_327 = arith.constant 208 : index
      %swap3A_328 = tpu.vector_load %arg17[%swap3A_327] {strides = array<i32>} : memref<304xf32, #tpu.memory_space<vmem>>, vector<16xf32>,
      tpu.vector_store %arg17[%swap3A_327], %broadcast_in_dim3A_12 {strides = array<i32>} : memref<304xf32, #tpu.memory_space<vmem>>, vector<16xf32>,
      %swap3A_329 = arith.constant 208 : index
      %swap3A_330 = tpu.vector_load %arg18[%swap3A_329] {strides = array<i32>} : memref<304xf32, #tpu.memory_space<vmem>>, vector<16xf32>,
      tpu.vector_store %arg18[%swap3A_329], %broadcast_in_dim3A_12 {strides = array<i32>} : memref<304xf32, #tpu.memory_space<vmem>>, vector<16xf32>,
      %swap3A_331 = arith.constant 208 : index
      %swap3A_332 = tpu.vector_load %arg19[%swap3A_331] {strides = array<i32>} : memref<304xf32, #tpu.memory_space<vmem>>, vector<16xf32>,
      tpu.vector_store %arg19[%swap3A_331], %broadcast_in_dim3A_12 {strides = array<i32>} : memref<304xf32, #tpu.memory_space<vmem>>, vector<16xf32>,
      %swap3A_333 = arith.constant 208 : index
      %swap3A_334 = tpu.vector_load %arg20[%swap3A_333] {strides = array<i32>} : memref<304xi32, #tpu.memory_space<vmem>>, vector<16xi32>,
      tpu.vector_store %arg20[%swap3A_333], %broadcast_in_dim3A_14 {strides = array<i32>} : memref<304xi32, #tpu.memory_space<vmem>>, vector<16xi32>,
      %swap3A_335 = arith.constant 208 : index
      %swap3A_336 = tpu.vector_load %arg21[%swap3A_335] {strides = array<i32>} : memref<304xf32, #tpu.memory_space<vmem>>, vector<16xf32>,
      tpu.vector_store %arg21[%swap3A_335], %broadcast_in_dim3A_12 {strides = array<i32>} : memref<304xf32, #tpu.memory_space<vmem>>, vector<16xf32>,
      %swap3A_337 = arith.constant 208 : index
      %swap3A_338 = tpu.vector_load %arg22[%swap3A_337] {strides = array<i32>} : memref<304xf32, #tpu.memory_space<vmem>>, vector<16xf32>,
      tpu.vector_store %arg22[%swap3A_337], %broadcast_in_dim3A_12 {strides = array<i32>} : memref<304xf32, #tpu.memory_space<vmem>>, vector<16xf32>,
      %swap3A_339 = arith.constant 208 : index
      %swap3A_340 = tpu.vector_load %arg23[%swap3A_339] {strides = array<i32>} : memref<304xf32, #tpu.memory_space<vmem>>, vector<16xf32>,
      tpu.vector_store %arg23[%swap3A_339], %broadcast_in_dim3A_12 {strides = array<i32>} : memref<304xf32, #tpu.memory_space<vmem>>, vector<16xf32>,
      %swap3A_341 = arith.constant 208 : index
      %swap3A_342 = tpu.vector_load %arg24[%swap3A_341] {strides = array<i32>} : memref<304xf32, #tpu.memory_space<vmem>>, vector<16xf32>,
      tpu.vector_store %arg24[%swap3A_341], %broadcast_in_dim3A_12 {strides = array<i32>} : memref<304xf32, #tpu.memory_space<vmem>>, vector<16xf32>,
      %swap3A_343 = arith.constant 208 : index
      %swap3A_344 = tpu.vector_load %arg25[%swap3A_343] {strides = array<i32>} : memref<304xf32, #tpu.memory_space<vmem>>, vector<16xf32>,
      tpu.vector_store %arg25[%swap3A_343], %broadcast_in_dim3A_16 {strides = array<i32>} : memref<304xf32, #tpu.memory_space<vmem>>, vector<16xf32>,
      %swap3A_345 = arith.constant 224 : index
      %swap3A_346 = tpu.vector_load %arg15[%swap3A_345] {strides = array<i32>} : memref<304xf32, #tpu.memory_space<vmem>>, vector<16xf32>,
      tpu.vector_store %arg15[%swap3A_345], %broadcast_in_dim3A_12 {strides = array<i32>} : memref<304xf32, #tpu.memory_space<vmem>>, vector<16xf32>,
      %swap3A_347 = arith.constant 224 : index
      %swap3A_348 = tpu.vector_load %arg16[%swap3A_347] {strides = array<i32>} : memref<304xf32, #tpu.memory_space<vmem>>, vector<16xf32>,
      tpu.vector_store %arg16[%swap3A_347], %broadcast_in_dim3A_12 {strides = array<i32>} : memref<304xf32, #tpu.memory_space<vmem>>, vector<16xf32>,
      %swap3A_349 = arith.constant 224 : index
      %swap3A_350 = tpu.vector_load %arg17[%swap3A_349] {strides = array<i32>} : memref<304xf32, #tpu.memory_space<vmem>>, vector<16xf32>,
      tpu.vector_store %arg17[%swap3A_349], %broadcast_in_dim3A_12 {strides = array<i32>} : memref<304xf32, #tpu.memory_space<vmem>>, vector<16xf32>,
      %swap3A_351 = arith.constant 224 : index
      %swap3A_352 = tpu.vector_load %arg18[%swap3A_351] {strides = array<i32>} : memref<304xf32, #tpu.memory_space<vmem>>, vector<16xf32>,
      tpu.vector_store %arg18[%swap3A_351], %broadcast_in_dim3A_12 {strides = array<i32>} : memref<304xf32, #tpu.memory_space<vmem>>, vector<16xf32>,
      %swap3A_353 = arith.constant 224 : index
      %swap3A_354 = tpu.vector_load %arg19[%swap3A_353] {strides = array<i32>} : memref<304xf32, #tpu.memory_space<vmem>>, vector<16xf32>,
      tpu.vector_store %arg19[%swap3A_353], %broadcast_in_dim3A_12 {strides = array<i32>} : memref<304xf32, #tpu.memory_space<vmem>>, vector<16xf32>,
      %swap3A_355 = arith.constant 224 : index
      %swap3A_356 = tpu.vector_load %arg20[%swap3A_355] {strides = array<i32>} : memref<304xi32, #tpu.memory_space<vmem>>, vector<16xi32>,
      tpu.vector_store %arg20[%swap3A_355], %broadcast_in_dim3A_14 {strides = array<i32>} : memref<304xi32, #tpu.memory_space<vmem>>, vector<16xi32>,
      %swap3A_357 = arith.constant 224 : index
      %swap3A_358 = tpu.vector_load %arg21[%swap3A_357] {strides = array<i32>} : memref<304xf32, #tpu.memory_space<vmem>>, vector<16xf32>,
      tpu.vector_store %arg21[%swap3A_357], %broadcast_in_dim3A_12 {strides = array<i32>} : memref<304xf32, #tpu.memory_space<vmem>>, vector<16xf32>,
      %swap3A_359 = arith.constant 224 : index
      %swap3A_360 = tpu.vector_load %arg22[%swap3A_359] {strides = array<i32>} : memref<304xf32, #tpu.memory_space<vmem>>, vector<16xf32>,
      tpu.vector_store %arg22[%swap3A_359], %broadcast_in_dim3A_12 {strides = array<i32>} : memref<304xf32, #tpu.memory_space<vmem>>, vector<16xf32>,
      %swap3A_361 = arith.constant 224 : index
      %swap3A_362 = tpu.vector_load %arg23[%swap3A_361] {strides = array<i32>} : memref<304xf32, #tpu.memory_space<vmem>>, vector<16xf32>,
      tpu.vector_store %arg23[%swap3A_361], %broadcast_in_dim3A_12 {strides = array<i32>} : memref<304xf32, #tpu.memory_space<vmem>>, vector<16xf32>,
      %swap3A_363 = arith.constant 224 : index
      %swap3A_364 = tpu.vector_load %arg24[%swap3A_363] {strides = array<i32>} : memref<304xf32, #tpu.memory_space<vmem>>, vector<16xf32>,
      tpu.vector_store %arg24[%swap3A_363], %broadcast_in_dim3A_12 {strides = array<i32>} : memref<304xf32, #tpu.memory_space<vmem>>, vector<16xf32>,
      %swap3A_365 = arith.constant 224 : index
      %swap3A_366 = tpu.vector_load %arg25[%swap3A_365] {strides = array<i32>} : memref<304xf32, #tpu.memory_space<vmem>>, vector<16xf32>,
      tpu.vector_store %arg25[%swap3A_365], %broadcast_in_dim3A_16 {strides = array<i32>} : memref<304xf32, #tpu.memory_space<vmem>>, vector<16xf32>,
      %swap3A_367 = arith.constant 240 : index
      %swap3A_368 = tpu.vector_load %arg15[%swap3A_367] {strides = array<i32>} : memref<304xf32, #tpu.memory_space<vmem>>, vector<16xf32>,
      tpu.vector_store %arg15[%swap3A_367], %broadcast_in_dim3A_12 {strides = array<i32>} : memref<304xf32, #tpu.memory_space<vmem>>, vector<16xf32>,
      %swap3A_369 = arith.constant 240 : index
      %swap3A_370 = tpu.vector_load %arg16[%swap3A_369] {strides = array<i32>} : memref<304xf32, #tpu.memory_space<vmem>>, vector<16xf32>,
      tpu.vector_store %arg16[%swap3A_369], %broadcast_in_dim3A_12 {strides = array<i32>} : memref<304xf32, #tpu.memory_space<vmem>>, vector<16xf32>,
      %swap3A_371 = arith.constant 240 : index
      %swap3A_372 = tpu.vector_load %arg17[%swap3A_371] {strides = array<i32>} : memref<304xf32, #tpu.memory_space<vmem>>, vector<16xf32>,
      tpu.vector_store %arg17[%swap3A_371], %broadcast_in_dim3A_12 {strides = array<i32>} : memref<304xf32, #tpu.memory_space<vmem>>, vector<16xf32>,
      %swap3A_373 = arith.constant 240 : index
      %swap3A_374 = tpu.vector_load %arg18[%swap3A_373] {strides = array<i32>} : memref<304xf32, #tpu.memory_space<vmem>>, vector<16xf32>,
      tpu.vector_store %arg18[%swap3A_373], %broadcast_in_dim3A_12 {strides = array<i32>} : memref<304xf32, #tpu.memory_space<vmem>>, vector<16xf32>,
      %swap3A_375 = arith.constant 240 : index
      %swap3A_376 = tpu.vector_load %arg19[%swap3A_375] {strides = array<i32>} : memref<304xf32, #tpu.memory_space<vmem>>, vector<16xf32>,
      tpu.vector_store %arg19[%swap3A_375], %broadcast_in_dim3A_12 {strides = array<i32>} : memref<304xf32, #tpu.memory_space<vmem>>, vector<16xf32>,
      %swap3A_377 = arith.constant 240 : index
      %swap3A_378 = tpu.vector_load %arg20[%swap3A_377] {strides = array<i32>} : memref<304xi32, #tpu.memory_space<vmem>>, vector<16xi32>,
      tpu.vector_store %arg20[%swap3A_377], %broadcast_in_dim3A_14 {strides = array<i32>} : memref<304xi32, #tpu.memory_space<vmem>>, vector<16xi32>,
      %swap3A_379 = arith.constant 240 : index
      %swap3A_380 = tpu.vector_load %arg21[%swap3A_379] {strides = array<i32>} : memref<304xf32, #tpu.memory_space<vmem>>, vector<16xf32>,
      tpu.vector_store %arg21[%swap3A_379], %broadcast_in_dim3A_12 {strides = array<i32>} : memref<304xf32, #tpu.memory_space<vmem>>, vector<16xf32>,
      %swap3A_381 = arith.constant 240 : index
      %swap3A_382 = tpu.vector_load %arg22[%swap3A_381] {strides = array<i32>} : memref<304xf32, #tpu.memory_space<vmem>>, vector<16xf32>,
      tpu.vector_store %arg22[%swap3A_381], %broadcast_in_dim3A_12 {strides = array<i32>} : memref<304xf32, #tpu.memory_space<vmem>>, vector<16xf32>,
      %swap3A_383 = arith.constant 240 : index
      %swap3A_384 = tpu.vector_load %arg23[%swap3A_383] {strides = array<i32>} : memref<304xf32, #tpu.memory_space<vmem>>, vector<16xf32>,
      tpu.vector_store %arg23[%swap3A_383], %broadcast_in_dim3A_12 {strides = array<i32>} : memref<304xf32, #tpu.memory_space<vmem>>, vector<16xf32>,
      %swap3A_385 = arith.constant 240 : index
      %swap3A_386 = tpu.vector_load %arg24[%swap3A_385] {strides = array<i32>} : memref<304xf32, #tpu.memory_space<vmem>>, vector<16xf32>,
      tpu.vector_store %arg24[%swap3A_385], %broadcast_in_dim3A_12 {strides = array<i32>} : memref<304xf32, #tpu.memory_space<vmem>>, vector<16xf32>,
      %swap3A_387 = arith.constant 240 : index
      %swap3A_388 = tpu.vector_load %arg25[%swap3A_387] {strides = array<i32>} : memref<304xf32, #tpu.memory_space<vmem>>, vector<16xf32>,
      tpu.vector_store %arg25[%swap3A_387], %broadcast_in_dim3A_16 {strides = array<i32>} : memref<304xf32, #tpu.memory_space<vmem>>, vector<16xf32>,
      %swap3A_389 = arith.constant 256 : index
      %swap3A_390 = tpu.vector_load %arg15[%swap3A_389] {strides = array<i32>} : memref<304xf32, #tpu.memory_space<vmem>>, vector<16xf32>,
      tpu.vector_store %arg15[%swap3A_389], %broadcast_in_dim3A_12 {strides = array<i32>} : memref<304xf32, #tpu.memory_space<vmem>>, vector<16xf32>,
      %swap3A_391 = arith.constant 256 : index
      %swap3A_392 = tpu.vector_load %arg16[%swap3A_391] {strides = array<i32>} : memref<304xf32, #tpu.memory_space<vmem>>, vector<16xf32>,
      tpu.vector_store %arg16[%swap3A_391], %broadcast_in_dim3A_12 {strides = array<i32>} : memref<304xf32, #tpu.memory_space<vmem>>, vector<16xf32>,
      %swap3A_393 = arith.constant 256 : index
      %swap3A_394 = tpu.vector_load %arg17[%swap3A_393] {strides = array<i32>} : memref<304xf32, #tpu.memory_space<vmem>>, vector<16xf32>,
      tpu.vector_store %arg17[%swap3A_393], %broadcast_in_dim3A_12 {strides = array<i32>} : memref<304xf32, #tpu.memory_space<vmem>>, vector<16xf32>,
      %swap3A_395 = arith.constant 256 : index
      %swap3A_396 = tpu.vector_load %arg18[%swap3A_395] {strides = array<i32>} : memref<304xf32, #tpu.memory_space<vmem>>, vector<16xf32>,
      tpu.vector_store %arg18[%swap3A_395], %broadcast_in_dim3A_12 {strides = array<i32>} : memref<304xf32, #tpu.memory_space<vmem>>, vector<16xf32>,
      %swap3A_397 = arith.constant 256 : index
      %swap3A_398 = tpu.vector_load %arg19[%swap3A_397] {strides = array<i32>} : memref<304xf32, #tpu.memory_space<vmem>>, vector<16xf32>,
      tpu.vector_store %arg19[%swap3A_397], %broadcast_in_dim3A_12 {strides = array<i32>} : memref<304xf32, #tpu.memory_space<vmem>>, vector<16xf32>,
      %swap3A_399 = arith.constant 256 : index
      %swap3A_400 = tpu.vector_load %arg20[%swap3A_399] {strides = array<i32>} : memref<304xi32, #tpu.memory_space<vmem>>, vector<16xi32>,
      tpu.vector_store %arg20[%swap3A_399], %broadcast_in_dim3A_14 {strides = array<i32>} : memref<304xi32, #tpu.memory_space<vmem>>, vector<16xi32>,
      %swap3A_401 = arith.constant 256 : index
      %swap3A_402 = tpu.vector_load %arg21[%swap3A_401] {strides = array<i32>} : memref<304xf32, #tpu.memory_space<vmem>>, vector<16xf32>,
      tpu.vector_store %arg21[%swap3A_401], %broadcast_in_dim3A_12 {strides = array<i32>} : memref<304xf32, #tpu.memory_space<vmem>>, vector<16xf32>,
      %swap3A_403 = arith.constant 256 : index
      %swap3A_404 = tpu.vector_load %arg22[%swap3A_403] {strides = array<i32>} : memref<304xf32, #tpu.memory_space<vmem>>, vector<16xf32>,
      tpu.vector_store %arg22[%swap3A_403], %broadcast_in_dim3A_12 {strides = array<i32>} : memref<304xf32, #tpu.memory_space<vmem>>, vector<16xf32>,
      %swap3A_405 = arith.constant 256 : index
      %swap3A_406 = tpu.vector_load %arg23[%swap3A_405] {strides = array<i32>} : memref<304xf32, #tpu.memory_space<vmem>>, vector<16xf32>,
      tpu.vector_store %arg23[%swap3A_405], %broadcast_in_dim3A_12 {strides = array<i32>} : memref<304xf32, #tpu.memory_space<vmem>>, vector<16xf32>,
      %swap3A_407 = arith.constant 256 : index
      %swap3A_408 = tpu.vector_load %arg24[%swap3A_407] {strides = array<i32>} : memref<304xf32, #tpu.memory_space<vmem>>, vector<16xf32>,
      tpu.vector_store %arg24[%swap3A_407], %broadcast_in_dim3A_12 {strides = array<i32>} : memref<304xf32, #tpu.memory_space<vmem>>, vector<16xf32>,
      %swap3A_409 = arith.constant 256 : index
      %swap3A_410 = tpu.vector_load %arg25[%swap3A_409] {strides = array<i32>} : memref<304xf32, #tpu.memory_space<vmem>>, vector<16xf32>,
      tpu.vector_store %arg25[%swap3A_409], %broadcast_in_dim3A_16 {strides = array<i32>} : memref<304xf32, #tpu.memory_space<vmem>>, vector<16xf32>,
      %swap3A_411 = arith.constant 272 : index
      %swap3A_412 = tpu.vector_load %arg15[%swap3A_411] {strides = array<i32>} : memref<304xf32, #tpu.memory_space<vmem>>, vector<16xf32>,
      tpu.vector_store %arg15[%swap3A_411], %broadcast_in_dim3A_12 {strides = array<i32>} : memref<304xf32, #tpu.memory_space<vmem>>, vector<16xf32>,
      %swap3A_413 = arith.constant 272 : index
      %swap3A_414 = tpu.vector_load %arg16[%swap3A_413] {strides = array<i32>} : memref<304xf32, #tpu.memory_space<vmem>>, vector<16xf32>,
      tpu.vector_store %arg16[%swap3A_413], %broadcast_in_dim3A_12 {strides = array<i32>} : memref<304xf32, #tpu.memory_space<vmem>>, vector<16xf32>,
      %swap3A_415 = arith.constant 272 : index
      %swap3A_416 = tpu.vector_load %arg17[%swap3A_415] {strides = array<i32>} : memref<304xf32, #tpu.memory_space<vmem>>, vector<16xf32>,
      tpu.vector_store %arg17[%swap3A_415], %broadcast_in_dim3A_12 {strides = array<i32>} : memref<304xf32, #tpu.memory_space<vmem>>, vector<16xf32>,
      %swap3A_417 = arith.constant 272 : index
      %swap3A_418 = tpu.vector_load %arg18[%swap3A_417] {strides = array<i32>} : memref<304xf32, #tpu.memory_space<vmem>>, vector<16xf32>,
      tpu.vector_store %arg18[%swap3A_417], %broadcast_in_dim3A_12 {strides = array<i32>} : memref<304xf32, #tpu.memory_space<vmem>>, vector<16xf32>,
      %swap3A_419 = arith.constant 272 : index
      %swap3A_420 = tpu.vector_load %arg19[%swap3A_419] {strides = array<i32>} : memref<304xf32, #tpu.memory_space<vmem>>, vector<16xf32>,
      tpu.vector_store %arg19[%swap3A_419], %broadcast_in_dim3A_12 {strides = array<i32>} : memref<304xf32, #tpu.memory_space<vmem>>, vector<16xf32>,
      %swap3A_421 = arith.constant 272 : index
      %swap3A_422 = tpu.vector_load %arg20[%swap3A_421] {strides = array<i32>} : memref<304xi32, #tpu.memory_space<vmem>>, vector<16xi32>,
      tpu.vector_store %arg20[%swap3A_421], %broadcast_in_dim3A_14 {strides = array<i32>} : memref<304xi32, #tpu.memory_space<vmem>>, vector<16xi32>,
      %swap3A_423 = arith.constant 272 : index
      %swap3A_424 = tpu.vector_load %arg21[%swap3A_423] {strides = array<i32>} : memref<304xf32, #tpu.memory_space<vmem>>, vector<16xf32>,
      tpu.vector_store %arg21[%swap3A_423], %broadcast_in_dim3A_12 {strides = array<i32>} : memref<304xf32, #tpu.memory_space<vmem>>, vector<16xf32>,
      %swap3A_425 = arith.constant 272 : index
      %swap3A_426 = tpu.vector_load %arg22[%swap3A_425] {strides = array<i32>} : memref<304xf32, #tpu.memory_space<vmem>>, vector<16xf32>,
      tpu.vector_store %arg22[%swap3A_425], %broadcast_in_dim3A_12 {strides = array<i32>} : memref<304xf32, #tpu.memory_space<vmem>>, vector<16xf32>,
      %swap3A_427 = arith.constant 272 : index
      %swap3A_428 = tpu.vector_load %arg23[%swap3A_427] {strides = array<i32>} : memref<304xf32, #tpu.memory_space<vmem>>, vector<16xf32>,
      tpu.vector_store %arg23[%swap3A_427], %broadcast_in_dim3A_12 {strides = array<i32>} : memref<304xf32, #tpu.memory_space<vmem>>, vector<16xf32>,
      %swap3A_429 = arith.constant 272 : index
      %swap3A_430 = tpu.vector_load %arg24[%swap3A_429] {strides = array<i32>} : memref<304xf32, #tpu.memory_space<vmem>>, vector<16xf32>,
      tpu.vector_store %arg24[%swap3A_429], %broadcast_in_dim3A_12 {strides = array<i32>} : memref<304xf32, #tpu.memory_space<vmem>>, vector<16xf32>,
      %swap3A_431 = arith.constant 272 : index
      %swap3A_432 = tpu.vector_load %arg25[%swap3A_431] {strides = array<i32>} : memref<304xf32, #tpu.memory_space<vmem>>, vector<16xf32>,
      tpu.vector_store %arg25[%swap3A_431], %broadcast_in_dim3A_16 {strides = array<i32>} : memref<304xf32, #tpu.memory_space<vmem>>, vector<16xf32>,
      %swap3A_433 = arith.constant 288 : index
      %swap3A_434 = tpu.vector_load %arg15[%swap3A_433] {strides = array<i32>} : memref<304xf32, #tpu.memory_space<vmem>>, vector<16xf32>,
      tpu.vector_store %arg15[%swap3A_433], %broadcast_in_dim3A_12 {strides = array<i32>} : memref<304xf32, #tpu.memory_space<vmem>>, vector<16xf32>,
      %swap3A_435 = arith.constant 288 : index
      %swap3A_436 = tpu.vector_load %arg16[%swap3A_435] {strides = array<i32>} : memref<304xf32, #tpu.memory_space<vmem>>, vector<16xf32>,
      tpu.vector_store %arg16[%swap3A_435], %broadcast_in_dim3A_12 {strides = array<i32>} : memref<304xf32, #tpu.memory_space<vmem>>, vector<16xf32>,
      %swap3A_437 = arith.constant 288 : index
      %swap3A_438 = tpu.vector_load %arg17[%swap3A_437] {strides = array<i32>} : memref<304xf32, #tpu.memory_space<vmem>>, vector<16xf32>,
      tpu.vector_store %arg17[%swap3A_437], %broadcast_in_dim3A_12 {strides = array<i32>} : memref<304xf32, #tpu.memory_space<vmem>>, vector<16xf32>,
      %swap3A_439 = arith.constant 288 : index
      %swap3A_440 = tpu.vector_load %arg18[%swap3A_439] {strides = array<i32>} : memref<304xf32, #tpu.memory_space<vmem>>, vector<16xf32>,
      tpu.vector_store %arg18[%swap3A_439], %broadcast_in_dim3A_12 {strides = array<i32>} : memref<304xf32, #tpu.memory_space<vmem>>, vector<16xf32>,
      %swap3A_441 = arith.constant 288 : index
      %swap3A_442 = tpu.vector_load %arg19[%swap3A_441] {strides = array<i32>} : memref<304xf32, #tpu.memory_space<vmem>>, vector<16xf32>,
      tpu.vector_store %arg19[%swap3A_441], %broadcast_in_dim3A_12 {strides = array<i32>} : memref<304xf32, #tpu.memory_space<vmem>>, vector<16xf32>,
      %swap3A_443 = arith.constant 288 : index
      %swap3A_444 = tpu.vector_load %arg20[%swap3A_443] {strides = array<i32>} : memref<304xi32, #tpu.memory_space<vmem>>, vector<16xi32>,
      tpu.vector_store %arg20[%swap3A_443], %broadcast_in_dim3A_14 {strides = array<i32>} : memref<304xi32, #tpu.memory_space<vmem>>, vector<16xi32>,
      %swap3A_445 = arith.constant 288 : index
      %swap3A_446 = tpu.vector_load %arg21[%swap3A_445] {strides = array<i32>} : memref<304xf32, #tpu.memory_space<vmem>>, vector<16xf32>,
      tpu.vector_store %arg21[%swap3A_445], %broadcast_in_dim3A_12 {strides = array<i32>} : memref<304xf32, #tpu.memory_space<vmem>>, vector<16xf32>,
      %swap3A_447 = arith.constant 288 : index
      %swap3A_448 = tpu.vector_load %arg22[%swap3A_447] {strides = array<i32>} : memref<304xf32, #tpu.memory_space<vmem>>, vector<16xf32>,
      tpu.vector_store %arg22[%swap3A_447], %broadcast_in_dim3A_12 {strides = array<i32>} : memref<304xf32, #tpu.memory_space<vmem>>, vector<16xf32>,
      %swap3A_449 = arith.constant 288 : index
      %swap3A_450 = tpu.vector_load %arg23[%swap3A_449] {strides = array<i32>} : memref<304xf32, #tpu.memory_space<vmem>>, vector<16xf32>,
      tpu.vector_store %arg23[%swap3A_449], %broadcast_in_dim3A_12 {strides = array<i32>} : memref<304xf32, #tpu.memory_space<vmem>>, vector<16xf32>,
      %swap3A_451 = arith.constant 288 : index
      %swap3A_452 = tpu.vector_load %arg24[%swap3A_451] {strides = array<i32>} : memref<304xf32, #tpu.memory_space<vmem>>, vector<16xf32>,
      tpu.vector_store %arg24[%swap3A_451], %broadcast_in_dim3A_12 {strides = array<i32>} : memref<304xf32, #tpu.memory_space<vmem>>, vector<16xf32>,
      %swap3A_453 = arith.constant 288 : index
      %swap3A_454 = tpu.vector_load %arg25[%swap3A_453] {strides = array<i32>} : memref<304xf32, #tpu.memory_space<vmem>>, vector<16xf32>,
      tpu.vector_store %arg25[%swap3A_453], %broadcast_in_dim3A_16 {strides = array<i32>} : memref<304xf32, #tpu.memory_space<vmem>>, vector<16xf32>,
      %scan3A = arith.constant 0 : i32
      %scan3A_455 = arith.constant 0 : i32
      %scan3A_456 = arith.constant 157 : i32
      %scan3A_457 = arith.addi %scan3A_455, %scan3A_456 : i32
      %scan3A_458 = arith.constant 1 : i32
      %scan3A_459 = scf.for %scan3A_485 = %scan3A_455 to %scan3A_457 step %scan3A_458 iter_args(%scan3A_486 = %scan3A) -> (i32)  : i32 {
        %mul3A_487 = arith.constant 32 : i32
        %mul3A_488 = arith.muli %scan3A_485, %mul3A_487 : i32
        %get3A_489 = arith.index_cast %mul3A_488 : i32 to index
        %get3A_490 = tpu.vector_load %arg11[%get3A_489] {strides = array<i32>} : memref<5024xf32, #tpu.memory_space<vmem>>, vector<16xf32>,
        %mul3A_491 = arith.constant 32 : i32
        %mul3A_492 = arith.muli %scan3A_485, %mul3A_491 : i32
        %add3A_493 = arith.constant 16 : i32
        %add3A_494 = arith.addi %mul3A_492, %add3A_493 : i32
        %get3A_495 = arith.index_cast %add3A_494 : i32 to index
        %get3A_496 = tpu.vector_load %arg11[%get3A_495] {strides = array<i32>} : memref<5024xf32, #tpu.memory_space<vmem>>, vector<16xf32>,
        %max3A = arith.maximumf %get3A_490, %get3A_496 : vector<16xf32>
        %reduce_max3A = arith.constant true
        %reduce_max3A_497 = vector.broadcast %reduce_max3A : i1 to vector<16xi1>
        %reduce_max3A_498 = tpu.scan <max>, %max3A masked %reduce_max3A_497 : vector<16xf32>, vector<16xi1> -> vector<16xf32>
        %reduce_max3A_499 = vector.extract %reduce_max3A_498[15] : f32 from vector<16xf32>
        %jit3A = arith.constant 16 : i32
        %div3A = arith.divsi %scan3A_485, %jit3A : i32
        %sign3A = arith.constant 0 : i32
        %sign3A_500 = arith.cmpi sgt, %scan3A_485, %sign3A : i32
        %sign3A_501 = arith.extui %sign3A_500 : i1 to i32
        %sign3A_502 = arith.constant 0 : i32
        %sign3A_503 = arith.cmpi slt, %scan3A_485, %sign3A_502 : i32
        %sign3A_504 = arith.extui %sign3A_503 : i1 to i32
        %sign3A_505 = arith.subi %sign3A_501, %sign3A_504 : i32
        %sign3A_506 = arith.constant 0 : i32
        %sign3A_507 = arith.cmpi sgt, %jit3A, %sign3A_506 : i32
        %sign3A_508 = arith.extui %sign3A_507 : i1 to i32
        %sign3A_509 = arith.constant 0 : i32
        %sign3A_510 = arith.cmpi slt, %jit3A, %sign3A_509 : i32
        %sign3A_511 = arith.extui %sign3A_510 : i1 to i32
        %sign3A_512 = arith.subi %sign3A_508, %sign3A_511 : i32
        %ne3A = arith.cmpi ne, %sign3A_505, %sign3A_512 : i32
        %rem3A = arith.remsi %scan3A_485, %jit3A : i32
        %ne3A_513 = arith.constant 0 : i32
        %ne3A_514 = arith.cmpi ne, %rem3A, %ne3A_513 : i32
        %and3A = arith.andi %ne3A, %ne3A_514 : i1
        %sub3A = arith.constant 1 : i32
        %sub3A_515 = arith.subi %div3A, %sub3A : i32
        %select_n3A_516 = arith.select %and3A, %sub3A_515, %div3A : i32
        %mul3A_517 = arith.constant 16 : i32
        %mul3A_518 = arith.muli %select_n3A_516, %mul3A_517 : i32
        %sub3A_519 = arith.subi %scan3A_485, %mul3A_518 : i32
        %get3A_520 = arith.index_cast %mul3A_518 : i32 to index
        %get3A_521 = tpu.vector_load %arg14[%get3A_520] {strides = array<i32>} : memref<160xf32, #tpu.memory_space<vmem>>, vector<16xf32>,
        %eq3A = vector.broadcast %sub3A_519 : i32 to vector<16xi32>
        %eq3A_522 = arith.cmpi eq, %iota3A, %eq3A : vector<16xi32>
        %broadcast_in_dim3A_523 = vector.broadcast %reduce_max3A_499 : f32 to vector<16xf32>
        %select_n3A_524 = arith.select %eq3A_522, %broadcast_in_dim3A_523, %get3A_521 : vector<16xi1>, vector<16xf32>
        %swap3A_525 = arith.index_cast %mul3A_518 : i32 to index
        %swap3A_526 = tpu.vector_load %arg14[%swap3A_525] {strides = array<i32>} : memref<160xf32, #tpu.memory_space<vmem>>, vector<16xf32>,
        tpu.vector_store %arg14[%swap3A_525], %select_n3A_524 {strides = array<i32>} : memref<160xf32, #tpu.memory_space<vmem>>, vector<16xf32>,
        %scan3A_527 = arith.constant 0 : i32
        scf.yield %scan3A_527 : i32
      }
      %scan3A_460 = arith.constant 157 : i32
      %get3A_461 = arith.constant 0 : index
      %get3A_462 = tpu.vector_load %arg14[%get3A_461] {strides = array<i32>} : memref<160xf32, #tpu.memory_space<vmem>>, vector<16xf32>,
      %get3A_463 = arith.constant 16 : index
      %get3A_464 = tpu.vector_load %arg14[%get3A_463] {strides = array<i32>} : memref<160xf32, #tpu.memory_space<vmem>>, vector<16xf32>,
      %get3A_465 = arith.constant 32 : index
      %get3A_466 = tpu.vector_load %arg14[%get3A_465] {strides = array<i32>} : memref<160xf32, #tpu.memory_space<vmem>>, vector<16xf32>,
      %get3A_467 = arith.constant 48 : index
      %get3A_468 = tpu.vector_load %arg14[%get3A_467] {strides = array<i32>} : memref<160xf32, #tpu.memory_space<vmem>>, vector<16xf32>,
      %get3A_469 = arith.constant 64 : index
      %get3A_470 = tpu.vector_load %arg14[%get3A_469] {strides = array<i32>} : memref<160xf32, #tpu.memory_space<vmem>>, vector<16xf32>,
      %get3A_471 = arith.constant 80 : index
      %get3A_472 = tpu.vector_load %arg14[%get3A_471] {strides = array<i32>} : memref<160xf32, #tpu.memory_space<vmem>>, vector<16xf32>,
      %get3A_473 = arith.constant 96 : index
      %get3A_474 = tpu.vector_load %arg14[%get3A_473] {strides = array<i32>} : memref<160xf32, #tpu.memory_space<vmem>>, vector<16xf32>,
      %get3A_475 = arith.constant 112 : index
      %get3A_476 = tpu.vector_load %arg14[%get3A_475] {strides = array<i32>} : memref<160xf32, #tpu.memory_space<vmem>>, vector<16xf32>,
      %get3A_477 = arith.constant 128 : index
      %get3A_478 = tpu.vector_load %arg14[%get3A_477] {strides = array<i32>} : memref<160xf32, #tpu.memory_space<vmem>>, vector<16xf32>,
      %get3A_479 = arith.constant 144 : index
      %get3A_480 = tpu.vector_load %arg14[%get3A_479] {strides = array<i32>} : memref<160xf32, #tpu.memory_space<vmem>>, vector<16xf32>,
      %while3A = arith.constant 1000000 : i32
      %while3A_481 = arith.constant 0 : i32
      %while3A_482 = arith.constant 0 : i32
      %while3A_483 = arith.constant false
      %while3A_484:13 = scf.while (%while3A_485 = %while3A_481, %while3A_486 = %while3A_482, %while3A_487 = %while3A_483, %while3A_488 = %get3A_462, %while3A_489 = %get3A_464, %while3A_490 = %get3A_466, %while3A_491 = %get3A_468, %while3A_492 = %get3A_470, %while3A_493 = %get3A_472, %while3A_494 = %get3A_474, %while3A_495 = %get3A_476, %while3A_496 = %get3A_478, %while3A_497 = %get3A_480) : (i32, i32, i1, vector<16xf32>, vector<16xf32>, vector<16xf32>, vector<16xf32>, vector<16xf32>, vector<16xf32>, vector<16xf32>, vector<16xf32>, vector<16xf32>, vector<16xf32>) -> (i32, i32, i1, vector<16xf32>, vector<16xf32>, vector<16xf32>, vector<16xf32>, vector<16xf32>, vector<16xf32>, vector<16xf32>, vector<16xf32>, vector<16xf32>, vector<16xf32>) {
        %lt3A_498 = arith.constant 300 : i32
        %lt3A_499 = arith.cmpi slt, %while3A_485, %lt3A_498 : i32
        %not3A = arith.constant true
        %not3A_500 = arith.xori %while3A_487, %not3A : i1
        %and3A = arith.andi %lt3A_499, %not3A_500 : i1
        scf.condition(%and3A) %while3A_485, %while3A_486, %while3A_487, %while3A_488, %while3A_489, %while3A_490, %while3A_491, %while3A_492, %while3A_493, %while3A_494, %while3A_495, %while3A_496, %while3A_497 : i32, i32, i1, vector<16xf32>, vector<16xf32>, vector<16xf32>, vector<16xf32>, vector<16xf32>, vector<16xf32>, vector<16xf32>, vector<16xf32>, vector<16xf32>, vector<16xf32>
      } do {
      ^bb0(%while3A_485: i32, %while3A_486: i32, %while3A_487: i1, %while3A_488: vector<16xf32>, %while3A_489: vector<16xf32>, %while3A_490: vector<16xf32>, %while3A_491: vector<16xf32>, %while3A_492: vector<16xf32>, %while3A_493: vector<16xf32>, %while3A_494: vector<16xf32>, %while3A_495: vector<16xf32>, %while3A_496: vector<16xf32>, %while3A_497: vector<16xf32>):
        %max3A = arith.maximumf %while3A_488, %while3A_489 : vector<16xf32>
        %max3A_498 = arith.maximumf %while3A_490, %while3A_491 : vector<16xf32>
        %max3A_499 = arith.maximumf %while3A_492, %while3A_493 : vector<16xf32>
        %max3A_500 = arith.maximumf %while3A_494, %while3A_495 : vector<16xf32>
        %max3A_501 = arith.maximumf %while3A_496, %while3A_497 : vector<16xf32>
        %max3A_502 = arith.maximumf %max3A, %max3A_498 : vector<16xf32>
        %max3A_503 = arith.maximumf %max3A_499, %max3A_500 : vector<16xf32>
        %max3A_504 = arith.maximumf %max3A_502, %max3A_503 : vector<16xf32>
        %max3A_505 = arith.maximumf %max3A_504, %max3A_501 : vector<16xf32>
        %reduce_max3A = arith.constant true
        %reduce_max3A_506 = vector.broadcast %reduce_max3A : i1 to vector<16xi1>
        %reduce_max3A_507 = tpu.scan <max>, %max3A_505 masked %reduce_max3A_506 : vector<16xf32>, vector<16xi1> -> vector<16xf32>
        %reduce_max3A_508 = vector.extract %reduce_max3A_507[15] : f32 from vector<16xf32>
        %gt3A = arith.constant 0xFF800000 : f32
        %gt3A_509 = arith.cmpf ogt, %reduce_max3A_508, %gt3A : f32
        %broadcast_in_dim3A_510 = vector.broadcast %reduce_max3A_508 : f32 to vector<16xf32>
        %eq3A = arith.cmpf oeq, %while3A_488, %broadcast_in_dim3A_510 : vector<16xf32>
        %add3A_511 = arith.constant 0 : i32
        %add3A_512 = vector.broadcast %add3A_511 : i32 to vector<16xi32>
        %add3A_513 = arith.addi %iota3A, %add3A_512 : vector<16xi32>
        %broadcast_in_dim3A_514 = vector.broadcast %while3A : i32 to vector<16xi32>
        %select_n3A_515 = arith.select %eq3A, %add3A_513, %broadcast_in_dim3A_514 : vector<16xi1>, vector<16xi32>
        %eq3A_516 = arith.cmpf oeq, %while3A_489, %broadcast_in_dim3A_510 : vector<16xf32>
        %add3A_517 = arith.constant 16 : i32
        %add3A_518 = vector.broadcast %add3A_517 : i32 to vector<16xi32>
        %add3A_519 = arith.addi %iota3A, %add3A_518 : vector<16xi32>
        %broadcast_in_dim3A_520 = vector.broadcast %while3A : i32 to vector<16xi32>
        %select_n3A_521 = arith.select %eq3A_516, %add3A_519, %broadcast_in_dim3A_520 : vector<16xi1>, vector<16xi32>
        %eq3A_522 = arith.cmpf oeq, %while3A_490, %broadcast_in_dim3A_510 : vector<16xf32>
        %add3A_523 = arith.constant 32 : i32
        %add3A_524 = vector.broadcast %add3A_523 : i32 to vector<16xi32>
        %add3A_525 = arith.addi %iota3A, %add3A_524 : vector<16xi32>
        %broadcast_in_dim3A_526 = vector.broadcast %while3A : i32 to vector<16xi32>
        %select_n3A_527 = arith.select %eq3A_522, %add3A_525, %broadcast_in_dim3A_526 : vector<16xi1>, vector<16xi32>
        %eq3A_528 = arith.cmpf oeq, %while3A_491, %broadcast_in_dim3A_510 : vector<16xf32>
        %add3A_529 = arith.constant 48 : i32
        %add3A_530 = vector.broadcast %add3A_529 : i32 to vector<16xi32>
        %add3A_531 = arith.addi %iota3A, %add3A_530 : vector<16xi32>
        %broadcast_in_dim3A_532 = vector.broadcast %while3A : i32 to vector<16xi32>
        %select_n3A_533 = arith.select %eq3A_528, %add3A_531, %broadcast_in_dim3A_532 : vector<16xi1>, vector<16xi32>
        %eq3A_534 = arith.cmpf oeq, %while3A_492, %broadcast_in_dim3A_510 : vector<16xf32>
        %add3A_535 = arith.constant 64 : i32
        %add3A_536 = vector.broadcast %add3A_535 : i32 to vector<16xi32>
        %add3A_537 = arith.addi %iota3A, %add3A_536 : vector<16xi32>
        %broadcast_in_dim3A_538 = vector.broadcast %while3A : i32 to vector<16xi32>
        %select_n3A_539 = arith.select %eq3A_534, %add3A_537, %broadcast_in_dim3A_538 : vector<16xi1>, vector<16xi32>
        %eq3A_540 = arith.cmpf oeq, %while3A_493, %broadcast_in_dim3A_510 : vector<16xf32>
        %add3A_541 = arith.constant 80 : i32
        %add3A_542 = vector.broadcast %add3A_541 : i32 to vector<16xi32>
        %add3A_543 = arith.addi %iota3A, %add3A_542 : vector<16xi32>
        %broadcast_in_dim3A_544 = vector.broadcast %while3A : i32 to vector<16xi32>
        %select_n3A_545 = arith.select %eq3A_540, %add3A_543, %broadcast_in_dim3A_544 : vector<16xi1>, vector<16xi32>
        %eq3A_546 = arith.cmpf oeq, %while3A_494, %broadcast_in_dim3A_510 : vector<16xf32>
        %add3A_547 = arith.constant 96 : i32
        %add3A_548 = vector.broadcast %add3A_547 : i32 to vector<16xi32>
        %add3A_549 = arith.addi %iota3A, %add3A_548 : vector<16xi32>
        %broadcast_in_dim3A_550 = vector.broadcast %while3A : i32 to vector<16xi32>
        %select_n3A_551 = arith.select %eq3A_546, %add3A_549, %broadcast_in_dim3A_550 : vector<16xi1>, vector<16xi32>
        %eq3A_552 = arith.cmpf oeq, %while3A_495, %broadcast_in_dim3A_510 : vector<16xf32>
        %add3A_553 = arith.constant 112 : i32
        %add3A_554 = vector.broadcast %add3A_553 : i32 to vector<16xi32>
        %add3A_555 = arith.addi %iota3A, %add3A_554 : vector<16xi32>
        %broadcast_in_dim3A_556 = vector.broadcast %while3A : i32 to vector<16xi32>
        %select_n3A_557 = arith.select %eq3A_552, %add3A_555, %broadcast_in_dim3A_556 : vector<16xi1>, vector<16xi32>
        %eq3A_558 = arith.cmpf oeq, %while3A_496, %broadcast_in_dim3A_510 : vector<16xf32>
        %add3A_559 = arith.constant 128 : i32
        %add3A_560 = vector.broadcast %add3A_559 : i32 to vector<16xi32>
        %add3A_561 = arith.addi %iota3A, %add3A_560 : vector<16xi32>
        %broadcast_in_dim3A_562 = vector.broadcast %while3A : i32 to vector<16xi32>
        %select_n3A_563 = arith.select %eq3A_558, %add3A_561, %broadcast_in_dim3A_562 : vector<16xi1>, vector<16xi32>
        %eq3A_564 = arith.cmpf oeq, %while3A_497, %broadcast_in_dim3A_510 : vector<16xf32>
        %add3A_565 = arith.constant 144 : i32
        %add3A_566 = vector.broadcast %add3A_565 : i32 to vector<16xi32>
        %add3A_567 = arith.addi %iota3A, %add3A_566 : vector<16xi32>
        %broadcast_in_dim3A_568 = vector.broadcast %while3A : i32 to vector<16xi32>
        %select_n3A_569 = arith.select %eq3A_564, %add3A_567, %broadcast_in_dim3A_568 : vector<16xi1>, vector<16xi32>
        %min3A = arith.minsi %select_n3A_515, %select_n3A_521 : vector<16xi32>
        %min3A_570 = arith.minsi %select_n3A_527, %select_n3A_533 : vector<16xi32>
        %min3A_571 = arith.minsi %select_n3A_539, %select_n3A_545 : vector<16xi32>
        %min3A_572 = arith.minsi %select_n3A_551, %select_n3A_557 : vector<16xi32>
        %min3A_573 = arith.minsi %select_n3A_563, %select_n3A_569 : vector<16xi32>
        %min3A_574 = arith.minsi %min3A, %min3A_570 : vector<16xi32>
        %min3A_575 = arith.minsi %min3A_571, %min3A_572 : vector<16xi32>
        %min3A_576 = arith.minsi %min3A_574, %min3A_575 : vector<16xi32>
        %min3A_577 = arith.minsi %min3A_576, %min3A_573 : vector<16xi32>
        %reduce_min3A = arith.constant true
        %reduce_min3A_578 = vector.broadcast %reduce_min3A : i1 to vector<16xi1>
        %reduce_min3A_579 = arith.constant -2147483648 : i32
        %reduce_min3A_580 = vector.broadcast %reduce_min3A_579 : i32 to vector<16xi32>
        %reduce_min3A_581 = arith.xori %min3A_577, %reduce_min3A_580 : vector<16xi32>
        %reduce_min3A_582 = tpu.scan <min>, %reduce_min3A_581 masked %reduce_min3A_578 : vector<16xi32>, vector<16xi1> -> vector<16xi32>
        %reduce_min3A_583 = arith.xori %reduce_min3A_582, %reduce_min3A_580 : vector<16xi32>
        %reduce_min3A_584 = vector.extract %reduce_min3A_583[15] : i32 from vector<16xi32>
        %mul3A_585 = arith.constant 32 : i32
        %mul3A_586 = arith.muli %reduce_min3A_584, %mul3A_585 : i32
        %get3A_587 = arith.index_cast %mul3A_586 : i32 to index
        %get3A_588 = tpu.vector_load %arg11[%get3A_587] {strides = array<i32>} : memref<5024xf32, #tpu.memory_space<vmem>>, vector<16xf32>,
        %mul3A_589 = arith.constant 32 : i32
        %mul3A_590 = arith.muli %reduce_min3A_584, %mul3A_589 : i32
        %add3A_591 = arith.constant 16 : i32
        %add3A_592 = arith.addi %mul3A_590, %add3A_591 : i32
        %get3A_593 = arith.index_cast %add3A_592 : i32 to index
        %get3A_594 = tpu.vector_load %arg11[%get3A_593] {strides = array<i32>} : memref<5024xf32, #tpu.memory_space<vmem>>, vector<16xf32>,
        %eq3A_595 = arith.cmpf oeq, %get3A_588, %broadcast_in_dim3A_510 : vector<16xf32>
        %broadcast_in_dim3A_596 = vector.broadcast %while3A : i32 to vector<16xi32>
        %select_n3A_597 = arith.select %eq3A_595, %iota3A, %broadcast_in_dim3A_596 : vector<16xi1>, vector<16xi32>
        %reduce_min3A_598 = arith.constant true
        %reduce_min3A_599 = vector.broadcast %reduce_min3A_598 : i1 to vector<16xi1>
        %reduce_min3A_600 = arith.constant -2147483648 : i32
        %reduce_min3A_601 = vector.broadcast %reduce_min3A_600 : i32 to vector<16xi32>
        %reduce_min3A_602 = arith.xori %select_n3A_597, %reduce_min3A_601 : vector<16xi32>
        %reduce_min3A_603 = tpu.scan <min>, %reduce_min3A_602 masked %reduce_min3A_599 : vector<16xi32>, vector<16xi1> -> vector<16xi32>
        %reduce_min3A_604 = arith.xori %reduce_min3A_603, %reduce_min3A_601 : vector<16xi32>
        %reduce_min3A_605 = vector.extract %reduce_min3A_604[15] : i32 from vector<16xi32>
        %eq3A_606 = arith.cmpf oeq, %get3A_594, %broadcast_in_dim3A_510 : vector<16xf32>
        %add3A_607 = arith.constant 16 : i32
        %add3A_608 = vector.broadcast %add3A_607 : i32 to vector<16xi32>
        %add3A_609 = arith.addi %iota3A, %add3A_608 : vector<16xi32>
        %broadcast_in_dim3A_610 = vector.broadcast %while3A : i32 to vector<16xi32>
        %select_n3A_611 = arith.select %eq3A_606, %add3A_609, %broadcast_in_dim3A_610 : vector<16xi1>, vector<16xi32>
        %reduce_min3A_612 = arith.constant true
        %reduce_min3A_613 = vector.broadcast %reduce_min3A_612 : i1 to vector<16xi1>
        %reduce_min3A_614 = arith.constant -2147483648 : i32
        %reduce_min3A_615 = vector.broadcast %reduce_min3A_614 : i32 to vector<16xi32>
        %reduce_min3A_616 = arith.xori %select_n3A_611, %reduce_min3A_615 : vector<16xi32>
        %reduce_min3A_617 = tpu.scan <min>, %reduce_min3A_616 masked %reduce_min3A_613 : vector<16xi32>, vector<16xi1> -> vector<16xi32>
        %reduce_min3A_618 = arith.xori %reduce_min3A_617, %reduce_min3A_615 : vector<16xi32>
        %reduce_min3A_619 = vector.extract %reduce_min3A_618[15] : i32 from vector<16xi32>
        %min3A_620 = arith.minsi %reduce_min3A_605, %reduce_min3A_619 : i32
        %mul3A_621 = arith.constant 32 : i32
        %mul3A_622 = arith.muli %reduce_min3A_584, %mul3A_621 : i32
        %add3A_623 = arith.addi %mul3A_622, %min3A_620 : i32
        %min3A_624 = arith.constant 4999 : i32
        %min3A_625 = arith.minsi %add3A_623, %min3A_624 : i32
        %mul3A_626 = arith.constant 4 : i32
        %mul3A_627 = arith.muli %min3A_625, %mul3A_626 : i32
        %get3A_628 = arith.index_cast %mul3A_627 : i32 to index
        %get3A_629 = tpu.vector_load %arg13[%get3A_628] {strides = array<i32>} : memref<20016xf32, #tpu.memory_space<vmem>>, vector<16xf32>,
        %slice3A = vector.extract_strided_slice %get3A_629 {offsets = [0], sizes = [1], strides = [1]} : vector<16xf32> to vector<1xf32>
        %squeeze3A = vector.extract %slice3A[0] : f32 from vector<1xf32>
        %slice3A_630 = vector.extract_strided_slice %get3A_629 {offsets = [1], sizes = [1], strides = [1]} : vector<16xf32> to vector<1xf32>
        %squeeze3A_631 = vector.extract %slice3A_630[0] : f32 from vector<1xf32>
        %slice3A_632 = vector.extract_strided_slice %get3A_629 {offsets = [2], sizes = [1], strides = [1]} : vector<16xf32> to vector<1xf32>
        %squeeze3A_633 = vector.extract %slice3A_632[0] : f32 from vector<1xf32>
        %slice3A_634 = vector.extract_strided_slice %get3A_629 {offsets = [3], sizes = [1], strides = [1]} : vector<16xf32> to vector<1xf32>
        %squeeze3A_635 = vector.extract %slice3A_634[0] : f32 from vector<1xf32>
        %get3A_636 = arith.index_cast %min3A_625 : i32 to index
        %get3A_637 = tpu.vector_load %arg12[%get3A_636] {strides = array<i32>} : memref<5040xi32, #tpu.memory_space<vmem>>, vector<16xi32>,
        %slice3A_638 = vector.extract_strided_slice %get3A_637 {offsets = [0], sizes = [1], strides = [1]} : vector<16xi32> to vector<1xi32>
        %squeeze3A_639 = vector.extract %slice3A_638[0] : i32 from vector<1xi32>
        %broadcast_in_dim3A_640 = vector.broadcast %squeeze3A : f32 to vector<16xf32>
        %broadcast_in_dim3A_641 = vector.broadcast %squeeze3A_631 : f32 to vector<16xf32>
        %broadcast_in_dim3A_642 = vector.broadcast %squeeze3A_633 : f32 to vector<16xf32>
        %broadcast_in_dim3A_643 = vector.broadcast %squeeze3A_635 : f32 to vector<16xf32>
        %sub3A = arith.subf %squeeze3A_633, %squeeze3A : f32
        %sub3A_644 = arith.subf %squeeze3A_635, %squeeze3A_631 : f32
        %mul3A_645 = arith.mulf %sub3A, %sub3A_644 : f32
        %broadcast_in_dim3A_646 = vector.broadcast %mul3A_645 : f32 to vector<16xf32>
        %eq3A_647 = vector.broadcast %min3A_620 : i32 to vector<16xi32>
        %eq3A_648 = arith.cmpi eq, %iota3A, %eq3A_647 : vector<16xi32>
        %select_n3A_649 = arith.select %eq3A_648, %broadcast_in_dim3A_3, %get3A_588 : vector<16xi1>, vector<16xf32>
        %sub3A_650 = arith.constant 16 : i32
        %sub3A_651 = arith.subi %min3A_620, %sub3A_650 : i32
        %eq3A_652 = vector.broadcast %sub3A_651 : i32 to vector<16xi32>
        %eq3A_653 = arith.cmpi eq, %iota3A, %eq3A_652 : vector<16xi32>
        %select_n3A_654 = arith.select %eq3A_653, %broadcast_in_dim3A_3, %get3A_594 : vector<16xi1>, vector<16xf32>
        %mul3A_655 = arith.constant 32 : i32
        %mul3A_656 = arith.muli %reduce_min3A_584, %mul3A_655 : i32
        %swap3A_657 = arith.index_cast %mul3A_656 : i32 to index
        %swap3A_658 = tpu.vector_load %arg11[%swap3A_657] {strides = array<i32>} : memref<5024xf32, #tpu.memory_space<vmem>>, vector<16xf32>,
        tpu.vector_store %arg11[%swap3A_657], %select_n3A_649 {strides = array<i32>} : memref<5024xf32, #tpu.memory_space<vmem>>, vector<16xf32>,
        %mul3A_659 = arith.constant 32 : i32
        %mul3A_660 = arith.muli %reduce_min3A_584, %mul3A_659 : i32
        %add3A_661 = arith.constant 16 : i32
        %add3A_662 = arith.addi %mul3A_660, %add3A_661 : i32
        %swap3A_663 = arith.index_cast %add3A_662 : i32 to index
        %swap3A_664 = tpu.vector_load %arg11[%swap3A_663] {strides = array<i32>} : memref<5024xf32, #tpu.memory_space<vmem>>, vector<16xf32>,
        tpu.vector_store %arg11[%swap3A_663], %select_n3A_654 {strides = array<i32>} : memref<5024xf32, #tpu.memory_space<vmem>>, vector<16xf32>,
        %max3A_665 = arith.maximumf %select_n3A_649, %select_n3A_654 : vector<16xf32>
        %reduce_max3A_666 = arith.constant true
        %reduce_max3A_667 = vector.broadcast %reduce_max3A_666 : i1 to vector<16xi1>
        %reduce_max3A_668 = tpu.scan <max>, %max3A_665 masked %reduce_max3A_667 : vector<16xf32>, vector<16xi1> -> vector<16xf32>
        %reduce_max3A_669 = vector.extract %reduce_max3A_668[15] : f32 from vector<16xf32>
        %broadcast_in_dim3A_670 = vector.broadcast %reduce_max3A_669 : f32 to vector<16xf32>
        %jit3A = arith.constant 16 : i32
        %div3A = arith.divsi %reduce_min3A_584, %jit3A : i32
        %sign3A = arith.constant 0 : i32
        %sign3A_671 = arith.cmpi sgt, %reduce_min3A_584, %sign3A : i32
        %sign3A_672 = arith.extui %sign3A_671 : i1 to i32
        %sign3A_673 = arith.constant 0 : i32
        %sign3A_674 = arith.cmpi slt, %reduce_min3A_584, %sign3A_673 : i32
        %sign3A_675 = arith.extui %sign3A_674 : i1 to i32
        %sign3A_676 = arith.subi %sign3A_672, %sign3A_675 : i32
        %sign3A_677 = arith.constant 0 : i32
        %sign3A_678 = arith.cmpi sgt, %jit3A, %sign3A_677 : i32
        %sign3A_679 = arith.extui %sign3A_678 : i1 to i32
        %sign3A_680 = arith.constant 0 : i32
        %sign3A_681 = arith.cmpi slt, %jit3A, %sign3A_680 : i32
        %sign3A_682 = arith.extui %sign3A_681 : i1 to i32
        %sign3A_683 = arith.subi %sign3A_679, %sign3A_682 : i32
        %ne3A = arith.cmpi ne, %sign3A_676, %sign3A_683 : i32
        %rem3A = arith.remsi %reduce_min3A_584, %jit3A : i32
        %ne3A_684 = arith.constant 0 : i32
        %ne3A_685 = arith.cmpi ne, %rem3A, %ne3A_684 : i32
        %and3A = arith.andi %ne3A, %ne3A_685 : i1
        %sub3A_686 = arith.constant 1 : i32
        %sub3A_687 = arith.subi %div3A, %sub3A_686 : i32
        %select_n3A_688 = arith.select %and3A, %sub3A_687, %div3A : i32
        %mul3A_689 = arith.constant 16 : i32
        %mul3A_690 = arith.muli %select_n3A_688, %mul3A_689 : i32
        %sub3A_691 = arith.subi %reduce_min3A_584, %mul3A_690 : i32
        %eq3A_692 = arith.constant 0 : i32
        %eq3A_693 = arith.cmpi eq, %select_n3A_688, %eq3A_692 : i32
        %eq3A_694 = vector.broadcast %sub3A_691 : i32 to vector<16xi32>
        %eq3A_695 = arith.cmpi eq, %iota3A, %eq3A_694 : vector<16xi32>
        %select_n3A_696 = arith.select %eq3A_695, %broadcast_in_dim3A_670, %while3A_488 : vector<16xi1>, vector<16xf32>
        %select_n3A_697 = arith.select %eq3A_693, %select_n3A_696, %while3A_488 : vector<16xf32>
        %eq3A_698 = arith.constant 1 : i32
        %eq3A_699 = arith.cmpi eq, %select_n3A_688, %eq3A_698 : i32
        %eq3A_700 = vector.broadcast %sub3A_691 : i32 to vector<16xi32>
        %eq3A_701 = arith.cmpi eq, %iota3A, %eq3A_700 : vector<16xi32>
        %select_n3A_702 = arith.select %eq3A_701, %broadcast_in_dim3A_670, %while3A_489 : vector<16xi1>, vector<16xf32>
        %select_n3A_703 = arith.select %eq3A_699, %select_n3A_702, %while3A_489 : vector<16xf32>
        %eq3A_704 = arith.constant 2 : i32
        %eq3A_705 = arith.cmpi eq, %select_n3A_688, %eq3A_704 : i32
        %eq3A_706 = vector.broadcast %sub3A_691 : i32 to vector<16xi32>
        %eq3A_707 = arith.cmpi eq, %iota3A, %eq3A_706 : vector<16xi32>
        %select_n3A_708 = arith.select %eq3A_707, %broadcast_in_dim3A_670, %while3A_490 : vector<16xi1>, vector<16xf32>
        %select_n3A_709 = arith.select %eq3A_705, %select_n3A_708, %while3A_490 : vector<16xf32>
        %eq3A_710 = arith.constant 3 : i32
        %eq3A_711 = arith.cmpi eq, %select_n3A_688, %eq3A_710 : i32
        %eq3A_712 = vector.broadcast %sub3A_691 : i32 to vector<16xi32>
        %eq3A_713 = arith.cmpi eq, %iota3A, %eq3A_712 : vector<16xi32>
        %select_n3A_714 = arith.select %eq3A_713, %broadcast_in_dim3A_670, %while3A_491 : vector<16xi1>, vector<16xf32>
        %select_n3A_715 = arith.select %eq3A_711, %select_n3A_714, %while3A_491 : vector<16xf32>
        %eq3A_716 = arith.constant 4 : i32
        %eq3A_717 = arith.cmpi eq, %select_n3A_688, %eq3A_716 : i32
        %eq3A_718 = vector.broadcast %sub3A_691 : i32 to vector<16xi32>
        %eq3A_719 = arith.cmpi eq, %iota3A, %eq3A_718 : vector<16xi32>
        %select_n3A_720 = arith.select %eq3A_719, %broadcast_in_dim3A_670, %while3A_492 : vector<16xi1>, vector<16xf32>
        %select_n3A_721 = arith.select %eq3A_717, %select_n3A_720, %while3A_492 : vector<16xf32>
        %eq3A_722 = arith.constant 5 : i32
        %eq3A_723 = arith.cmpi eq, %select_n3A_688, %eq3A_722 : i32
        %eq3A_724 = vector.broadcast %sub3A_691 : i32 to vector<16xi32>
        %eq3A_725 = arith.cmpi eq, %iota3A, %eq3A_724 : vector<16xi32>
        %select_n3A_726 = arith.select %eq3A_725, %broadcast_in_dim3A_670, %while3A_493 : vector<16xi1>, vector<16xf32>
        %select_n3A_727 = arith.select %eq3A_723, %select_n3A_726, %while3A_493 : vector<16xf32>
        %eq3A_728 = arith.constant 6 : i32
        %eq3A_729 = arith.cmpi eq, %select_n3A_688, %eq3A_728 : i32
        %eq3A_730 = vector.broadcast %sub3A_691 : i32 to vector<16xi32>
        %eq3A_731 = arith.cmpi eq, %iota3A, %eq3A_730 : vector<16xi32>
        %select_n3A_732 = arith.select %eq3A_731, %broadcast_in_dim3A_670, %while3A_494 : vector<16xi1>, vector<16xf32>
        %select_n3A_733 = arith.select %eq3A_729, %select_n3A_732, %while3A_494 : vector<16xf32>
        %eq3A_734 = arith.constant 7 : i32
        %eq3A_735 = arith.cmpi eq, %select_n3A_688, %eq3A_734 : i32
        %eq3A_736 = vector.broadcast %sub3A_691 : i32 to vector<16xi32>
        %eq3A_737 = arith.cmpi eq, %iota3A, %eq3A_736 : vector<16xi32>
        %select_n3A_738 = arith.select %eq3A_737, %broadcast_in_dim3A_670, %while3A_495 : vector<16xi1>, vector<16xf32>
        %select_n3A_739 = arith.select %eq3A_735, %select_n3A_738, %while3A_495 : vector<16xf32>
        %eq3A_740 = arith.constant 8 : i32
        %eq3A_741 = arith.cmpi eq, %select_n3A_688, %eq3A_740 : i32
        %eq3A_742 = vector.broadcast %sub3A_691 : i32 to vector<16xi32>
        %eq3A_743 = arith.cmpi eq, %iota3A, %eq3A_742 : vector<16xi32>
        %select_n3A_744 = arith.select %eq3A_743, %broadcast_in_dim3A_670, %while3A_496 : vector<16xi1>, vector<16xf32>
        %select_n3A_745 = arith.select %eq3A_741, %select_n3A_744, %while3A_496 : vector<16xf32>
        %eq3A_746 = arith.constant 9 : i32
        %eq3A_747 = arith.cmpi eq, %select_n3A_688, %eq3A_746 : i32
        %eq3A_748 = vector.broadcast %sub3A_691 : i32 to vector<16xi32>
        %eq3A_749 = arith.cmpi eq, %iota3A, %eq3A_748 : vector<16xi32>
        %select_n3A_750 = arith.select %eq3A_749, %broadcast_in_dim3A_670, %while3A_497 : vector<16xi1>, vector<16xf32>
        %select_n3A_751 = arith.select %eq3A_747, %select_n3A_750, %while3A_497 : vector<16xf32>
        %gt3A_752 = arith.cmpf ogt, %squeeze3A_633, %squeeze3A : f32
        %gt3A_753 = arith.cmpf ogt, %squeeze3A_635, %squeeze3A_631 : f32
        %and3A_754 = arith.andi %gt3A_752, %gt3A_753 : i1
        %add3A_755 = arith.constant 15 : i32
        %add3A_756 = arith.addi %while3A_486, %add3A_755 : i32
        %jit3A_757 = arith.constant 16 : i32
        %div3A_758 = arith.divsi %add3A_756, %jit3A_757 : i32
        %sign3A_759 = arith.constant 0 : i32
        %sign3A_760 = arith.cmpi sgt, %add3A_756, %sign3A_759 : i32
        %sign3A_761 = arith.extui %sign3A_760 : i1 to i32
        %sign3A_762 = arith.constant 0 : i32
        %sign3A_763 = arith.cmpi slt, %add3A_756, %sign3A_762 : i32
        %sign3A_764 = arith.extui %sign3A_763 : i1 to i32
        %sign3A_765 = arith.subi %sign3A_761, %sign3A_764 : i32
        %sign3A_766 = arith.constant 0 : i32
        %sign3A_767 = arith.cmpi sgt, %jit3A_757, %sign3A_766 : i32
        %sign3A_768 = arith.extui %sign3A_767 : i1 to i32
        %sign3A_769 = arith.constant 0 : i32
        %sign3A_770 = arith.cmpi slt, %jit3A_757, %sign3A_769 : i32
        %sign3A_771 = arith.extui %sign3A_770 : i1 to i32
        %sign3A_772 = arith.subi %sign3A_768, %sign3A_771 : i32
        %ne3A_773 = arith.cmpi ne, %sign3A_765, %sign3A_772 : i32
        %rem3A_774 = arith.remsi %add3A_756, %jit3A_757 : i32
        %ne3A_775 = arith.constant 0 : i32
        %ne3A_776 = arith.cmpi ne, %rem3A_774, %ne3A_775 : i32
        %and3A_777 = arith.andi %ne3A_773, %ne3A_776 : i1
        %sub3A_778 = arith.constant 1 : i32
        %sub3A_779 = arith.subi %div3A_758, %sub3A_778 : i32
        %select_n3A_780 = arith.select %and3A_777, %sub3A_779, %div3A_758 : i32
        %jit3A_781 = arith.constant 0 : i32
        %select_n3A_782 = arith.select %and3A_754, %select_n3A_780, %jit3A_781 : i32
        %broadcast_in_dim3A_783 = arith.constant false
        %broadcast_in_dim3A_784 = vector.broadcast %broadcast_in_dim3A_783 : i1 to vector<16xi1>
        %while3A_785 = arith.constant 0 : i32
        %while3A_786 = arith.subi %select_n3A_782, %while3A_785 : i32
        %while3A_787 = arith.addi %while3A_785, %while3A_786 : i32
        %while3A_788 = arith.constant 1 : i32
        %while3A_789 = arith.divsi %while3A_786, %while3A_788 : i32
        %while3A_790 = arith.muli %while3A_789, %while3A_788 : i32
        %while3A_791 = arith.addi %while3A_785, %while3A_790 : i32
        %while3A_792 = arith.constant 1 : i32
        %while3A_793 = scf.for %while3A_954 = %while3A_785 to %while3A_791 step %while3A_792 iter_args(%while3A_955 = %broadcast_in_dim3A_784) -> (vector<16xi1>)  : i32 {
          %mul3A_956 = arith.constant 16 : i32
          %mul3A_957 = arith.muli %while3A_954, %mul3A_956 : i32
          %get3A_958 = arith.index_cast %mul3A_957 : i32 to index
          %get3A_959 = tpu.vector_load %arg21[%get3A_958] {strides = array<i32>} : memref<304xf32, #tpu.memory_space<vmem>>, vector<16xf32>,
          %get3A_960 = arith.index_cast %mul3A_957 : i32 to index
          %get3A_961 = tpu.vector_load %arg22[%get3A_960] {strides = array<i32>} : memref<304xf32, #tpu.memory_space<vmem>>, vector<16xf32>,
          %get3A_962 = arith.index_cast %mul3A_957 : i32 to index
          %get3A_963 = tpu.vector_load %arg23[%get3A_962] {strides = array<i32>} : memref<304xf32, #tpu.memory_space<vmem>>, vector<16xf32>,
          %get3A_964 = arith.index_cast %mul3A_957 : i32 to index
          %get3A_965 = tpu.vector_load %arg24[%get3A_964] {strides = array<i32>} : memref<304xf32, #tpu.memory_space<vmem>>, vector<16xf32>,
          %get3A_966 = arith.index_cast %mul3A_957 : i32 to index
          %get3A_967 = tpu.vector_load %arg25[%get3A_966] {strides = array<i32>} : memref<304xf32, #tpu.memory_space<vmem>>, vector<16xf32>,
          %max3A_968 = arith.maximumf %get3A_959, %broadcast_in_dim3A_640 : vector<16xf32>
          %max3A_969 = arith.maximumf %get3A_961, %broadcast_in_dim3A_641 : vector<16xf32>
          %min3A_970 = arith.minimumf %get3A_963, %broadcast_in_dim3A_642 : vector<16xf32>
          %min3A_971 = arith.minimumf %get3A_965, %broadcast_in_dim3A_643 : vector<16xf32>
          %sub3A_972 = arith.subf %min3A_970, %max3A_968 : vector<16xf32>
          %max3A_973 = arith.constant 0.000000e+00 : f32
          %max3A_974 = vector.broadcast %max3A_973 : f32 to vector<16xf32>
          %max3A_975 = arith.maximumf %max3A_974, %sub3A_972 : vector<16xf32>
          %sub3A_976 = arith.subf %min3A_971, %max3A_969 : vector<16xf32>
          %max3A_977 = arith.constant 0.000000e+00 : f32
          %max3A_978 = vector.broadcast %max3A_977 : f32 to vector<16xf32>
          %max3A_979 = arith.maximumf %max3A_978, %sub3A_976 : vector<16xf32>
          %mul3A_980 = arith.mulf %max3A_975, %max3A_979 : vector<16xf32>
          %add3A_981 = arith.addf %get3A_967, %broadcast_in_dim3A_646 : vector<16xf32>
          %sub3A_982 = arith.subf %add3A_981, %mul3A_980 : vector<16xf32>
          %gt3A_983 = arith.constant 0.000000e+00 : f32
          %gt3A_984 = vector.broadcast %gt3A_983 : f32 to vector<16xf32>
          %gt3A_985 = arith.cmpf ogt, %sub3A_982, %gt3A_984 : vector<16xf32>
          %div3A_986 = arith.divf %mul3A_980, %sub3A_982 : vector<16xf32>
          %jit3A_987 = arith.constant 0.000000e+00 : f32
          %broadcast_in_dim3A_988 = vector.broadcast %jit3A_987 : f32 to vector<16xf32>
          %select_n3A_989 = arith.select %gt3A_985, %div3A_986, %broadcast_in_dim3A_988 : vector<16xi1>, vector<16xf32>
          %gt3A_990 = arith.constant 5.000000e-01 : f32
          %gt3A_991 = vector.broadcast %gt3A_990 : f32 to vector<16xf32>
          %gt3A_992 = arith.cmpf ogt, %select_n3A_989, %gt3A_991 : vector<16xf32>
          %or3A = arith.ori %while3A_955, %gt3A_992 : vector<16xi1>
          scf.yield %or3A : vector<16xi1>
        }
        %while3A_794 = arith.constant 1 : i32
        %while3A_795 = scf.for %while3A_954 = %while3A_791 to %while3A_787 step %while3A_794 iter_args(%while3A_955 = %while3A_793) -> (vector<16xi1>)  : i32 {
          %mul3A_956 = arith.constant 16 : i32
          %mul3A_957 = arith.muli %while3A_954, %mul3A_956 : i32
          %get3A_958 = arith.index_cast %mul3A_957 : i32 to index
          %get3A_959 = tpu.vector_load %arg21[%get3A_958] {strides = array<i32>} : memref<304xf32, #tpu.memory_space<vmem>>, vector<16xf32>,
          %get3A_960 = arith.index_cast %mul3A_957 : i32 to index
          %get3A_961 = tpu.vector_load %arg22[%get3A_960] {strides = array<i32>} : memref<304xf32, #tpu.memory_space<vmem>>, vector<16xf32>,
          %get3A_962 = arith.index_cast %mul3A_957 : i32 to index
          %get3A_963 = tpu.vector_load %arg23[%get3A_962] {strides = array<i32>} : memref<304xf32, #tpu.memory_space<vmem>>, vector<16xf32>,
          %get3A_964 = arith.index_cast %mul3A_957 : i32 to index
          %get3A_965 = tpu.vector_load %arg24[%get3A_964] {strides = array<i32>} : memref<304xf32, #tpu.memory_space<vmem>>, vector<16xf32>,
          %get3A_966 = arith.index_cast %mul3A_957 : i32 to index
          %get3A_967 = tpu.vector_load %arg25[%get3A_966] {strides = array<i32>} : memref<304xf32, #tpu.memory_space<vmem>>, vector<16xf32>,
          %max3A_968 = arith.maximumf %get3A_959, %broadcast_in_dim3A_640 : vector<16xf32>
          %max3A_969 = arith.maximumf %get3A_961, %broadcast_in_dim3A_641 : vector<16xf32>
          %min3A_970 = arith.minimumf %get3A_963, %broadcast_in_dim3A_642 : vector<16xf32>
          %min3A_971 = arith.minimumf %get3A_965, %broadcast_in_dim3A_643 : vector<16xf32>
          %sub3A_972 = arith.subf %min3A_970, %max3A_968 : vector<16xf32>
          %max3A_973 = arith.constant 0.000000e+00 : f32
          %max3A_974 = vector.broadcast %max3A_973 : f32 to vector<16xf32>
          %max3A_975 = arith.maximumf %max3A_974, %sub3A_972 : vector<16xf32>
          %sub3A_976 = arith.subf %min3A_971, %max3A_969 : vector<16xf32>
          %max3A_977 = arith.constant 0.000000e+00 : f32
          %max3A_978 = vector.broadcast %max3A_977 : f32 to vector<16xf32>
          %max3A_979 = arith.maximumf %max3A_978, %sub3A_976 : vector<16xf32>
          %mul3A_980 = arith.mulf %max3A_975, %max3A_979 : vector<16xf32>
          %add3A_981 = arith.addf %get3A_967, %broadcast_in_dim3A_646 : vector<16xf32>
          %sub3A_982 = arith.subf %add3A_981, %mul3A_980 : vector<16xf32>
          %gt3A_983 = arith.constant 0.000000e+00 : f32
          %gt3A_984 = vector.broadcast %gt3A_983 : f32 to vector<16xf32>
          %gt3A_985 = arith.cmpf ogt, %sub3A_982, %gt3A_984 : vector<16xf32>
          %div3A_986 = arith.divf %mul3A_980, %sub3A_982 : vector<16xf32>
          %jit3A_987 = arith.constant 0.000000e+00 : f32
          %broadcast_in_dim3A_988 = vector.broadcast %jit3A_987 : f32 to vector<16xf32>
          %select_n3A_989 = arith.select %gt3A_985, %div3A_986, %broadcast_in_dim3A_988 : vector<16xi1>, vector<16xf32>
          %gt3A_990 = arith.constant 5.000000e-01 : f32
          %gt3A_991 = vector.broadcast %gt3A_990 : f32 to vector<16xf32>
          %gt3A_992 = arith.cmpf ogt, %select_n3A_989, %gt3A_991 : vector<16xf32>
          %or3A = arith.ori %while3A_955, %gt3A_992 : vector<16xi1>
          scf.yield %or3A : vector<16xi1>
        }
        %jit3A_796 = arith.constant 1 : i32
        %jit3A_797 = arith.constant 0 : i32
        %broadcast_in_dim3A_798 = vector.broadcast %jit3A_796 : i32 to vector<16xi32>
        %broadcast_in_dim3A_799 = vector.broadcast %jit3A_797 : i32 to vector<16xi32>
        %select_n3A_800 = arith.select %while3A_795, %broadcast_in_dim3A_798, %broadcast_in_dim3A_799 : vector<16xi1>, vector<16xi32>
        %reduce_max3A_801 = arith.constant true
        %reduce_max3A_802 = vector.broadcast %reduce_max3A_801 : i1 to vector<16xi1>
        %reduce_max3A_803 = arith.constant -2147483648 : i32
        %reduce_max3A_804 = vector.broadcast %reduce_max3A_803 : i32 to vector<16xi32>
        %reduce_max3A_805 = arith.xori %select_n3A_800, %reduce_max3A_804 : vector<16xi32>
        %reduce_max3A_806 = tpu.scan <max>, %reduce_max3A_805 masked %reduce_max3A_802 : vector<16xi32>, vector<16xi1> -> vector<16xi32>
        %reduce_max3A_807 = arith.xori %reduce_max3A_806, %reduce_max3A_804 : vector<16xi32>
        %reduce_max3A_808 = vector.extract %reduce_max3A_807[15] : i32 from vector<16xi32>
        %gt3A_809 = arith.constant 0 : i32
        %gt3A_810 = arith.cmpi sgt, %reduce_max3A_808, %gt3A_809 : i32
        %not3A = arith.constant true
        %not3A_811 = arith.xori %gt3A_810, %not3A : i1
        %and3A_812 = arith.andi %gt3A_509, %not3A_811 : i1
        %jit3A_813 = arith.constant 16 : i32
        %div3A_814 = arith.divsi %while3A_485, %jit3A_813 : i32
        %sign3A_815 = arith.constant 0 : i32
        %sign3A_816 = arith.cmpi sgt, %while3A_485, %sign3A_815 : i32
        %sign3A_817 = arith.extui %sign3A_816 : i1 to i32
        %sign3A_818 = arith.constant 0 : i32
        %sign3A_819 = arith.cmpi slt, %while3A_485, %sign3A_818 : i32
        %sign3A_820 = arith.extui %sign3A_819 : i1 to i32
        %sign3A_821 = arith.subi %sign3A_817, %sign3A_820 : i32
        %sign3A_822 = arith.constant 0 : i32
        %sign3A_823 = arith.cmpi sgt, %jit3A_813, %sign3A_822 : i32
        %sign3A_824 = arith.extui %sign3A_823 : i1 to i32
        %sign3A_825 = arith.constant 0 : i32
        %sign3A_826 = arith.cmpi slt, %jit3A_813, %sign3A_825 : i32
        %sign3A_827 = arith.extui %sign3A_826 : i1 to i32
        %sign3A_828 = arith.subi %sign3A_824, %sign3A_827 : i32
        %ne3A_829 = arith.cmpi ne, %sign3A_821, %sign3A_828 : i32
        %rem3A_830 = arith.remsi %while3A_485, %jit3A_813 : i32
        %ne3A_831 = arith.constant 0 : i32
        %ne3A_832 = arith.cmpi ne, %rem3A_830, %ne3A_831 : i32
        %and3A_833 = arith.andi %ne3A_829, %ne3A_832 : i1
        %sub3A_834 = arith.constant 1 : i32
        %sub3A_835 = arith.subi %div3A_814, %sub3A_834 : i32
        %select_n3A_836 = arith.select %and3A_833, %sub3A_835, %div3A_814 : i32
        %mul3A_837 = arith.constant 16 : i32
        %mul3A_838 = arith.muli %select_n3A_836, %mul3A_837 : i32
        %sub3A_839 = arith.subi %while3A_485, %mul3A_838 : i32
        %eq3A_840 = vector.broadcast %sub3A_839 : i32 to vector<16xi32>
        %eq3A_841 = arith.cmpi eq, %iota3A, %eq3A_840 : vector<16xi32>
        %broadcast_in_dim3A_842 = vector.broadcast %and3A_812 : i1 to vector<16xi1>
        %and3A_843 = arith.andi %eq3A_841, %broadcast_in_dim3A_842 : vector<16xi1>
        %broadcast_in_dim3A_844 = vector.broadcast %squeeze3A : f32 to vector<16xf32>
        %get3A_845 = arith.index_cast %mul3A_838 : i32 to index
        %get3A_846 = tpu.vector_load %arg15[%get3A_845] {strides = array<i32>} : memref<304xf32, #tpu.memory_space<vmem>>, vector<16xf32>,
        %select_n3A_847 = arith.select %and3A_843, %broadcast_in_dim3A_844, %get3A_846 : vector<16xi1>, vector<16xf32>
        %swap3A_848 = arith.index_cast %mul3A_838 : i32 to index
        %swap3A_849 = tpu.vector_load %arg15[%swap3A_848] {strides = array<i32>} : memref<304xf32, #tpu.memory_space<vmem>>, vector<16xf32>,
        tpu.vector_store %arg15[%swap3A_848], %select_n3A_847 {strides = array<i32>} : memref<304xf32, #tpu.memory_space<vmem>>, vector<16xf32>,
        %broadcast_in_dim3A_850 = vector.broadcast %squeeze3A_631 : f32 to vector<16xf32>
        %get3A_851 = arith.index_cast %mul3A_838 : i32 to index
        %get3A_852 = tpu.vector_load %arg16[%get3A_851] {strides = array<i32>} : memref<304xf32, #tpu.memory_space<vmem>>, vector<16xf32>,
        %select_n3A_853 = arith.select %and3A_843, %broadcast_in_dim3A_850, %get3A_852 : vector<16xi1>, vector<16xf32>
        %swap3A_854 = arith.index_cast %mul3A_838 : i32 to index
        %swap3A_855 = tpu.vector_load %arg16[%swap3A_854] {strides = array<i32>} : memref<304xf32, #tpu.memory_space<vmem>>, vector<16xf32>,
        tpu.vector_store %arg16[%swap3A_854], %select_n3A_853 {strides = array<i32>} : memref<304xf32, #tpu.memory_space<vmem>>, vector<16xf32>,
        %broadcast_in_dim3A_856 = vector.broadcast %squeeze3A_633 : f32 to vector<16xf32>
        %get3A_857 = arith.index_cast %mul3A_838 : i32 to index
        %get3A_858 = tpu.vector_load %arg17[%get3A_857] {strides = array<i32>} : memref<304xf32, #tpu.memory_space<vmem>>, vector<16xf32>,
        %select_n3A_859 = arith.select %and3A_843, %broadcast_in_dim3A_856, %get3A_858 : vector<16xi1>, vector<16xf32>
        %swap3A_860 = arith.index_cast %mul3A_838 : i32 to index
        %swap3A_861 = tpu.vector_load %arg17[%swap3A_860] {strides = array<i32>} : memref<304xf32, #tpu.memory_space<vmem>>, vector<16xf32>,
        tpu.vector_store %arg17[%swap3A_860], %select_n3A_859 {strides = array<i32>} : memref<304xf32, #tpu.memory_space<vmem>>, vector<16xf32>,
        %broadcast_in_dim3A_862 = vector.broadcast %squeeze3A_635 : f32 to vector<16xf32>
        %get3A_863 = arith.index_cast %mul3A_838 : i32 to index
        %get3A_864 = tpu.vector_load %arg18[%get3A_863] {strides = array<i32>} : memref<304xf32, #tpu.memory_space<vmem>>, vector<16xf32>,
        %select_n3A_865 = arith.select %and3A_843, %broadcast_in_dim3A_862, %get3A_864 : vector<16xi1>, vector<16xf32>
        %swap3A_866 = arith.index_cast %mul3A_838 : i32 to index
        %swap3A_867 = tpu.vector_load %arg18[%swap3A_866] {strides = array<i32>} : memref<304xf32, #tpu.memory_space<vmem>>, vector<16xf32>,
        tpu.vector_store %arg18[%swap3A_866], %select_n3A_865 {strides = array<i32>} : memref<304xf32, #tpu.memory_space<vmem>>, vector<16xf32>,
        %broadcast_in_dim3A_868 = vector.broadcast %reduce_max3A_508 : f32 to vector<16xf32>
        %get3A_869 = arith.index_cast %mul3A_838 : i32 to index
        %get3A_870 = tpu.vector_load %arg19[%get3A_869] {strides = array<i32>} : memref<304xf32, #tpu.memory_space<vmem>>, vector<16xf32>,
        %select_n3A_871 = arith.select %and3A_843, %broadcast_in_dim3A_868, %get3A_870 : vector<16xi1>, vector<16xf32>
        %swap3A_872 = arith.index_cast %mul3A_838 : i32 to index
        %swap3A_873 = tpu.vector_load %arg19[%swap3A_872] {strides = array<i32>} : memref<304xf32, #tpu.memory_space<vmem>>, vector<16xf32>,
        tpu.vector_store %arg19[%swap3A_872], %select_n3A_871 {strides = array<i32>} : memref<304xf32, #tpu.memory_space<vmem>>, vector<16xf32>,
        %sub3A_874 = arith.constant 1 : i32
        %sub3A_875 = arith.subi %squeeze3A_639, %sub3A_874 : i32
        %broadcast_in_dim3A_876 = vector.broadcast %sub3A_875 : i32 to vector<16xi32>
        %get3A_877 = arith.index_cast %mul3A_838 : i32 to index
        %get3A_878 = tpu.vector_load %arg20[%get3A_877] {strides = array<i32>} : memref<304xi32, #tpu.memory_space<vmem>>, vector<16xi32>,
        %select_n3A_879 = arith.select %and3A_843, %broadcast_in_dim3A_876, %get3A_878 : vector<16xi1>, vector<16xi32>
        %swap3A_880 = arith.index_cast %mul3A_838 : i32 to index
        %swap3A_881 = tpu.vector_load %arg20[%swap3A_880] {strides = array<i32>} : memref<304xi32, #tpu.memory_space<vmem>>, vector<16xi32>,
        tpu.vector_store %arg20[%swap3A_880], %select_n3A_879 {strides = array<i32>} : memref<304xi32, #tpu.memory_space<vmem>>, vector<16xi32>,
        %and3A_882 = arith.andi %and3A_812, %and3A_754 : i1
        %jit3A_883 = arith.constant 16 : i32
        %div3A_884 = arith.divsi %while3A_486, %jit3A_883 : i32
        %sign3A_885 = arith.constant 0 : i32
        %sign3A_886 = arith.cmpi sgt, %while3A_486, %sign3A_885 : i32
        %sign3A_887 = arith.extui %sign3A_886 : i1 to i32
        %sign3A_888 = arith.constant 0 : i32
        %sign3A_889 = arith.cmpi slt, %while3A_486, %sign3A_888 : i32
        %sign3A_890 = arith.extui %sign3A_889 : i1 to i32
        %sign3A_891 = arith.subi %sign3A_887, %sign3A_890 : i32
        %sign3A_892 = arith.constant 0 : i32
        %sign3A_893 = arith.cmpi sgt, %jit3A_883, %sign3A_892 : i32
        %sign3A_894 = arith.extui %sign3A_893 : i1 to i32
        %sign3A_895 = arith.constant 0 : i32
        %sign3A_896 = arith.cmpi slt, %jit3A_883, %sign3A_895 : i32
        %sign3A_897 = arith.extui %sign3A_896 : i1 to i32
        %sign3A_898 = arith.subi %sign3A_894, %sign3A_897 : i32
        %ne3A_899 = arith.cmpi ne, %sign3A_891, %sign3A_898 : i32
        %rem3A_900 = arith.remsi %while3A_486, %jit3A_883 : i32
        %ne3A_901 = arith.constant 0 : i32
        %ne3A_902 = arith.cmpi ne, %rem3A_900, %ne3A_901 : i32
        %and3A_903 = arith.andi %ne3A_899, %ne3A_902 : i1
        %sub3A_904 = arith.constant 1 : i32
        %sub3A_905 = arith.subi %div3A_884, %sub3A_904 : i32
        %select_n3A_906 = arith.select %and3A_903, %sub3A_905, %div3A_884 : i32
        %mul3A_907 = arith.constant 16 : i32
        %mul3A_908 = arith.muli %select_n3A_906, %mul3A_907 : i32
        %sub3A_909 = arith.subi %while3A_486, %mul3A_908 : i32
        %eq3A_910 = vector.broadcast %sub3A_909 : i32 to vector<16xi32>
        %eq3A_911 = arith.cmpi eq, %iota3A, %eq3A_910 : vector<16xi32>
        %broadcast_in_dim3A_912 = vector.broadcast %and3A_882 : i1 to vector<16xi1>
        %and3A_913 = arith.andi %eq3A_911, %broadcast_in_dim3A_912 : vector<16xi1>
        %broadcast_in_dim3A_914 = vector.broadcast %squeeze3A : f32 to vector<16xf32>
        %get3A_915 = arith.index_cast %mul3A_908 : i32 to index
        %get3A_916 = tpu.vector_load %arg21[%get3A_915] {strides = array<i32>} : memref<304xf32, #tpu.memory_space<vmem>>, vector<16xf32>,
        %select_n3A_917 = arith.select %and3A_913, %broadcast_in_dim3A_914, %get3A_916 : vector<16xi1>, vector<16xf32>
        %swap3A_918 = arith.index_cast %mul3A_908 : i32 to index
        %swap3A_919 = tpu.vector_load %arg21[%swap3A_918] {strides = array<i32>} : memref<304xf32, #tpu.memory_space<vmem>>, vector<16xf32>,
        tpu.vector_store %arg21[%swap3A_918], %select_n3A_917 {strides = array<i32>} : memref<304xf32, #tpu.memory_space<vmem>>, vector<16xf32>,
        %broadcast_in_dim3A_920 = vector.broadcast %squeeze3A_631 : f32 to vector<16xf32>
        %get3A_921 = arith.index_cast %mul3A_908 : i32 to index
        %get3A_922 = tpu.vector_load %arg22[%get3A_921] {strides = array<i32>} : memref<304xf32, #tpu.memory_space<vmem>>, vector<16xf32>,
        %select_n3A_923 = arith.select %and3A_913, %broadcast_in_dim3A_920, %get3A_922 : vector<16xi1>, vector<16xf32>
        %swap3A_924 = arith.index_cast %mul3A_908 : i32 to index
        %swap3A_925 = tpu.vector_load %arg22[%swap3A_924] {strides = array<i32>} : memref<304xf32, #tpu.memory_space<vmem>>, vector<16xf32>,
        tpu.vector_store %arg22[%swap3A_924], %select_n3A_923 {strides = array<i32>} : memref<304xf32, #tpu.memory_space<vmem>>, vector<16xf32>,
        %broadcast_in_dim3A_926 = vector.broadcast %squeeze3A_633 : f32 to vector<16xf32>
        %get3A_927 = arith.index_cast %mul3A_908 : i32 to index
        %get3A_928 = tpu.vector_load %arg23[%get3A_927] {strides = array<i32>} : memref<304xf32, #tpu.memory_space<vmem>>, vector<16xf32>,
        %select_n3A_929 = arith.select %and3A_913, %broadcast_in_dim3A_926, %get3A_928 : vector<16xi1>, vector<16xf32>
        %swap3A_930 = arith.index_cast %mul3A_908 : i32 to index
        %swap3A_931 = tpu.vector_load %arg23[%swap3A_930] {strides = array<i32>} : memref<304xf32, #tpu.memory_space<vmem>>, vector<16xf32>,
        tpu.vector_store %arg23[%swap3A_930], %select_n3A_929 {strides = array<i32>} : memref<304xf32, #tpu.memory_space<vmem>>, vector<16xf32>,
        %broadcast_in_dim3A_932 = vector.broadcast %squeeze3A_635 : f32 to vector<16xf32>
        %get3A_933 = arith.index_cast %mul3A_908 : i32 to index
        %get3A_934 = tpu.vector_load %arg24[%get3A_933] {strides = array<i32>} : memref<304xf32, #tpu.memory_space<vmem>>, vector<16xf32>,
        %select_n3A_935 = arith.select %and3A_913, %broadcast_in_dim3A_932, %get3A_934 : vector<16xi1>, vector<16xf32>
        %swap3A_936 = arith.index_cast %mul3A_908 : i32 to index
        %swap3A_937 = tpu.vector_load %arg24[%swap3A_936] {strides = array<i32>} : memref<304xf32, #tpu.memory_space<vmem>>, vector<16xf32>,
        tpu.vector_store %arg24[%swap3A_936], %select_n3A_935 {strides = array<i32>} : memref<304xf32, #tpu.memory_space<vmem>>, vector<16xf32>,
        %broadcast_in_dim3A_938 = vector.broadcast %mul3A_645 : f32 to vector<16xf32>
        %get3A_939 = arith.index_cast %mul3A_908 : i32 to index
        %get3A_940 = tpu.vector_load %arg25[%get3A_939] {strides = array<i32>} : memref<304xf32, #tpu.memory_space<vmem>>, vector<16xf32>,
        %select_n3A_941 = arith.select %and3A_913, %broadcast_in_dim3A_938, %get3A_940 : vector<16xi1>, vector<16xf32>
        %swap3A_942 = arith.index_cast %mul3A_908 : i32 to index
        %swap3A_943 = tpu.vector_load %arg25[%swap3A_942] {strides = array<i32>} : memref<304xf32, #tpu.memory_space<vmem>>, vector<16xf32>,
        tpu.vector_store %arg25[%swap3A_942], %select_n3A_941 {strides = array<i32>} : memref<304xf32, #tpu.memory_space<vmem>>, vector<16xf32>,
        %jit3A_944 = arith.constant 1 : i32
        %jit3A_945 = arith.constant 0 : i32
        %select_n3A_946 = arith.select %and3A_812, %jit3A_944, %jit3A_945 : i32
        %add3A_947 = arith.addi %while3A_485, %select_n3A_946 : i32
        %jit3A_948 = arith.constant 1 : i32
        %jit3A_949 = arith.constant 0 : i32
        %select_n3A_950 = arith.select %and3A_882, %jit3A_948, %jit3A_949 : i32
        %add3A_951 = arith.addi %while3A_486, %select_n3A_950 : i32
        %not3A_952 = arith.constant true
        %not3A_953 = arith.xori %gt3A_509, %not3A_952 : i1
        scf.yield %add3A_947, %add3A_951, %not3A_953, %select_n3A_697, %select_n3A_703, %select_n3A_709, %select_n3A_715, %select_n3A_721, %select_n3A_727, %select_n3A_733, %select_n3A_739, %select_n3A_745, %select_n3A_751 : i32, i32, i1, vector<16xf32>, vector<16xf32>, vector<16xf32>, vector<16xf32>, vector<16xf32>, vector<16xf32>, vector<16xf32>, vector<16xf32>, vector<16xf32>, vector<16xf32>
      }
      "tpu.region"() ({
        %run_scoped3A = tpu.sem_alloc : memref<!tpu.dma_semaphore, #tpu.memory_space<semaphore_mem>>
        %dma_start3A = arith.constant 0 : i32
        %dma_start3A_485 = tpu.memref_slice %arg5[%add3A, %dma_start3A] : memref<8x304xf32, #tpu.memory_space<hbm>> -> memref<1x304xf32, #tpu.memory_space<hbm>>
        %dma_start3A_486 = tpu.memref_squeeze %dma_start3A_485 : memref<1x304xf32, #tpu.memory_space<hbm>> -> memref<304xf32, #tpu.memory_space<hbm>>
        %dma_start3A_487 = arith.constant 0 : i32
        %dma_start3A_488 = tpu.memref_slice %arg5[%add3A, %dma_start3A_487] : memref<8x304xf32, #tpu.memory_space<hbm>> -> memref<1x304xf32, #tpu.memory_space<hbm>>
        %dma_start3A_489 = tpu.memref_squeeze %dma_start3A_488 : memref<1x304xf32, #tpu.memory_space<hbm>> -> memref<304xf32, #tpu.memory_space<hbm>>
        tpu.enqueue_dma source(%arg15 : memref<304xf32, #tpu.memory_space<vmem>>) target(%dma_start3A_489 : memref<304xf32, #tpu.memory_space<hbm>>) target_semaphore(%run_scoped3A : memref<!tpu.dma_semaphore, #tpu.memory_space<semaphore_mem>>)
        %dma_wait3A = arith.constant 0 : i32
        %dma_wait3A_490 = tpu.memref_slice %arg5[%add3A, %dma_wait3A] : memref<8x304xf32, #tpu.memory_space<hbm>> -> memref<1x304xf32, #tpu.memory_space<hbm>>
        %dma_wait3A_491 = tpu.memref_squeeze %dma_wait3A_490 : memref<1x304xf32, #tpu.memory_space<hbm>> -> memref<304xf32, #tpu.memory_space<hbm>>
        %dma_wait3A_492 = arith.constant 0 : i32
        %dma_wait3A_493 = tpu.memref_slice %arg5[%add3A, %dma_wait3A_492] : memref<8x304xf32, #tpu.memory_space<hbm>> -> memref<1x304xf32, #tpu.memory_space<hbm>>
        %dma_wait3A_494 = tpu.memref_squeeze %dma_wait3A_493 : memref<1x304xf32, #tpu.memory_space<hbm>> -> memref<304xf32, #tpu.memory_space<hbm>>
        tpu.wait_dma2 semaphore(%run_scoped3A : memref<!tpu.dma_semaphore, #tpu.memory_space<semaphore_mem>>) src(%arg15 : memref<304xf32, #tpu.memory_space<vmem>>) dst(%dma_wait3A_494 : memref<304xf32, #tpu.memory_space<hbm>>)
        tpu.yield
      }) : () -> ()
      "tpu.region"() ({
        %run_scoped3A = tpu.sem_alloc : memref<!tpu.dma_semaphore, #tpu.memory_space<semaphore_mem>>
        %dma_start3A = arith.constant 0 : i32
        %dma_start3A_485 = tpu.memref_slice %arg6[%add3A, %dma_start3A] : memref<8x304xf32, #tpu.memory_space<hbm>> -> memref<1x304xf32, #tpu.memory_space<hbm>>
        %dma_start3A_486 = tpu.memref_squeeze %dma_start3A_485 : memref<1x304xf32, #tpu.memory_space<hbm>> -> memref<304xf32, #tpu.memory_space<hbm>>
        %dma_start3A_487 = arith.constant 0 : i32
        %dma_start3A_488 = tpu.memref_slice %arg6[%add3A, %dma_start3A_487] : memref<8x304xf32, #tpu.memory_space<hbm>> -> memref<1x304xf32, #tpu.memory_space<hbm>>
        %dma_start3A_489 = tpu.memref_squeeze %dma_start3A_488 : memref<1x304xf32, #tpu.memory_space<hbm>> -> memref<304xf32, #tpu.memory_space<hbm>>
        tpu.enqueue_dma source(%arg16 : memref<304xf32, #tpu.memory_space<vmem>>) target(%dma_start3A_489 : memref<304xf32, #tpu.memory_space<hbm>>) target_semaphore(%run_scoped3A : memref<!tpu.dma_semaphore, #tpu.memory_space<semaphore_mem>>)
        %dma_wait3A = arith.constant 0 : i32
        %dma_wait3A_490 = tpu.memref_slice %arg6[%add3A, %dma_wait3A] : memref<8x304xf32, #tpu.memory_space<hbm>> -> memref<1x304xf32, #tpu.memory_space<hbm>>
        %dma_wait3A_491 = tpu.memref_squeeze %dma_wait3A_490 : memref<1x304xf32, #tpu.memory_space<hbm>> -> memref<304xf32, #tpu.memory_space<hbm>>
        %dma_wait3A_492 = arith.constant 0 : i32
        %dma_wait3A_493 = tpu.memref_slice %arg6[%add3A, %dma_wait3A_492] : memref<8x304xf32, #tpu.memory_space<hbm>> -> memref<1x304xf32, #tpu.memory_space<hbm>>
        %dma_wait3A_494 = tpu.memref_squeeze %dma_wait3A_493 : memref<1x304xf32, #tpu.memory_space<hbm>> -> memref<304xf32, #tpu.memory_space<hbm>>
        tpu.wait_dma2 semaphore(%run_scoped3A : memref<!tpu.dma_semaphore, #tpu.memory_space<semaphore_mem>>) src(%arg16 : memref<304xf32, #tpu.memory_space<vmem>>) dst(%dma_wait3A_494 : memref<304xf32, #tpu.memory_space<hbm>>)
        tpu.yield
      }) : () -> ()
      "tpu.region"() ({
        %run_scoped3A = tpu.sem_alloc : memref<!tpu.dma_semaphore, #tpu.memory_space<semaphore_mem>>
        %dma_start3A = arith.constant 0 : i32
        %dma_start3A_485 = tpu.memref_slice %arg7[%add3A, %dma_start3A] : memref<8x304xf32, #tpu.memory_space<hbm>> -> memref<1x304xf32, #tpu.memory_space<hbm>>
        %dma_start3A_486 = tpu.memref_squeeze %dma_start3A_485 : memref<1x304xf32, #tpu.memory_space<hbm>> -> memref<304xf32, #tpu.memory_space<hbm>>
        %dma_start3A_487 = arith.constant 0 : i32
        %dma_start3A_488 = tpu.memref_slice %arg7[%add3A, %dma_start3A_487] : memref<8x304xf32, #tpu.memory_space<hbm>> -> memref<1x304xf32, #tpu.memory_space<hbm>>
        %dma_start3A_489 = tpu.memref_squeeze %dma_start3A_488 : memref<1x304xf32, #tpu.memory_space<hbm>> -> memref<304xf32, #tpu.memory_space<hbm>>
        tpu.enqueue_dma source(%arg17 : memref<304xf32, #tpu.memory_space<vmem>>) target(%dma_start3A_489 : memref<304xf32, #tpu.memory_space<hbm>>) target_semaphore(%run_scoped3A : memref<!tpu.dma_semaphore, #tpu.memory_space<semaphore_mem>>)
        %dma_wait3A = arith.constant 0 : i32
        %dma_wait3A_490 = tpu.memref_slice %arg7[%add3A, %dma_wait3A] : memref<8x304xf32, #tpu.memory_space<hbm>> -> memref<1x304xf32, #tpu.memory_space<hbm>>
        %dma_wait3A_491 = tpu.memref_squeeze %dma_wait3A_490 : memref<1x304xf32, #tpu.memory_space<hbm>> -> memref<304xf32, #tpu.memory_space<hbm>>
        %dma_wait3A_492 = arith.constant 0 : i32
        %dma_wait3A_493 = tpu.memref_slice %arg7[%add3A, %dma_wait3A_492] : memref<8x304xf32, #tpu.memory_space<hbm>> -> memref<1x304xf32, #tpu.memory_space<hbm>>
        %dma_wait3A_494 = tpu.memref_squeeze %dma_wait3A_493 : memref<1x304xf32, #tpu.memory_space<hbm>> -> memref<304xf32, #tpu.memory_space<hbm>>
        tpu.wait_dma2 semaphore(%run_scoped3A : memref<!tpu.dma_semaphore, #tpu.memory_space<semaphore_mem>>) src(%arg17 : memref<304xf32, #tpu.memory_space<vmem>>) dst(%dma_wait3A_494 : memref<304xf32, #tpu.memory_space<hbm>>)
        tpu.yield
      }) : () -> ()
      "tpu.region"() ({
        %run_scoped3A = tpu.sem_alloc : memref<!tpu.dma_semaphore, #tpu.memory_space<semaphore_mem>>
        %dma_start3A = arith.constant 0 : i32
        %dma_start3A_485 = tpu.memref_slice %arg8[%add3A, %dma_start3A] : memref<8x304xf32, #tpu.memory_space<hbm>> -> memref<1x304xf32, #tpu.memory_space<hbm>>
        %dma_start3A_486 = tpu.memref_squeeze %dma_start3A_485 : memref<1x304xf32, #tpu.memory_space<hbm>> -> memref<304xf32, #tpu.memory_space<hbm>>
        %dma_start3A_487 = arith.constant 0 : i32
        %dma_start3A_488 = tpu.memref_slice %arg8[%add3A, %dma_start3A_487] : memref<8x304xf32, #tpu.memory_space<hbm>> -> memref<1x304xf32, #tpu.memory_space<hbm>>
        %dma_start3A_489 = tpu.memref_squeeze %dma_start3A_488 : memref<1x304xf32, #tpu.memory_space<hbm>> -> memref<304xf32, #tpu.memory_space<hbm>>
        tpu.enqueue_dma source(%arg18 : memref<304xf32, #tpu.memory_space<vmem>>) target(%dma_start3A_489 : memref<304xf32, #tpu.memory_space<hbm>>) target_semaphore(%run_scoped3A : memref<!tpu.dma_semaphore, #tpu.memory_space<semaphore_mem>>)
        %dma_wait3A = arith.constant 0 : i32
        %dma_wait3A_490 = tpu.memref_slice %arg8[%add3A, %dma_wait3A] : memref<8x304xf32, #tpu.memory_space<hbm>> -> memref<1x304xf32, #tpu.memory_space<hbm>>
        %dma_wait3A_491 = tpu.memref_squeeze %dma_wait3A_490 : memref<1x304xf32, #tpu.memory_space<hbm>> -> memref<304xf32, #tpu.memory_space<hbm>>
        %dma_wait3A_492 = arith.constant 0 : i32
        %dma_wait3A_493 = tpu.memref_slice %arg8[%add3A, %dma_wait3A_492] : memref<8x304xf32, #tpu.memory_space<hbm>> -> memref<1x304xf32, #tpu.memory_space<hbm>>
        %dma_wait3A_494 = tpu.memref_squeeze %dma_wait3A_493 : memref<1x304xf32, #tpu.memory_space<hbm>> -> memref<304xf32, #tpu.memory_space<hbm>>
        tpu.wait_dma2 semaphore(%run_scoped3A : memref<!tpu.dma_semaphore, #tpu.memory_space<semaphore_mem>>) src(%arg18 : memref<304xf32, #tpu.memory_space<vmem>>) dst(%dma_wait3A_494 : memref<304xf32, #tpu.memory_space<hbm>>)
        tpu.yield
      }) : () -> ()
      "tpu.region"() ({
        %run_scoped3A = tpu.sem_alloc : memref<!tpu.dma_semaphore, #tpu.memory_space<semaphore_mem>>
        %dma_start3A = arith.constant 0 : i32
        %dma_start3A_485 = tpu.memref_slice %arg9[%add3A, %dma_start3A] : memref<8x304xf32, #tpu.memory_space<hbm>> -> memref<1x304xf32, #tpu.memory_space<hbm>>
        %dma_start3A_486 = tpu.memref_squeeze %dma_start3A_485 : memref<1x304xf32, #tpu.memory_space<hbm>> -> memref<304xf32, #tpu.memory_space<hbm>>
        %dma_start3A_487 = arith.constant 0 : i32
        %dma_start3A_488 = tpu.memref_slice %arg9[%add3A, %dma_start3A_487] : memref<8x304xf32, #tpu.memory_space<hbm>> -> memref<1x304xf32, #tpu.memory_space<hbm>>
        %dma_start3A_489 = tpu.memref_squeeze %dma_start3A_488 : memref<1x304xf32, #tpu.memory_space<hbm>> -> memref<304xf32, #tpu.memory_space<hbm>>
        tpu.enqueue_dma source(%arg19 : memref<304xf32, #tpu.memory_space<vmem>>) target(%dma_start3A_489 : memref<304xf32, #tpu.memory_space<hbm>>) target_semaphore(%run_scoped3A : memref<!tpu.dma_semaphore, #tpu.memory_space<semaphore_mem>>)
        %dma_wait3A = arith.constant 0 : i32
        %dma_wait3A_490 = tpu.memref_slice %arg9[%add3A, %dma_wait3A] : memref<8x304xf32, #tpu.memory_space<hbm>> -> memref<1x304xf32, #tpu.memory_space<hbm>>
        %dma_wait3A_491 = tpu.memref_squeeze %dma_wait3A_490 : memref<1x304xf32, #tpu.memory_space<hbm>> -> memref<304xf32, #tpu.memory_space<hbm>>
        %dma_wait3A_492 = arith.constant 0 : i32
        %dma_wait3A_493 = tpu.memref_slice %arg9[%add3A, %dma_wait3A_492] : memref<8x304xf32, #tpu.memory_space<hbm>> -> memref<1x304xf32, #tpu.memory_space<hbm>>
        %dma_wait3A_494 = tpu.memref_squeeze %dma_wait3A_493 : memref<1x304xf32, #tpu.memory_space<hbm>> -> memref<304xf32, #tpu.memory_space<hbm>>
        tpu.wait_dma2 semaphore(%run_scoped3A : memref<!tpu.dma_semaphore, #tpu.memory_space<semaphore_mem>>) src(%arg19 : memref<304xf32, #tpu.memory_space<vmem>>) dst(%dma_wait3A_494 : memref<304xf32, #tpu.memory_space<hbm>>)
        tpu.yield
      }) : () -> ()
      "tpu.region"() ({
        %run_scoped3A = tpu.sem_alloc : memref<!tpu.dma_semaphore, #tpu.memory_space<semaphore_mem>>
        %dma_start3A = arith.constant 0 : i32
        %dma_start3A_485 = tpu.memref_slice %arg10[%add3A, %dma_start3A] : memref<8x304xi32, #tpu.memory_space<hbm>> -> memref<1x304xi32, #tpu.memory_space<hbm>>
        %dma_start3A_486 = tpu.memref_squeeze %dma_start3A_485 : memref<1x304xi32, #tpu.memory_space<hbm>> -> memref<304xi32, #tpu.memory_space<hbm>>
        %dma_start3A_487 = arith.constant 0 : i32
        %dma_start3A_488 = tpu.memref_slice %arg10[%add3A, %dma_start3A_487] : memref<8x304xi32, #tpu.memory_space<hbm>> -> memref<1x304xi32, #tpu.memory_space<hbm>>
        %dma_start3A_489 = tpu.memref_squeeze %dma_start3A_488 : memref<1x304xi32, #tpu.memory_space<hbm>> -> memref<304xi32, #tpu.memory_space<hbm>>
        tpu.enqueue_dma source(%arg20 : memref<304xi32, #tpu.memory_space<vmem>>) target(%dma_start3A_489 : memref<304xi32, #tpu.memory_space<hbm>>) target_semaphore(%run_scoped3A : memref<!tpu.dma_semaphore, #tpu.memory_space<semaphore_mem>>)
        %dma_wait3A = arith.constant 0 : i32
        %dma_wait3A_490 = tpu.memref_slice %arg10[%add3A, %dma_wait3A] : memref<8x304xi32, #tpu.memory_space<hbm>> -> memref<1x304xi32, #tpu.memory_space<hbm>>
        %dma_wait3A_491 = tpu.memref_squeeze %dma_wait3A_490 : memref<1x304xi32, #tpu.memory_space<hbm>> -> memref<304xi32, #tpu.memory_space<hbm>>
        %dma_wait3A_492 = arith.constant 0 : i32
        %dma_wait3A_493 = tpu.memref_slice %arg10[%add3A, %dma_wait3A_492] : memref<8x304xi32, #tpu.memory_space<hbm>> -> memref<1x304xi32, #tpu.memory_space<hbm>>
        %dma_wait3A_494 = tpu.memref_squeeze %dma_wait3A_493 : memref<1x304xi32, #tpu.memory_space<hbm>> -> memref<304xi32, #tpu.memory_space<hbm>>
        tpu.wait_dma2 semaphore(%run_scoped3A : memref<!tpu.dma_semaphore, #tpu.memory_space<semaphore_mem>>) src(%arg20 : memref<304xi32, #tpu.memory_space<vmem>>) dst(%dma_wait3A_494 : memref<304xi32, #tpu.memory_space<hbm>>)
        tpu.yield
      }) : () -> ()
    } else {
    }
    return
  }
}

module attributes {stable_mosaic.version = 14 : i64} {
  func.func @_prep_body(%arg0: i32, %arg1: memref<8x8x5000xf32, #tpu.memory_space<vmem>>, %arg2: memref<8x5000xf32, #tpu.memory_space<vmem>>, %arg3: memref<8x5000xi32, #tpu.memory_space<vmem>>) attributes {dimension_semantics = [#tpu.dimension_semantics<arbitrary>], iteration_bounds = array<i64: 10>, scalar_prefetch = 0 : i64, scratch_operands = 0 : i64, tpu.core_type = #tpu.core_type<tc>, window_params = [{transform_indices = @transform_0, window_bounds = array<i64: 8, 8, 5000>}, {pipeline_mode = #tpu.pipeline_mode<synchronous>, transform_indices = @transform_1, window_bounds = array<i64: 8, 5000>}, {pipeline_mode = #tpu.pipeline_mode<synchronous>, transform_indices = @transform_2, window_bounds = array<i64: 8, 5000>}]} {
    %get3A = arith.constant 0 : index
    %get3A_0 = arith.constant 0 : index
    %get3A_1 = arith.constant 0 : index
    %get3A_2 = vector.load %arg1[%get3A, %get3A_0, %get3A_1] : memref<8x8x5000xf32, #tpu.memory_space<vmem>>, vector<1x8x5000xf32>
    %get3A_3 = vector.shape_cast %get3A_2 : vector<1x8x5000xf32> to vector<8x5000xf32>
    %broadcast_in_dim3A = arith.constant 0 : i32
    %broadcast_in_dim3A_4 = vector.broadcast %broadcast_in_dim3A : i32 to vector<8x5000xi32>
    %get3A_5 = arith.constant 1 : index
    %get3A_6 = arith.constant 0 : index
    %get3A_7 = arith.constant 0 : index
    %get3A_8 = vector.load %arg1[%get3A_5, %get3A_6, %get3A_7] : memref<8x8x5000xf32, #tpu.memory_space<vmem>>, vector<1x8x5000xf32>
    %get3A_9 = vector.shape_cast %get3A_8 : vector<1x8x5000xf32> to vector<8x5000xf32>
    %gt3A = arith.cmpf ogt, %get3A_9, %get3A_3 : vector<8x5000xf32>
    %select_n3A = arith.select %gt3A, %get3A_9, %get3A_3 : vector<8x5000xi1>, vector<8x5000xf32>
    %jit3A = arith.constant 1 : i32
    %broadcast_in_dim3A_10 = vector.broadcast %jit3A : i32 to vector<8x5000xi32>
    %select_n3A_11 = arith.select %gt3A, %broadcast_in_dim3A_10, %broadcast_in_dim3A_4 : vector<8x5000xi1>, vector<8x5000xi32>
    %get3A_12 = arith.constant 2 : index
    %get3A_13 = arith.constant 0 : index
    %get3A_14 = arith.constant 0 : index
    %get3A_15 = vector.load %arg1[%get3A_12, %get3A_13, %get3A_14] : memref<8x8x5000xf32, #tpu.memory_space<vmem>>, vector<1x8x5000xf32>
    %get3A_16 = vector.shape_cast %get3A_15 : vector<1x8x5000xf32> to vector<8x5000xf32>
    %gt3A_17 = arith.cmpf ogt, %get3A_16, %select_n3A : vector<8x5000xf32>
    %select_n3A_18 = arith.select %gt3A_17, %get3A_16, %select_n3A : vector<8x5000xi1>, vector<8x5000xf32>
    %jit3A_19 = arith.constant 2 : i32
    %broadcast_in_dim3A_20 = vector.broadcast %jit3A_19 : i32 to vector<8x5000xi32>
    %select_n3A_21 = arith.select %gt3A_17, %broadcast_in_dim3A_20, %select_n3A_11 : vector<8x5000xi1>, vector<8x5000xi32>
    %get3A_22 = arith.constant 3 : index
    %get3A_23 = arith.constant 0 : index
    %get3A_24 = arith.constant 0 : index
    %get3A_25 = vector.load %arg1[%get3A_22, %get3A_23, %get3A_24] : memref<8x8x5000xf32, #tpu.memory_space<vmem>>, vector<1x8x5000xf32>
    %get3A_26 = vector.shape_cast %get3A_25 : vector<1x8x5000xf32> to vector<8x5000xf32>
    %gt3A_27 = arith.cmpf ogt, %get3A_26, %select_n3A_18 : vector<8x5000xf32>
    %select_n3A_28 = arith.select %gt3A_27, %get3A_26, %select_n3A_18 : vector<8x5000xi1>, vector<8x5000xf32>
    %jit3A_29 = arith.constant 3 : i32
    %broadcast_in_dim3A_30 = vector.broadcast %jit3A_29 : i32 to vector<8x5000xi32>
    %select_n3A_31 = arith.select %gt3A_27, %broadcast_in_dim3A_30, %select_n3A_21 : vector<8x5000xi1>, vector<8x5000xi32>
    %get3A_32 = arith.constant 4 : index
    %get3A_33 = arith.constant 0 : index
    %get3A_34 = arith.constant 0 : index
    %get3A_35 = vector.load %arg1[%get3A_32, %get3A_33, %get3A_34] : memref<8x8x5000xf32, #tpu.memory_space<vmem>>, vector<1x8x5000xf32>
    %get3A_36 = vector.shape_cast %get3A_35 : vector<1x8x5000xf32> to vector<8x5000xf32>
    %gt3A_37 = arith.cmpf ogt, %get3A_36, %select_n3A_28 : vector<8x5000xf32>
    %select_n3A_38 = arith.select %gt3A_37, %get3A_36, %select_n3A_28 : vector<8x5000xi1>, vector<8x5000xf32>
    %jit3A_39 = arith.constant 4 : i32
    %broadcast_in_dim3A_40 = vector.broadcast %jit3A_39 : i32 to vector<8x5000xi32>
    %select_n3A_41 = arith.select %gt3A_37, %broadcast_in_dim3A_40, %select_n3A_31 : vector<8x5000xi1>, vector<8x5000xi32>
    %get3A_42 = arith.constant 5 : index
    %get3A_43 = arith.constant 0 : index
    %get3A_44 = arith.constant 0 : index
    %get3A_45 = vector.load %arg1[%get3A_42, %get3A_43, %get3A_44] : memref<8x8x5000xf32, #tpu.memory_space<vmem>>, vector<1x8x5000xf32>
    %get3A_46 = vector.shape_cast %get3A_45 : vector<1x8x5000xf32> to vector<8x5000xf32>
    %gt3A_47 = arith.cmpf ogt, %get3A_46, %select_n3A_38 : vector<8x5000xf32>
    %select_n3A_48 = arith.select %gt3A_47, %get3A_46, %select_n3A_38 : vector<8x5000xi1>, vector<8x5000xf32>
    %jit3A_49 = arith.constant 5 : i32
    %broadcast_in_dim3A_50 = vector.broadcast %jit3A_49 : i32 to vector<8x5000xi32>
    %select_n3A_51 = arith.select %gt3A_47, %broadcast_in_dim3A_50, %select_n3A_41 : vector<8x5000xi1>, vector<8x5000xi32>
    %get3A_52 = arith.constant 6 : index
    %get3A_53 = arith.constant 0 : index
    %get3A_54 = arith.constant 0 : index
    %get3A_55 = vector.load %arg1[%get3A_52, %get3A_53, %get3A_54] : memref<8x8x5000xf32, #tpu.memory_space<vmem>>, vector<1x8x5000xf32>
    %get3A_56 = vector.shape_cast %get3A_55 : vector<1x8x5000xf32> to vector<8x5000xf32>
    %gt3A_57 = arith.cmpf ogt, %get3A_56, %select_n3A_48 : vector<8x5000xf32>
    %select_n3A_58 = arith.select %gt3A_57, %get3A_56, %select_n3A_48 : vector<8x5000xi1>, vector<8x5000xf32>
    %jit3A_59 = arith.constant 6 : i32
    %broadcast_in_dim3A_60 = vector.broadcast %jit3A_59 : i32 to vector<8x5000xi32>
    %select_n3A_61 = arith.select %gt3A_57, %broadcast_in_dim3A_60, %select_n3A_51 : vector<8x5000xi1>, vector<8x5000xi32>
    %get3A_62 = arith.constant 7 : index
    %get3A_63 = arith.constant 0 : index
    %get3A_64 = arith.constant 0 : index
    %get3A_65 = vector.load %arg1[%get3A_62, %get3A_63, %get3A_64] : memref<8x8x5000xf32, #tpu.memory_space<vmem>>, vector<1x8x5000xf32>
    %get3A_66 = vector.shape_cast %get3A_65 : vector<1x8x5000xf32> to vector<8x5000xf32>
    %gt3A_67 = arith.cmpf ogt, %get3A_66, %select_n3A_58 : vector<8x5000xf32>
    %select_n3A_68 = arith.select %gt3A_67, %get3A_66, %select_n3A_58 : vector<8x5000xi1>, vector<8x5000xf32>
    %jit3A_69 = arith.constant 7 : i32
    %broadcast_in_dim3A_70 = vector.broadcast %jit3A_69 : i32 to vector<8x5000xi32>
    %select_n3A_71 = arith.select %gt3A_67, %broadcast_in_dim3A_70, %select_n3A_61 : vector<8x5000xi1>, vector<8x5000xi32>
    %mul3A = arith.constant 8 : i32
    %mul3A_72 = arith.muli %arg0, %mul3A : i32
    %add3A = vector.broadcast %mul3A_72 : i32 to vector<8x5000xi32>
    %add3A_73 = arith.addi %select_n3A_71, %add3A : vector<8x5000xi32>
    %eq3A = arith.constant 0 : i32
    %eq3A_74 = arith.cmpi eq, %arg0, %eq3A : i32
    %convert_element_type3A = arith.extui %eq3A_74 : i1 to i32
    %cond3A = arith.constant 0 : i32
    %cond3A_75 = arith.cmpi ne, %convert_element_type3A, %cond3A : i32
    scf.if %cond3A_75 {
      %swap3A = arith.constant 0 : index
      %swap3A_86 = arith.constant 0 : index
      %swap3A_87 = vector.load %arg2[%swap3A, %swap3A_86] : memref<8x5000xf32, #tpu.memory_space<vmem>>, vector<8x5000xf32>
      tpu.vector_store %arg2[%swap3A, %swap3A_86], %select_n3A_68 {strides = array<i32>} : memref<8x5000xf32, #tpu.memory_space<vmem>>, vector<8x5000xf32>,
      %swap3A_88 = arith.constant 0 : index
      %swap3A_89 = arith.constant 0 : index
      %swap3A_90 = vector.load %arg3[%swap3A_88, %swap3A_89] : memref<8x5000xi32, #tpu.memory_space<vmem>>, vector<8x5000xi32>
      tpu.vector_store %arg3[%swap3A_88, %swap3A_89], %add3A_73 {strides = array<i32>} : memref<8x5000xi32, #tpu.memory_space<vmem>>, vector<8x5000xi32>,
    } else {
    }
    %gt3A_76 = arith.constant 0 : i32
    %gt3A_77 = arith.cmpi sgt, %arg0, %gt3A_76 : i32
    %convert_element_type3A_78 = arith.extui %gt3A_77 : i1 to i32
    %cond3A_79 = arith.constant 0 : i32
    %cond3A_80 = arith.cmpi ne, %convert_element_type3A_78, %cond3A_79 : i32
    scf.if %cond3A_80 {
      %get3A_86 = arith.constant 0 : index
      %get3A_87 = arith.constant 0 : index
      %get3A_88 = vector.load %arg2[%get3A_86, %get3A_87] : memref<8x5000xf32, #tpu.memory_space<vmem>>, vector<8x5000xf32>
      %gt3A_89 = arith.cmpf ogt, %select_n3A_68, %get3A_88 : vector<8x5000xf32>
      %select_n3A_90 = arith.select %gt3A_89, %select_n3A_68, %get3A_88 : vector<8x5000xi1>, vector<8x5000xf32>
      %swap3A = arith.constant 0 : index
      %swap3A_91 = arith.constant 0 : index
      %swap3A_92 = vector.load %arg2[%swap3A, %swap3A_91] : memref<8x5000xf32, #tpu.memory_space<vmem>>, vector<8x5000xf32>
      tpu.vector_store %arg2[%swap3A, %swap3A_91], %select_n3A_90 {strides = array<i32>} : memref<8x5000xf32, #tpu.memory_space<vmem>>, vector<8x5000xf32>,
      %get3A_93 = arith.constant 0 : index
      %get3A_94 = arith.constant 0 : index
      %get3A_95 = vector.load %arg3[%get3A_93, %get3A_94] : memref<8x5000xi32, #tpu.memory_space<vmem>>, vector<8x5000xi32>
      %select_n3A_96 = arith.select %gt3A_89, %add3A_73, %get3A_95 : vector<8x5000xi1>, vector<8x5000xi32>
      %swap3A_97 = arith.constant 0 : index
      %swap3A_98 = arith.constant 0 : index
      %swap3A_99 = vector.load %arg3[%swap3A_97, %swap3A_98] : memref<8x5000xi32, #tpu.memory_space<vmem>>, vector<8x5000xi32>
      tpu.vector_store %arg3[%swap3A_97, %swap3A_98], %select_n3A_96 {strides = array<i32>} : memref<8x5000xi32, #tpu.memory_space<vmem>>, vector<8x5000xi32>,
    } else {
    }
    %eq3A_81 = arith.constant 9 : i32
    %eq3A_82 = arith.cmpi eq, %arg0, %eq3A_81 : i32
    %convert_element_type3A_83 = arith.extui %eq3A_82 : i1 to i32
    %cond3A_84 = arith.constant 0 : i32
    %cond3A_85 = arith.cmpi ne, %convert_element_type3A_83, %cond3A_84 : i32
    scf.if %cond3A_85 {
      %get3A_86 = arith.constant 0 : index
      %get3A_87 = arith.constant 0 : index
      %get3A_88 = vector.load %arg2[%get3A_86, %get3A_87] : memref<8x5000xf32, #tpu.memory_space<vmem>>, vector<8x5000xf32>
      %gt3A_89 = arith.constant 5.000000e-02 : f32
      %gt3A_90 = vector.broadcast %gt3A_89 : f32 to vector<8x5000xf32>
      %gt3A_91 = arith.cmpf ogt, %get3A_88, %gt3A_90 : vector<8x5000xf32>
      %jit3A_92 = arith.constant 0xFF800000 : f32
      %broadcast_in_dim3A_93 = vector.broadcast %jit3A_92 : f32 to vector<8x5000xf32>
      %select_n3A_94 = arith.select %gt3A_91, %get3A_88, %broadcast_in_dim3A_93 : vector<8x5000xi1>, vector<8x5000xf32>
      %swap3A = arith.constant 0 : index
      %swap3A_95 = arith.constant 0 : index
      %swap3A_96 = vector.load %arg2[%swap3A, %swap3A_95] : memref<8x5000xf32, #tpu.memory_space<vmem>>, vector<8x5000xf32>
      tpu.vector_store %arg2[%swap3A, %swap3A_95], %select_n3A_94 {strides = array<i32>} : memref<8x5000xf32, #tpu.memory_space<vmem>>, vector<8x5000xf32>,
    } else {
    }
    return
  }
  func.func @transform_0(%arg0: i32) -> (i32, i32, i32) {
    %c0_i32 = arith.constant 0 : i32
    %c0_i32_0 = arith.constant 0 : i32
    %c0_i32_1 = arith.constant 0 : i32
    return %arg0, %c0_i32, %c0_i32_0 : i32, i32, i32
  }
  func.func @transform_1(%arg0: i32) -> (i32, i32) {
    %c0_i32 = arith.constant 0 : i32
    %c0_i32_0 = arith.constant 0 : i32
    %c0_i32_1 = arith.constant 0 : i32
    return %c0_i32, %c0_i32_0 : i32, i32
  }
  func.func @transform_2(%arg0: i32) -> (i32, i32) {
    %c0_i32 = arith.constant 0 : i32
    %c0_i32_0 = arith.constant 0 : i32
    %c0_i32_1 = arith.constant 0 : i32
    return %c0_i32, %c0_i32_0 : i32, i32
  }
}

</mosaic_0001>

<sc_bundles>
// kernel: kernel.4.cloned.1.call-start
scs
__scs_entry_jumppad:
0x0: {  	(pc) =	sbr.rel $0x88, $3  }
0x1: {  	(tag) =	ssettag $0x0;
	lr =	simm.s32 $0x1  }
0x2: {  	[smem:$0x3F9F] =	sst lr;
	_ =	strace $0xD0000000  }
0x3: {  	_ = 	snop  }
0x4: {  	_ = 	snop  }
0x5: {  	_ = 	snop  }
0x6: {  	_ = 	snop  }
0x7: {  	_ = 	snop  }
__scs_overlays_trampoline_lowered:
0x8: {  	[smem:$0x3FAE] =	sst s0  }
0x9: {  	[smem:$0x3FAF] =	sst s1  }
0xa: {  	[smem:$0x3FB0] =	sst s2  }
0xb: {  	[smem:$0x3FB1] =	sst s3  }
0xc: {  	[smem:$0x3FB2] =	sst s4  }
0xd: {  	[smem:$0x3FB3] =	sst s5  }
0xe: {  	[smem:$0x3FB4] =	sst s6  }
0xf: {  	[smem:$0x3FB5] =	sst s7  }
0x10: {  	[smem:$0x3FB6] =	sst s8  }
0x11: {  	[smem:$0x3FB7] =	sst s9;
	s0 =	simm.s32 @!p0 $0x0  }
0x12: {  	s1 =	sld [smem:$0x3F9D];
	s0 =	simm.s32 @p0 $0x1  }
0x13: {  	[smem:$0x3FB8] =	sst s0;
	s0 =	simm.s32 @!p1 $0x0  }
0x14: {  	s2 =	sld [smem:$0x3F9C];
	s0 =	simm.s32 @p1 $0x1  }
0x15: {  	[smem:$0x3FB9] =	sst s0;
	s0 =	simm.s32 @!p2 $0x0  }
0x16: {  	s3 =	sld [smem:$0x3FDB];
	s0 =	simm.s32 @p2 $0x1  }
0x17: {  	s4 =	simm.s32 $0x1BF5;
	[smem:$0x3FBB] =	sst s0  }
0x18: {  	s0 =	sld [smem:$0x3F9E];
	_ =	swait.ge [sflag:s4], $0x0  }
0x19: {  	s7 =	sld [smem:$0x3F9F]  }
0x1a: {  	s8 =	sadd.s32 $0xFFFFE003, lr  }
0x1b: {  	s9 =	sadd.s32 $0xFFFFFEF7, lr;
	s5 =	simm.s32 $0xFFFFFFFF;
	p2 =	slt.u32 s8, $0xFFFFF086  }
0x1c: {  	p1 =	slt.u32 s9, $0xF7A;
	s5 =	simm.s32 @!p2 $0x0  }
0x1d: {  	s5 =	simm.s32 @p1 $0x1;
	p0 =	seq.s32 s7, s2  }
0x1e: {  	s7 =	smul.u32 @!p0 $0xF7A, s2;
	p2 =	seq.s32 @!p0 s5, $0x0  }
0x1f: {  	s9 =	smul.u32 $0xF7A, s1;
	s8 =	simm.s32 @!p0 $0x1BF5;
	p2 =	por !p2, p0  }
0x20: {  	[sflag:s8] =	ssyncset.s32 @!p0 $0xFFFFF086;
	s6 =	sadd.s32 @!p0 s3, s7;
	s7 =	simm.s32 @!p0 $0x108  }
0x21: {  	s3 =	sadd.s32 s3, s9;
	s6 =	sadd.s32 @!p0 $0x88, s6;
	s7 =	simm.s32 @p2 $0x1082  }
0x22: {  	[simem:s7], [sflag:s8] =	dma.local @!p0 [hbm:s6], $0xF7A  }
0x23: {  	s9 =	sor.u32 $0xD0000000, s2;
	s6 =	simm.s32 $0x108;
	_ =	swait.ge @!p0 [sflag:s8], $0x0  }
0x24: {  	s3 =	sadd.s32 $0x88, s3;
	s6 =	simm.s32 @!p1 $0x1082;
	[sflag:s4] =	ssyncset.s32 $0xFFFFF086  }
0x25: {  	[simem:s6], [sflag:s4] =	dma.local [hbm:s3], $0xF7A  }
0x26: {  	[smem:$0x3F9F] =	sst s1;
	(tag) =	ssettag s2;
	_ =	strace s9  }
0x27: {  	s1 =	sld [smem:$0x3FAF]  }
0x28: {  	s2 =	sld [smem:$0x3FB0]  }
0x29: {  	s4 =	sld [smem:$0x3FB2]  }
0x2a: {  	p0 =	seq.s32 s5, $0x0;
	s5 =	sld [smem:$0x3FB3]  }
0x2b: {  	s6 =	sld [smem:$0x3FB4]  }
0x2c: {  	s7 =	sld [smem:$0x3FB5]  }
0x2d: {  	s3 =	simm.s32 $0x108;
	s8 =	sld [smem:$0x3FB6]  }
0x2e: {  	s3 =	simm.s32 @!p0 $0x1082;
	s9 =	sld [smem:$0x3FB7]  }
0x2f: {  	lr =	sadd.s32 s0, s3;
	s0 =	sld [smem:$0x3FAE]  }
0x30: {  	s3 =	sld [smem:$0x3FB1]  }
0x31: {  	[smem:$0x3FBA] =	sst s10  }
0x32: {  	s10 =	sld [smem:$0x3FB8];
	_ =	sdelay $0x3  }
0x33: {  	p0 =	seq.s32 s10, $0x1;
	s10 =	sld [smem:$0x3FBA];
	_ =	sdelay $0x3  }
0x34: {  	[smem:$0x3FBA] =	sst s10  }
0x35: {  	s10 =	sld [smem:$0x3FB9];
	_ =	sdelay $0x3  }
0x36: {  	p1 =	seq.s32 s10, $0x1;
	s10 =	sld [smem:$0x3FBA];
	_ =	sdelay $0x3  }
0x37: {  	[smem:$0x3FBA] =	sst s10  }
0x38: {  	s10 =	sld [smem:$0x3FBB]  }
0x39: {  	_ = 	snop;
	(pc) =	sbr.ind lr, $3  }
0x3a: {  	_ = 	snop  }
0x3b: {  	_ = 	snop  }
0x3c: {  	p2 =	seq.s32 s10, $0x1;
	s10 =	sld [smem:$0x3FBA]  }
0x3d: {  	_ =	shalt  }
0x3e: {  	_ =	shalt  }
0x3f: {  	_ =	shalt  }
0x40: {  	_ =	shalt  }
0x41: {  	_ =	shalt  }
0x42: {  	_ =	shalt  }
0x43: {  	_ =	shalt  }
0x44: {  	_ =	shalt  }
0x45: {  	_ =	shalt  }
0x46: {  	_ =	shalt  }
0x47: {  	_ =	shalt  }
0x48: {  	_ =	shalt  }
0x49: {  	_ =	shalt  }
0x4a: {  	_ =	shalt  }
0x4b: {  	_ =	shalt  }
0x4c: {  	_ =	shalt  }
0x4d: {  	_ =	shalt  }
0x4e: {  	_ =	shalt  }
0x4f: {  	_ =	shalt  }
0x50: {  	_ =	shalt  }
0x51: {  	_ =	shalt  }
0x52: {  	_ =	shalt  }
0x53: {  	_ =	shalt  }
0x54: {  	_ =	shalt  }
0x55: {  	_ =	shalt  }
0x56: {  	_ =	shalt  }
0x57: {  	_ =	shalt  }
0x58: {  	_ =	shalt  }
0x59: {  	_ =	shalt  }
0x5a: {  	_ =	shalt  }
0x5b: {  	_ =	shalt  }
0x5c: {  	_ =	shalt  }
0x5d: {  	_ =	shalt  }
0x5e: {  	_ =	shalt  }
0x5f: {  	_ =	shalt  }
0x60: {  	_ =	shalt  }
0x61: {  	_ =	shalt  }
0x62: {  	_ =	shalt  }
0x63: {  	_ =	shalt  }
0x64: {  	_ =	shalt  }
0x65: {  	_ =	shalt  }
0x66: {  	_ =	shalt  }
0x67: {  	_ =	shalt  }
0x68: {  	_ =	shalt  }
0x69: {  	_ =	shalt  }
0x6a: {  	_ =	shalt  }
0x6b: {  	_ =	shalt  }
0x6c: {  	_ =	shalt  }
0x6d: {  	_ =	shalt  }
0x6e: {  	_ =	shalt  }
0x6f: {  	_ =	shalt  }
0x70: {  	_ =	shalt  }
0x71: {  	_ =	shalt  }
0x72: {  	_ =	shalt  }
0x73: {  	_ =	shalt  }
0x74: {  	_ =	shalt  }
0x75: {  	_ =	shalt  }
0x76: {  	_ =	shalt  }
0x77: {  	_ =	shalt  }
0x78: {  	_ =	shalt  }
0x79: {  	_ =	shalt  }
0x7a: {  	_ =	shalt  }
0x7b: {  	_ =	shalt  }
0x7c: {  	_ =	shalt  }
0x7d: {  	_ =	shalt  }
0x7e: {  	_ =	shalt  }
0x7f: {  	_ =	shalt  }
0x80: {  	_ =	shalt  }
0x81: {  	_ =	shalt  }
0x82: {  	_ =	shalt  }
0x83: {  	_ =	shalt  }
0x84: {  	_ =	shalt  }
0x85: {  	_ =	shalt  }
0x86: {  	_ =	shalt  }
0x87: {  	_ =	shalt  }
.Lfunc_end0:
.L_simem_size_0:
called_computation_lowered:
.L_overlay_start_0:
0x88: {  	s2 =	sld [smem:$0x3FD9]  }
0x89: {  	s3 =	sld [smem:$0x3FFE];
	_ =	sdelay $0x1  }
0x8a: {  	s1 =	srdreg.scid  }
0x8b: {  	s0 =	sand.u32 $0x1, s1  }
0x8c: {  	s14 =	sshll.u32 s0, $0xA;
	s2 =	sadd.s32 s3, s2  }
0x8d: {  	s2 =	sadd.s32 s2, s14  }
0x8e: {  	[smem:$0x3FC6] =	sst s2  }
0x8f: {  	_ = 	snop  }
0x90: {  	s2 =	sld [smem:$0x3FD0];
	_ =	sdelay $0x2  }
0x91: {  	s15 =	simm.s32 $0xA;
	s4 =	simm.s32 $0x10  }
0x92: {  	[smem:s4], [sflag:s15] =	dma.local [hbm:s2], $0x1  }
0x93: {  	_ =	swait.eq [sflag:s15], $0x1  }
0x94: {  	s16 =	sld [smem:$0x10];
	[sflag:s15] =	ssyncset.done $0x0  }
0x95: {  	s17 =	sld [smem:$0x11];
	[sflag:s15] =	ssyncadd.s32 $0xFFFFFFFF  }
0x96: {  	s18 =	sld [smem:$0x12];
	(tm) =	ssettm $0x1  }
0x97: {  	s5 =	sld [smem:$0x3FFB];
	_ =	sdelay $0x3  }
0x98: {  	_ =	strace s5  }
0x99: {  	s5 =	sld [smem:$0x3FFC];
	_ =	sdelay $0x3  }
0x9a: {  	_ =	strace s5  }
0x9b: {  	s5 =	sld [smem:$0x3FFD];
	_ =	sdelay $0x3  }
0x9c: {  	_ =	strace s5  }
0x9d: {  	_ =	strace $0x8FFFFFFF  }
0x9e: {  	s19 =	sld [smem:$0x3FDB];
	_ =	sdelay $0x1  }
0x9f: {  	s6 =	simm.s32 $_scs_section_size  }
0xa0: {  	s7 =	simm.s32 $_size__tile_overlayer_lowered;
	s8 =	simm.s32 $_tile_overlayer_lowered  }
0xa1: {  	s22 =	simm.s32 $0x1BFF;
	s21 =	sshll.u32 s8, $0x1;
	s5 =	sadd.s32 s6, s19  }
0xa2: {  	s9 =	simm.s32 $0x0;
	s20 =	sshll.u32 s7, $0x1;
	s7 =	sadd.s32 s21, s5  }
0xa3: {  	[timem:s9], [sflag:s22] =	dma.local [hbm:s7], s20  }
0xa4: {  	_ =	swait.ge [sflag:s22], s20  }
0xa5: {  	s6 =	ssub.s32 $0x0, s20;
	[sflag:s22] =	ssyncset.done $0x0  }
0xa6: {  	[sflag:s22] =	ssyncadd.s32 s6;
	_ =	sdelay $0x1  }
0xa7: {  	s23 =	simm.s32 $0x1B8B  }
0xa8: {  	_ =	swait.ge [sflag:s23], $0x1  }
0xa9: {  	[sflag:s23] =	ssyncset.done $0x0  }
0xaa: {  	s25 =	simm.s32 $0x1B8E;
	s24 =	sld [smem:$0x3FFE];
	[sflag:s23] =	ssyncadd.s32 $0xFFFFFFFF  }
0xab: {  	s26 =	simm.s32 $execute0_lowered;
	[smem:$0x3FD2] =	sst s25  }
0xac: {  	s7 =	sshll.u32 s26, $0x1;
	_ =	strace $0x80000046;
	[dreg:$0x1] =	wrdreg $0xFFFFFFFF  }
0xad: {  	s28 =	simm.s32 $_size_execute0_lowered;
	s5 =	sadd.s32 s5, s7;
	[dreg:$0x0] =	wrdreg $0x0  }
0xae: {  	s7 =	sshll.u32 s28, $0x1;
	[dreg:$0x2] =	wrdreg s5  }
0xaf: {  	[dreg:$0x3] =	wrdreg s7  }
0xb0: {  	[dreg:$0x4] =	wrdreg $0xC0  }
0xb1: {  	_ =	task [dreg:s9], $0x5FFFF  }
0xb2: {  	[dreg:$0x1] =	wrdreg $0xFFFFFFFF  }
0xb3: {  	[dreg:$0x0] =	wrdreg $0x60  }
0xb4: {  	[dreg:$0x2] =	wrdreg s24  }
0xb5: {  	[dreg:$0x3] =	wrdreg s18  }
0xb6: {  	[dreg:$0x4] =	wrdreg s17  }
0xb7: {  	[dreg:$0x5] =	wrdreg s16  }
0xb8: {  	[dreg:$0x6] =	wrdreg $0x9  }
0xb9: {  	_ =	task.clear_ibuf [dreg:s9], $0x7FFFF;
	_ =	strace $0x90000046  }
0xba: {  	s29 =	simm.s32 $0x9;
	_ =	strace $0x80000048  }
0xbb: {  	_ =	swait.ge [sflag:s29], $0x1  }
0xbc: {  	[sflag:s29] =	ssyncadd.s32 $0xFFFFFFFF  }
0xbd: {  	_ =	strace $0x90000048  }
0xbe: {  	_ =	sfence  }
0xbf: {  	s30 =	sld [smem:$0x0];
	_ =	sdelay $0x2  }
0xc0: {  	s31 =	sshll.u32 s1, $0xD;
	s1 =	sshrl.u32 s1, $0x2  }
0xc1: {  	s3 =	sand.u32 $0x4000, s31;
	s1 =	sadd.s32 s1, s30  }
0xc2: {  	s0 =	sor.u32 s3, s0;
	s1 =	sshll.u32 s1, $0x11  }
0xc3: {  	s0 =	sor.u32 s1, s0  }
0xc4: {  	s0 =	sadd.s32 $0x8F2B, s0  }
0xc5: {  	[sflag:s0] =	ssyncadd.remote.s32 $0x1  }
0xc6: {  	_ =	sfence.sel $0xFFFF  }
0xc7: {  	[dreg:$0x0] =	wrdreg $0xFFFFFFFF;
	(pc) =	sbr.abs _section_cstart, $3  }
0xc8: {  	[dreg:$0x1] =	wrdreg $0xFFFFFFFF  }
0xc9: {  	_ =	task.clear_ibuf [dreg:s9], $0x2FFFF;
	_ =	strace $0x9FFFFFFF  }
0xca: {  	(tm) =	ssettm $0x7FFFFFFF  }
0xcb: {  	_ =	shalt  }
tec
execute0_lowered:
.L_overlay_start_1:
0x0: {  	(tag) =	ssettag $0x1  }
0x1: {  	s4 =	stileid.u32  }
0x2: {  	p0 =	sgt.u32 s4, $0x3  }
.Ltmp0:
0x3: {  	s3 =	rddreg [dreg:$0x0];
	(pc) =	sbr.rel @p0 .LBB2_21-.Ltmp0, $4  }
0x4: {  	s1 =	rddreg [dreg:$0x1]  }
0x5: {  	s6 =	rddreg [dreg:$0x2];
	s2 =	simm.s32 $0x0  }
0x6: {  	[smem:$0x7FF] =	sst s2  }
0x7: {  	s0 =	rddreg [dreg:$0x3];
	_ =	strace $0x80000047  }
0x8: {  	s4 =	srdreg.scid  }
0x9: {  	s28 =	stileid.u32;
	s12 =	sadd.s32 $0x2400, s3;
	s13 =	simm.s32 $0x1  }
0xa: {  	s16 =	simm.s32 $0x7620;
	s7 =	sand.u32 $0x1, s4;
	s4 =	sshll.u32 s28, $0x1  }
0xb: {  	s17 =	simm.s32 $0x7750;
	s18 =	simm.s32 $0x7880;
	s4 =	sor.u32 s7, s4  }
0xc: {  	s19 =	simm.s32 $0x79B0;
	s20 =	simm.s32 $0x7AE0;
	s11 =	smul.u32 $0x271, s4  }
0xd: {  	vm0 =	vmmov $0xff;
	v0 =	vimm.f32 $-Inf;
	s21 =	simm.s32 $0x7C10;
	s30 =	ssub.s32 $0x2, s7;
	s5 =	smul.u32 $0x9C4, s4  }
0xe: {  	v1 =	vimm.f32 $-1.000000000e+00;
	v2 =	vimm.s32 $0xFFFFFFFF;
	v3 =	vlaneseq.u32;
	s22 =	simm.s32 $0x0;
	s8 =	smul.u32 $0x26, s4;
	s31 =	sshrl.u32 s30, $0x1  }
.Ltmp1:
0xf: {  	v4 =	vimm.f32 $0.0e+00;
	v15 =	vimm.s32 $0x80000000;
	vm1 =	vmxor vm1, vm1;
	s29 =	sadd.s32 s11, s3;
	s5 =	sadd.s32 s5, s3;
	(pc) =	sbr.rel .LBB2_2-.Ltmp1, $4  }
0x10: {  	v17 =	vimm.s32 $0x0;
	v5 =	vor.u32 $0x30, v3;
	v6 =	vor.u32 $0x70, v3;
	s10 =	sadd.s32 s8, s3;
	s6 =	sadd.s32 s6, s8;
	s7 =	sadd.s32 s0, s8  }
0x11: {  	v7 =	vor.u32 $0x90, v3;
	v8 =	vor.u32 $0x20, v3;
	v9 =	vor.u32 $0x60, v3;
	s0 =	ssub.s32 s30, s31;
	s11 =	sadd.s32 s12, s11;
	s3 =	sadd.s32 $0x1000, s29  }
0x12: {  	v10 =	vor.u32 $0x80, v3;
	v11 =	vor.u32 $0x10, v3;
	v12 =	vor.u32 $0x50, v3;
	s4 =	sadd.s32 $0x3800, s5;
	s5 =	sadd.s32 s1, s8;
	s8 =	sadd.s32 $0x8800, s10  }
0x13: {  	v13 =	vor.u32 $0x40, v3;
	v14 =	vor.u32 $0x80000000, v3;
	v16 =	vor.u32 $0x80000010, v3;
	s9 =	sadd.s32 $0x8A00, s10;
	s10 =	sadd.s32 $0x8C00, s10;
	s12 =	smax.u32 s0, $0x1  }
.LBB2_20:
0x14: {  	[hbm4b:s5+s2] =	stream.linear.scatter [tilespmem:s16], [sflag:$0x1], $0x130, $0x38;
	[tilespmem:$0x8330] =	vst v63  }
0x15: {  	_ =	swait.ge [sflag:s13], $0x130  }
0x16: {  	[sflag:s13] =	ssyncset.done $0x0  }
0x17: {  	[sflag:s13] =	ssyncadd.s32 $0xFFFFFED0  }
0x18: {  	[hbm4b:s6+s2] =	stream.linear.scatter [tilespmem:s17], [sflag:$0x1], $0x130, $0x38;
	[tilespmem:$0x8330] =	vst v63  }
0x19: {  	_ =	swait.ge [sflag:s13], $0x130  }
0x1a: {  	[sflag:s13] =	ssyncset.done $0x0  }
0x1b: {  	[sflag:s13] =	ssyncadd.s32 $0xFFFFFED0  }
0x1c: {  	[hbm4b:s7+s2] =	stream.linear.scatter [tilespmem:s18], [sflag:$0x1], $0x130, $0x38;
	[tilespmem:$0x8330] =	vst v63  }
0x1d: {  	_ =	swait.ge [sflag:s13], $0x130  }
0x1e: {  	[sflag:s13] =	ssyncset.done $0x0  }
0x1f: {  	[sflag:s13] =	ssyncadd.s32 $0xFFFFFED0  }
0x20: {  	[hbm4b:s8+s2] =	stream.linear.scatter [tilespmem:s19], [sflag:$0x1], $0x130, $0x38;
	[tilespmem:$0x8330] =	vst v63  }
0x21: {  	_ =	swait.ge [sflag:s13], $0x130  }
0x22: {  	[sflag:s13] =	ssyncset.done $0x0  }
0x23: {  	[sflag:s13] =	ssyncadd.s32 $0xFFFFFED0  }
0x24: {  	[hbm4b:s9+s2] =	stream.linear.scatter [tilespmem:s20], [sflag:$0x1], $0x130, $0x38;
	[tilespmem:$0x8330] =	vst v63  }
0x25: {  	s22 =	sadd.s32 $0x1, s22;
	_ =	swait.ge [sflag:s13], $0x130  }
0x26: {  	p0 =	sne.s32 s22, s12;
	[sflag:s13] =	ssyncset.done $0x0  }
.Ltmp2:
0x27: {  	[sflag:s13] =	ssyncadd.s32 $0xFFFFFED0;
	(pc) =	sbr.rel @!p0 .LBB2_21-.Ltmp2, $4  }
0x28: {  	[hbm4b:s10+s2] =	stream.linear.scatter [tilespmem:s21], [sflag:$0x1], $0x130, $0x38;
	[tilespmem:$0x8330] =	vst v63  }
0x29: {  	_ =	swait.ge [sflag:s13], $0x130  }
0x2a: {  	[sflag:s13] =	ssyncset.done $0x0  }
0x2b: {  	[sflag:s13] =	ssyncadd.s32 $0xFFFFFED0  }
.LBB2_2:
0x2c: {  	s23 =	simm.s32 $0x0  }
0x2d: {  	[tilespmem:s23], [sflag:$0x1] =	stream.linear.gather [hbm4b:s11+s23], $0x1388, $0x38;
	[tilespmem:$0x8330] =	vst v63  }
0x2e: {  	_ =	swait.ge [sflag:s13], $0x1388  }
0x2f: {  	[sflag:s13] =	ssyncset.done $0x0  }
0x30: {  	s0 =	simm.s32 $0x13A0;
	[sflag:s13] =	ssyncadd.s32 $0xFFFFEC78  }
0x31: {  	[tilespmem:s0], [sflag:$0x1] =	stream.linear.gather [hbm4b:s3+s23], $0x1388, $0x38;
	[tilespmem:$0x8330] =	vst v63  }
0x32: {  	_ =	swait.ge [sflag:s13], $0x1388  }
0x33: {  	[sflag:s13] =	ssyncset.done $0x0  }
0x34: {  	s31 =	simm.s32 $0x2750;
	[sflag:s13] =	ssyncadd.s32 $0xFFFFEC78  }
0x35: {  	[tilespmem:s31], [sflag:$0x1] =	stream.linear.gather [hbm4b:s4+s23], $0x4E20, $0x38;
	[tilespmem:$0x8330] =	vst v63  }
0x36: {  	_ =	swait.ge [sflag:s13], $0x4E20  }
0x37: {  	[sflag:s13] =	ssyncset.done $0x0  }
0x38: {  	[sflag:s13] =	ssyncadd.s32 $0xFFFFB1E0  }
0x39: {  	[tilespmem:$0x1390] =	vst v0  }
0x3a: {  	[tilespmem:$0x7580] =	vst v0  }
0x3b: {  	[tilespmem:$0x7590] =	vst v0  }
0x3c: {  	[tilespmem:$0x75A0] =	vst v0  }
0x3d: {  	[tilespmem:$0x75B0] =	vst v0  }
0x3e: {  	[tilespmem:$0x75C0] =	vst v0  }
0x3f: {  	[tilespmem:$0x75D0] =	vst v0  }
0x40: {  	[tilespmem:$0x75E0] =	vst v0  }
0x41: {  	[tilespmem:$0x75F0] =	vst v0  }
0x42: {  	[tilespmem:$0x7600] =	vst v0  }
0x43: {  	[tilespmem:$0x7610] =	vst v0  }
0x44: {  	[tilespmem:$0x7620] =	vst v1  }
0x45: {  	[tilespmem:$0x7750] =	vst v1  }
0x46: {  	[tilespmem:$0x7880] =	vst v1  }
0x47: {  	[tilespmem:$0x79B0] =	vst v1  }
0x48: {  	[tilespmem:$0x7AE0] =	vst v1  }
0x49: {  	[tilespmem:$0x7C10] =	vst v2  }
0x4a: {  	[tilespmem:$0x7D40] =	vst v1  }
0x4b: {  	[tilespmem:$0x7E70] =	vst v1  }
0x4c: {  	[tilespmem:$0x7FA0] =	vst v1  }
0x4d: {  	[tilespmem:$0x80D0] =	vst v1  }
0x4e: {  	[tilespmem:$0x8200] =	vst v4  }
0x4f: {  	[tilespmem:$0x7630] =	vst v1  }
0x50: {  	[tilespmem:$0x7760] =	vst v1  }
0x51: {  	[tilespmem:$0x7890] =	vst v1  }
0x52: {  	[tilespmem:$0x79C0] =	vst v1  }
0x53: {  	[tilespmem:$0x7AF0] =	vst v1  }
0x54: {  	[tilespmem:$0x7C20] =	vst v2  }
0x55: {  	[tilespmem:$0x7D50] =	vst v1  }
0x56: {  	[tilespmem:$0x7E80] =	vst v1  }
0x57: {  	[tilespmem:$0x7FB0] =	vst v1  }
0x58: {  	[tilespmem:$0x80E0] =	vst v1  }
0x59: {  	[tilespmem:$0x8210] =	vst v4  }
0x5a: {  	[tilespmem:$0x7640] =	vst v1  }
0x5b: {  	[tilespmem:$0x7770] =	vst v1  }
0x5c: {  	[tilespmem:$0x78A0] =	vst v1  }
0x5d: {  	[tilespmem:$0x79D0] =	vst v1  }
0x5e: {  	[tilespmem:$0x7B00] =	vst v1  }
0x5f: {  	[tilespmem:$0x7C30] =	vst v2  }
0x60: {  	[tilespmem:$0x7D60] =	vst v1  }
0x61: {  	[tilespmem:$0x7E90] =	vst v1  }
0x62: {  	[tilespmem:$0x7FC0] =	vst v1  }
0x63: {  	[tilespmem:$0x80F0] =	vst v1  }
0x64: {  	[tilespmem:$0x8220] =	vst v4  }
0x65: {  	[tilespmem:$0x7650] =	vst v1  }
0x66: {  	[tilespmem:$0x7780] =	vst v1  }
0x67: {  	[tilespmem:$0x78B0] =	vst v1  }
0x68: {  	[tilespmem:$0x79E0] =	vst v1  }
0x69: {  	[tilespmem:$0x7B10] =	vst v1  }
0x6a: {  	[tilespmem:$0x7C40] =	vst v2  }
0x6b: {  	[tilespmem:$0x7D70] =	vst v1  }
0x6c: {  	[tilespmem:$0x7EA0] =	vst v1  }
0x6d: {  	[tilespmem:$0x7FD0] =	vst v1  }
0x6e: {  	[tilespmem:$0x8100] =	vst v1  }
0x6f: {  	[tilespmem:$0x8230] =	vst v4  }
0x70: {  	[tilespmem:$0x7660] =	vst v1  }
0x71: {  	[tilespmem:$0x7790] =	vst v1  }
0x72: {  	[tilespmem:$0x78C0] =	vst v1  }
0x73: {  	[tilespmem:$0x79F0] =	vst v1  }
0x74: {  	[tilespmem:$0x7B20] =	vst v1  }
0x75: {  	[tilespmem:$0x7C50] =	vst v2  }
0x76: {  	[tilespmem:$0x7D80] =	vst v1  }
0x77: {  	[tilespmem:$0x7EB0] =	vst v1  }
0x78: {  	[tilespmem:$0x7FE0] =	vst v1  }
0x79: {  	[tilespmem:$0x8110] =	vst v1  }
0x7a: {  	[tilespmem:$0x8240] =	vst v4  }
0x7b: {  	[tilespmem:$0x7670] =	vst v1  }
0x7c: {  	[tilespmem:$0x77A0] =	vst v1  }
0x7d: {  	[tilespmem:$0x78D0] =	vst v1  }
0x7e: {  	[tilespmem:$0x7A00] =	vst v1  }
0x7f: {  	[tilespmem:$0x7B30] =	vst v1  }
0x80: {  	[tilespmem:$0x7C60] =	vst v2  }
0x81: {  	[tilespmem:$0x7D90] =	vst v1  }
0x82: {  	[tilespmem:$0x7EC0] =	vst v1  }
0x83: {  	[tilespmem:$0x7FF0] =	vst v1  }
0x84: {  	[tilespmem:$0x8120] =	vst v1  }
0x85: {  	[tilespmem:$0x8250] =	vst v4  }
0x86: {  	[tilespmem:$0x7680] =	vst v1  }
0x87: {  	[tilespmem:$0x77B0] =	vst v1  }
0x88: {  	[tilespmem:$0x78E0] =	vst v1  }
0x89: {  	[tilespmem:$0x7A10] =	vst v1  }
0x8a: {  	[tilespmem:$0x7B40] =	vst v1  }
0x8b: {  	[tilespmem:$0x7C70] =	vst v2  }
0x8c: {  	[tilespmem:$0x7DA0] =	vst v1  }
0x8d: {  	[tilespmem:$0x7ED0] =	vst v1  }
0x8e: {  	[tilespmem:$0x8000] =	vst v1  }
0x8f: {  	[tilespmem:$0x8130] =	vst v1  }
0x90: {  	[tilespmem:$0x8260] =	vst v4  }
0x91: {  	[tilespmem:$0x7690] =	vst v1  }
0x92: {  	[tilespmem:$0x77C0] =	vst v1  }
0x93: {  	[tilespmem:$0x78F0] =	vst v1  }
0x94: {  	[tilespmem:$0x7A20] =	vst v1  }
0x95: {  	[tilespmem:$0x7B50] =	vst v1  }
0x96: {  	[tilespmem:$0x7C80] =	vst v2  }
0x97: {  	[tilespmem:$0x7DB0] =	vst v1  }
0x98: {  	[tilespmem:$0x7EE0] =	vst v1  }
0x99: {  	[tilespmem:$0x8010] =	vst v1  }
0x9a: {  	[tilespmem:$0x8140] =	vst v1  }
0x9b: {  	[tilespmem:$0x8270] =	vst v4  }
0x9c: {  	[tilespmem:$0x76A0] =	vst v1  }
0x9d: {  	[tilespmem:$0x77D0] =	vst v1  }
0x9e: {  	[tilespmem:$0x7900] =	vst v1  }
0x9f: {  	[tilespmem:$0x7A30] =	vst v1  }
0xa0: {  	[tilespmem:$0x7B60] =	vst v1  }
0xa1: {  	[tilespmem:$0x7C90] =	vst v2  }
0xa2: {  	[tilespmem:$0x7DC0] =	vst v1  }
0xa3: {  	[tilespmem:$0x7EF0] =	vst v1  }
0xa4: {  	[tilespmem:$0x8020] =	vst v1  }
0xa5: {  	[tilespmem:$0x8150] =	vst v1  }
0xa6: {  	[tilespmem:$0x8280] =	vst v4  }
0xa7: {  	[tilespmem:$0x76B0] =	vst v1  }
0xa8: {  	[tilespmem:$0x77E0] =	vst v1  }
0xa9: {  	[tilespmem:$0x7910] =	vst v1  }
0xaa: {  	[tilespmem:$0x7A40] =	vst v1  }
0xab: {  	[tilespmem:$0x7B70] =	vst v1  }
0xac: {  	[tilespmem:$0x7CA0] =	vst v2  }
0xad: {  	[tilespmem:$0x7DD0] =	vst v1  }
0xae: {  	[tilespmem:$0x7F00] =	vst v1  }
0xaf: {  	[tilespmem:$0x8030] =	vst v1  }
0xb0: {  	[tilespmem:$0x8160] =	vst v1  }
0xb1: {  	[tilespmem:$0x8290] =	vst v4  }
0xb2: {  	[tilespmem:$0x76C0] =	vst v1  }
0xb3: {  	[tilespmem:$0x77F0] =	vst v1  }
0xb4: {  	[tilespmem:$0x7920] =	vst v1  }
0xb5: {  	[tilespmem:$0x7A50] =	vst v1  }
0xb6: {  	[tilespmem:$0x7B80] =	vst v1  }
0xb7: {  	[tilespmem:$0x7CB0] =	vst v2  }
0xb8: {  	[tilespmem:$0x7DE0] =	vst v1  }
0xb9: {  	[tilespmem:$0x7F10] =	vst v1  }
0xba: {  	[tilespmem:$0x8040] =	vst v1  }
0xbb: {  	[tilespmem:$0x8170] =	vst v1  }
0xbc: {  	[tilespmem:$0x82A0] =	vst v4  }
0xbd: {  	[tilespmem:$0x76D0] =	vst v1  }
0xbe: {  	[tilespmem:$0x7800] =	vst v1  }
0xbf: {  	[tilespmem:$0x7930] =	vst v1  }
0xc0: {  	[tilespmem:$0x7A60] =	vst v1  }
0xc1: {  	[tilespmem:$0x7B90] =	vst v1  }
0xc2: {  	[tilespmem:$0x7CC0] =	vst v2  }
0xc3: {  	[tilespmem:$0x7DF0] =	vst v1  }
0xc4: {  	[tilespmem:$0x7F20] =	vst v1  }
0xc5: {  	[tilespmem:$0x8050] =	vst v1  }
0xc6: {  	[tilespmem:$0x8180] =	vst v1  }
0xc7: {  	[tilespmem:$0x82B0] =	vst v4  }
0xc8: {  	[tilespmem:$0x76E0] =	vst v1  }
0xc9: {  	[tilespmem:$0x7810] =	vst v1  }
0xca: {  	[tilespmem:$0x7940] =	vst v1  }
0xcb: {  	[tilespmem:$0x7A70] =	vst v1  }
0xcc: {  	[tilespmem:$0x7BA0] =	vst v1  }
0xcd: {  	[tilespmem:$0x7CD0] =	vst v2  }
0xce: {  	[tilespmem:$0x7E00] =	vst v1  }
0xcf: {  	[tilespmem:$0x7F30] =	vst v1  }
0xd0: {  	[tilespmem:$0x8060] =	vst v1  }
0xd1: {  	[tilespmem:$0x8190] =	vst v1  }
0xd2: {  	[tilespmem:$0x82C0] =	vst v4  }
0xd3: {  	[tilespmem:$0x76F0] =	vst v1  }
0xd4: {  	[tilespmem:$0x7820] =	vst v1  }
0xd5: {  	[tilespmem:$0x7950] =	vst v1  }
0xd6: {  	[tilespmem:$0x7A80] =	vst v1  }
0xd7: {  	[tilespmem:$0x7BB0] =	vst v1  }
0xd8: {  	[tilespmem:$0x7CE0] =	vst v2  }
0xd9: {  	[tilespmem:$0x7E10] =	vst v1  }
0xda: {  	[tilespmem:$0x7F40] =	vst v1  }
0xdb: {  	[tilespmem:$0x8070] =	vst v1  }
0xdc: {  	[tilespmem:$0x81A0] =	vst v1  }
0xdd: {  	[tilespmem:$0x82D0] =	vst v4  }
0xde: {  	[tilespmem:$0x7700] =	vst v1  }
0xdf: {  	[tilespmem:$0x7830] =	vst v1  }
0xe0: {  	[tilespmem:$0x7960] =	vst v1  }
0xe1: {  	[tilespmem:$0x7A90] =	vst v1  }
0xe2: {  	[tilespmem:$0x7BC0] =	vst v1  }
0xe3: {  	[tilespmem:$0x7CF0] =	vst v2  }
0xe4: {  	[tilespmem:$0x7E20] =	vst v1  }
0xe5: {  	[tilespmem:$0x7F50] =	vst v1  }
0xe6: {  	[tilespmem:$0x8080] =	vst v1  }
0xe7: {  	[tilespmem:$0x81B0] =	vst v1  }
0xe8: {  	[tilespmem:$0x82E0] =	vst v4  }
0xe9: {  	[tilespmem:$0x7710] =	vst v1  }
0xea: {  	[tilespmem:$0x7840] =	vst v1  }
0xeb: {  	[tilespmem:$0x7970] =	vst v1  }
0xec: {  	[tilespmem:$0x7AA0] =	vst v1  }
0xed: {  	[tilespmem:$0x7BD0] =	vst v1  }
0xee: {  	[tilespmem:$0x7D00] =	vst v2  }
0xef: {  	[tilespmem:$0x7E30] =	vst v1  }
0xf0: {  	[tilespmem:$0x7F60] =	vst v1  }
0xf1: {  	[tilespmem:$0x8090] =	vst v1  }
0xf2: {  	[tilespmem:$0x81C0] =	vst v1  }
0xf3: {  	[tilespmem:$0x82F0] =	vst v4  }
0xf4: {  	[tilespmem:$0x7720] =	vst v1  }
0xf5: {  	[tilespmem:$0x7850] =	vst v1  }
0xf6: {  	[tilespmem:$0x7980] =	vst v1  }
0xf7: {  	[tilespmem:$0x7AB0] =	vst v1  }
0xf8: {  	[tilespmem:$0x7BE0] =	vst v1  }
0xf9: {  	[tilespmem:$0x7D10] =	vst v2  }
0xfa: {  	[tilespmem:$0x7E40] =	vst v1  }
0xfb: {  	[tilespmem:$0x7F70] =	vst v1  }
0xfc: {  	[tilespmem:$0x80A0] =	vst v1  }
0xfd: {  	[tilespmem:$0x81D0] =	vst v1  }
0xfe: {  	[tilespmem:$0x8300] =	vst v4  }
0xff: {  	[tilespmem:$0x7730] =	vst v1  }
0x100: {  	[tilespmem:$0x7860] =	vst v1  }
0x101: {  	[tilespmem:$0x7990] =	vst v1  }
0x102: {  	[tilespmem:$0x7AC0] =	vst v1  }
0x103: {  	[tilespmem:$0x7BF0] =	vst v1  }
0x104: {  	[tilespmem:$0x7D20] =	vst v2  }
0x105: {  	[tilespmem:$0x7E50] =	vst v1  }
0x106: {  	[tilespmem:$0x7F80] =	vst v1  }
0x107: {  	[tilespmem:$0x80B0] =	vst v1  }
0x108: {  	[tilespmem:$0x81E0] =	vst v1  }
0x109: {  	[tilespmem:$0x8310] =	vst v4  }
0x10a: {  	[tilespmem:$0x7740] =	vst v1  }
0x10b: {  	[tilespmem:$0x7870] =	vst v1  }
0x10c: {  	[tilespmem:$0x79A0] =	vst v1  }
0x10d: {  	[tilespmem:$0x7AD0] =	vst v1  }
0x10e: {  	[tilespmem:$0x7C00] =	vst v1  }
0x10f: {  	v18 =	vld [tilespmem:$0x1380];
	[tilespmem:$0x7D30] =	vst v2  }
0x110: {  	[tilespmem:$0x7E60] =	vst v1  }
0x111: {  	[tilespmem:$0x7F90] =	vst v1  }
0x112: {  	[tilespmem:$0x80C0] =	vst v1  }
0x113: {  	[tilespmem:$0x81F0] =	vst v1  }
0x114: {  	[tilespmem:$0x8320] =	vst v4;
	v18 =	vnsel vm0, $0xFF800000, v18  }
0x115: {  	s0 =	simm.s32 $0x10;
	[tilespmem:$0x1380] =	vst v18  }
0x116: {  	v18 =	vld [tilespmem:s0+$0x0]  }
0x117: {  	s1 =	simm.s32 $0x1;
	v19 =	vld [tilespmem:s0+$0xFFFFFFF0]  }
.LBB2_3:
0x118: {  	p0 =	sne.s32 s1, $0x9C;
	_ =	sdelay $0x3  }
0x119: {  	v18 =	vmax.f32 v19, v18  }
0x11a: {  	(xrf0) =	vmax.scan.msk.f32 $0xffff, v18;
	_ =	sdelay $0x2  }
0x11b: {  	s14 =	sand.u32 $0xF0, s23  }
0x11c: {  	v18 =	vld [tilespmem:s14+$0x7580];
	_ =	sdelay $0x1  }
0x11d: {  	s15 =	sand.u32 $0xF, s23;
	s23 =	smov.u32 s1;
	v19, _, _ =	vpop (xrf0)  }
0x11e: {  	v20 =	vmov s15;
	v19 =	vbroadcast v19, $0xF  }
.Ltmp3:
0x11f: {  	vm2 =	veq.s32 v20, v3;
	(pc) =	sbr.rel @p0 .LBB2_3-.Ltmp3, $4  }
0x120: {  	v18 =	vsel vm2, v19, v18  }
0x121: {  	s0 =	sadd.s32 $0x20, s0;
	[tilespmem:s14+$0x7580] =	vst v18  }
0x122: {  	v18 =	vld [tilespmem:s0+$0x0]  }
0x123: {  	s1 =	sadd.s32 $0x1, s1;
	v19 =	vld [tilespmem:s0+$0xFFFFFFF0]  }
0x124: {  	_ =	sdelay $0x3  }
0x125: {  	v18 =	vmax.f32 v19, v18  }
0x126: {  	(xrf0) =	vmax.scan.msk.f32 $0xffff, v18;
	_ =	sdelay $0x2  }
0x127: {  	s0 =	sand.u32 $0xF0, s23  }
0x128: {  	v18 =	vld [tilespmem:s0+$0x7580];
	_ =	sdelay $0x1  }
0x129: {  	s1 =	sand.u32 $0xF, s23;
	v19, _, _ =	vpop (xrf0)  }
0x12a: {  	v20 =	vmov s1;
	v19 =	vbroadcast v19, $0xF  }
0x12b: {  	vm2 =	veq.s32 v20, v3  }
0x12c: {  	v18 =	vsel vm2, v19, v18  }
0x12d: {  	[tilespmem:s0+$0x7580] =	vst v18  }
0x12e: {  	v18 =	vld [tilespmem:$0x7580]  }
0x12f: {  	v19 =	vld [tilespmem:$0x7590]  }
0x130: {  	v20 =	vld [tilespmem:$0x75A0]  }
0x131: {  	v21 =	vld [tilespmem:$0x75B0]  }
0x132: {  	v22 =	vld [tilespmem:$0x75C0]  }
.Ltmp4:
0x133: {  	v23 =	vld [tilespmem:$0x75D0];
	(pc) =	sbr.rel .LBB2_5-.Ltmp4, $4  }
0x134: {  	v24 =	vld [tilespmem:$0x75E0]  }
0x135: {  	v25 =	vld [tilespmem:$0x75F0]  }
0x136: {  	v26 =	vld [tilespmem:$0x7600]  }
0x137: {  	s23 =	simm.s32 $0x0;
	s24 =	simm.s32 $0x0;
	v27 =	vld [tilespmem:$0x7610]  }
.LBB2_22:
0x138: {  	v35 =	vpsel p0, $0x80000000, v15  }
.LBB2_19:
0x139: {  	(xrf0) =	vmax.scan.msk.u32 $0xffff, v35;
	_ =	sdelay $0x5  }
0x13a: {  	v35, _, _ =	vpop (xrf0)  }
0x13b: {  	(v2sf) =	vpush v35, $0xF;
	_ =	sdelay $0xd  }
0x13c: {  	s0 =	sxor.u32 $0x80000000, s26;
	p1 =	sgt.f32 s25, $-Inf;
	s15 =	sand.u32 $0x1F0, s24  }
0x13d: {  	s30 =	sand.u32 $0xF, s24;
	p4 =	sgt.s32 s26, $0xFFFFFFFF;
	s14 =	spop (v2sf)  }
0x13e: {  	s31 =	sand.u32 $0xF, s26;
	s29 =	sand.u32 $0xF, s23;
	v62 =	vld [tilespmem:s15+$0x7620];
	p2 =	slt.u32 s14, $0x80000001  }
0x13f: {  	p6 =	slt.s32 s23, $0x1;
	s1 =	sshra.s32 s0, $0x1F;
	v36 =	vld [tilespmem:s15+$0x7750];
	p1 =	por !p1, !p2  }
0x140: {  	vm2 =	vmmov vm1;
	s26 =	simm.s32 $0x1;
	v37 =	vmov s30;
	v38 =	vld [tilespmem:s15+$0x7880];
	s1 =	sshrl.u32 s1, $0x1C;
	p1 =	por !p1, !p1  }
0x141: {  	p3 =	slt.s32 s0, $0x1;
	p5 =	sne.s32 s31, $0x0;
	v63 =	vld [tilespmem:s15+$0x79B0];
	vm3 =	veq.s32 v37, v3;
	s1 =	sadd.s32 s1, s0;
	vm2 =	vmneg @p1 vm2  }
0x142: {  	v39 =	vld [tilespmem:s15+$0x7AE0];
	s30 =	sshra.s32 s23, $0x1F;
	s1 =	sshra.s32 s1, $0x4;
	p2 =	por p4, p3;
	vm2 =	vmand vm3, vm2  }
0x143: {  	v40 =	vld [tilespmem:s15+$0x7C10];
	s14 =	sshrl.u32 s30, $0x1C;
	p4 =	sne.s32 s29, $0x0;
	p2 =	por !p5, !p2;
	v35 =	vsel vm2, v33, v62  }
0x144: {  	s14 =	sadd.s32 s14, s23;
	p3 =	por !p6, !p4;
	p2 =	por !p2, !p2;
	v36 =	vsel vm2, v32, v36;
	[tilespmem:s15+$0x7620] =	vst v35  }
0x145: {  	s29 =	simm.s32 $0x1;
	p3 =	por !p3, !p3;
	s26 =	simm.s32 @!p2 $0x0;
	v41 =	vsel vm2, v31, v38;
	[tilespmem:s15+$0x7750] =	vst v36  }
0x146: {  	s14 =	sshrl.u32 s14, $0x4;
	s29 =	simm.s32 @!p3 $0x0;
	v42 =	vsel vm2, v30, v63;
	s26 =	ssub.s32 s1, s26;
	[tilespmem:s15+$0x7880] =	vst v41  }
0x147: {  	s31 =	ssub.s32 s14, s29;
	v28 =	vsel vm2, v28, v39;
	s29 =	sadd.s32 $0xFFFFFFFF, s28;
	[tilespmem:s15+$0x79B0] =	vst v42;
	s30 =	sshll.u32 s26, $0x4  }
0x148: {  	v43 =	vsel vm2, s29, v40;
	[tilespmem:s15+$0x7AE0] =	vst v28;
	s31 =	sshll.u32 s31, $0x4;
	s0 =	ssub.s32 s0, s30  }
0x149: {  	p0 =	por !p0, !p1;
	[tilespmem:s15+$0x7C10] =	vst v43;
	s1 =	ssub.s32 s23, s31;
	v44 =	vmov s0;
	s0 =	simm.s32 $0x1  }
0x14a: {  	p0 =	por !p0, !p0;
	vm3 =	vmmov vm1;
	v28 =	vbroadcast v34, $0xF;
	v45 =	vmov s1;
	v46 =	vld [tilespmem:s31+$0x7D40];
	s0 =	simm.s32 @!p1 $0x0  }
0x14b: {  	vm3 =	vmneg @p0 vm3;
	v47 =	vld [tilespmem:s31+$0x7E70];
	vm2 =	veq.s32 v44, v3;
	vm4 =	veq.s32 v45, v3;
	s24 =	sadd.s32 s0, s24  }
0x14c: {  	p3 =	seq.s32 s26, $0x3;
	v49 =	vld [tilespmem:s31+$0x7FA0];
	vm3 =	vmand vm4, vm3;
	v53 =	vsel vm2, v28, v21;
	p1 =	sgt.u32 s24, $0x12B  }
0x14d: {  	v52 =	vld [tilespmem:s31+$0x80D0];
	v48 =	vsel vm2, v28, v18;
	v50 =	vsel vm2, v28, v19;
	v21 =	vpsel p3, v53, v21;
	p3 =	sgt.f32 @!p1 s25, $-Inf  }
0x14e: {  	v54 =	vld [tilespmem:s31+$0x8200];
	v51 =	vsel vm2, v28, v20;
	v56 =	vsel vm2, v28, v22;
	v58 =	vsel vm2, v28, v23  }
0x14f: {  	v59 =	vsel vm2, v28, v24;
	v61 =	vsel vm2, v28, v25;
	v55 =	vsel vm3, v33, v46;
	p1 =	por p1, !p3  }
.Ltmp5:
0x150: {  	p4 =	seq.s32 s26, $0x0;
	p5 =	seq.s32 s26, $0x1;
	v63 =	vsel vm2, v28, v26;
	v28 =	vsel vm2, v28, v27;
	v57 =	vsel vm3, v32, v47;
	[tilespmem:s31+$0x7D40] =	vst v55;
	(pc) =	sbr.rel @p1 .LBB2_20-.Ltmp5, $4  }
0x151: {  	p6 =	seq.s32 s26, $0x2;
	s0 =	simm.s32 $0x1;
	v18 =	vpsel p4, v48, v18;
	v19 =	vpsel p5, v50, v19;
	p4 =	seq.s32 s26, $0x4;
	v60 =	vsel vm3, v31, v49;
	[tilespmem:s31+$0x7E70] =	vst v57  }
0x152: {  	v20 =	vpsel p6, v51, v20;
	p5 =	seq.s32 s26, $0x5;
	p6 =	seq.s32 s26, $0x6;
	s0 =	simm.s32 @!p0 $0x0;
	v22 =	vpsel p4, v56, v22;
	v62 =	vsel vm3, v30, v52;
	[tilespmem:s31+$0x7FA0] =	vst v60  }
0x153: {  	v23 =	vpsel p5, v58, v23;
	v24 =	vpsel p6, v59, v24;
	p4 =	seq.s32 s26, $0x7;
	p5 =	seq.s32 s26, $0x8;
	p6 =	seq.s32 s26, $0x9;
	v29 =	vsel vm3, v29, v54;
	[tilespmem:s31+$0x80D0] =	vst v62  }
0x154: {  	s23 =	sadd.s32 s0, s23;
	v25 =	vpsel p4, v61, v25;
	v26 =	vpsel p5, v63, v26;
	v27 =	vpsel p6, v28, v27;
	[tilespmem:s31+$0x8200] =	vst v29  }
.LBB2_5:
0x155: {  	_ = 	snop  }
0x156: {  	v28 =	vmax.f32 v18, v19  }
0x157: {  	v29 =	vmax.f32 v20, v21;
	v30 =	vmax.f32 v22, v23;
	v31 =	vmax.f32 v24, v25  }
0x158: {  	v28 =	vmax.f32 v28, v29;
	v29 =	vmax.f32 v30, v31  }
0x159: {  	v30 =	vmax.f32 v26, v27;
	v28 =	vmax.f32 v28, v29  }
0x15a: {  	v28 =	vmax.f32 v28, v30  }
0x15b: {  	(xrf0) =	vmax.scan.msk.f32 $0xffff, v28;
	_ =	sdelay $0x5  }
0x15c: {  	v29, _, _ =	vpop (xrf0)  }
0x15d: {  	v28 =	vbroadcast v29, $0xF;
	_ =	sdelay $0x1  }
0x15e: {  	vm2 =	veq.f32 v18, v28  }
0x15f: {  	vm3 =	veq.f32 v19, v28;
	vm4 =	veq.f32 v20, v28;
	vm5 =	veq.f32 v21, v28  }
0x160: {  	vm13 =	veq.f32 v22, v28;
	vm6 =	veq.f32 v25, v28;
	vm7 =	veq.f32 v23, v28  }
0x161: {  	vm8 =	veq.f32 v24, v28;
	v30 =	vnsel vm5, $0xF4240, v5;
	v31 =	vnsel vm6, $0xF4240, v6  }
0x162: {  	vm14 =	veq.f32 v26, v28;
	v30 =	vsel vm4, v8, v30;
	v31 =	vsel vm8, v9, v31  }
0x163: {  	vm15 =	veq.f32 v27, v28;
	v30 =	vsel vm3, v11, v30;
	v31 =	vsel vm7, v12, v31  }
0x164: {  	v32 =	vnsel vm15, $0xF4240, v7;
	v30 =	vsel vm2, v3, v30;
	v31 =	vsel vm13, v13, v31  }
0x165: {  	v32 =	vsel vm14, v10, v32;
	v30 =	vmin.u32 v30, v31  }
0x166: {  	v30 =	vmin.u32 v30, v32  }
0x167: {  	v30 =	vor.u32 $0x80000000, v30  }
0x168: {  	(xrf0) =	vmin.scan.msk.u32 $0xffff, v30;
	_ =	sdelay $0x5  }
0x169: {  	(v2sf) =	vpush v29, $0xF;
	v29, _, _ =	vpop (xrf0)  }
0x16a: {  	(v2sf) =	vpush v29, $0xF;
	_ =	sdelay $0xd  }
0x16b: {  	s25 =	spop (v2sf)  }
0x16c: {  	s26 =	spop (v2sf)  }
0x16d: {  	s30 =	sshll.u32 s26, $0x5  }
0x16e: {  	v29 =	vld [tilespmem:s30+$0x0]  }
0x16f: {  	v30 =	vld [tilespmem:s30+$0x10];
	_ =	sdelay $0x3  }
0x170: {  	vm2 =	veq.f32 v29, v28  }
0x171: {  	v31 =	vnsel vm2, $0x800F4240, v14;
	vm2 =	veq.f32 v30, v28  }
0x172: {  	(xrf0) =	vmin.scan.msk.u32 $0xffff, v31;
	v31 =	vnsel vm2, $0x800F4240, v16  }
0x173: {  	(xrf0) =	vmin.scan.msk.u32 $0xffff, v31;
	_ =	sdelay $0x4  }
0x174: {  	v31, _, _ =	vpop (xrf0)  }
0x175: {  	(v2sf) =	vpush v31, $0xF;
	v31, _, _ =	vpop (xrf0)  }
0x176: {  	(v2sf) =	vpush v31, $0xF;
	_ =	sdelay $0xd  }
0x177: {  	s0 =	spop (v2sf)  }
0x178: {  	s1 =	spop (v2sf)  }
0x179: {  	s0 =	sxor.u32 $0x80000000, s0;
	s1 =	sxor.u32 $0x80000000, s1  }
0x17a: {  	p0 =	slt.s32 s0, s1  }
0x17b: {  	s1 =	smov.u32 @p0 s0  }
0x17c: {  	s0 =	sadd.s32 s30, s1  }
0x17d: {  	p0 =	slt.s32 s0, $0x1387  }
0x17e: {  	s0 =	simm.s32 @!p0 $0x1387  }
0x17f: {  	s14 =	sshll.u32 s0, $0x4  }
0x180: {  	s14 =	sshra.s32 s14, $0x2  }
0x181: {  	v34 =	vld [tilespmem:s14+$0x2750];
	_ =	sdelay $0x4  }
0x182: {  	(v2sf) =	vpush v34, $0x0  }
0x183: {  	(v2sf) =	vpush v34, $0x1  }
0x184: {  	(v2sf) =	vpush v34, $0x2  }
0x185: {  	(v2sf) =	vpush v34, $0x3;
	_ =	sdelay $0x7  }
0x186: {  	v31 =	vld [tilespmem:s0+$0x13A0];
	_ =	sdelay $0x3  }
0x187: {  	s0 =	spop (v2sf)  }
0x188: {  	(v2sf) =	vpush v31, $0x0;
	s14 =	spop (v2sf)  }
0x189: {  	s29 =	sadd.s32 $0xF, s23;
	s28 =	spop (v2sf)  }
0x18a: {  	p1 =	slt.s32 s29, $0x1;
	s15 =	sadd.s32 $0xFFFFFFF0, s1;
	v31 =	vmov s1;
	s1 =	spop (v2sf)  }
0x18b: {  	v63 =	vmov s15;
	s15 =	ssub.f32 s28, s0;
	p5 =	sgt.f32 s28, s0;
	s0 =	sand.u32 $0xF, s29  }
0x18c: {  	s28 =	sshra.s32 s29, $0x1F;
	s31 =	ssub.f32 s1, s14;
	p2 =	sne.s32 s0, $0x0  }
0x18d: {  	p6 =	sgt.f32 s1, s14;
	s14 =	sshrl.u32 s28, $0x1C;
	p1 =	por !p1, !p2  }
0x18e: {  	vm3 =	veq.s32 v63, v3;
	vm2 =	veq.s32 v31, v3;
	s1 =	simm.s32 $0x1;
	s0 =	sadd.s32 s14, s29;
	p1 =	por !p1, !p1  }
0x18f: {  	v35 =	vsel vm3, $0xFF800000, v30;
	v29 =	vsel vm2, $0xFF800000, v29;
	p0 =	por !p5, !p6;
	s0 =	sshra.s32 s0, $0x4;
	s1 =	simm.s32 @!p1 $0x0  }
0x190: {  	v30 =	vmax.f32 v29, v35;
	p0 =	por !p0, !p0;
	s29 =	ssub.s32 s0, s1  }
0x191: {  	(xrf0) =	vmax.scan.msk.f32 $0xffff, v30;
	p1 =	slt.s32 @p0 s29, $0x1  }
0x192: {  	p1 =	por !p0, p1  }
.Ltmp6:
0x193: {  	_ = 	snop;
	(pc) =	sbr.rel @p1 .LBB2_22-.Ltmp6, $4  }
0x194: {  	_ = 	snop  }
0x195: {  	s31 =	smul.f32 s31, s15  }
0x196: {  	[tilespmem:s30+$0x10] =	vst v35;
	v33 =	vbroadcast v34, $0x0;
	v32 =	vbroadcast v34, $0x1  }
0x197: {  	v31 =	vbroadcast v34, $0x2;
	[tilespmem:s30+$0x0] =	vst v29;
	v30 =	vbroadcast v34, $0x3;
	v34, _, _ =	vpop (xrf0);
	s28 =	spop (v2sf);
	v29 =	vmov s31  }
0x198: {  	s15 =	simm.s32 $0x7E70  }
0x199: {  	p5 =	sgt.s32 s29, $0x1;
	v39 =	vld [tilespmem:s15+$0x0]  }
.Ltmp7:
0x19a: {  	s30 =	simm.s32 $0x8200;
	(pc) =	sbr.rel @!p5 .LBB2_7-.Ltmp7, $4  }
0x19b: {  	s0 =	simm.s32 $0x80D0;
	v35 =	vld [tilespmem:s30+$0x0]  }
0x19c: {  	s1 =	simm.s32 $0x7D40;
	s14 =	simm.s32 $0x7FA0;
	p1 =	por $0x0, $0x0;
	v36 =	vld [tilespmem:s0+$0x0]  }
0x19d: {  	p2 =	por $0x0, $0x0;
	p3 =	por $0x0, $0x0;
	p4 =	por $0x0, $0x0;
	v37 =	vld [tilespmem:s1+$0x0]  }
0x19e: {  	s0 =	simm.s32 $0x7D50;
	s15 =	simm.s32 $0x7E80;
	s1 =	simm.s32 $0x7FB0;
	v38 =	vld [tilespmem:s14+$0x0];
	v41 =	vmax.f32 v39, v32  }
0x19f: {  	v39 =	vld [tilespmem:s15+$0x0];
	p5 =	sgt.s32 s29, $0x2  }
.Ltmp8:
0x1a0: {  	s14 =	simm.s32 $0x8210;
	(pc) =	sbr.rel @!p5 .LBB2_9-.Ltmp8, $4  }
0x1a1: {  	s31 =	simm.s32 $0x80E0;
	v48 =	vadd.f32 v35, v29;
	v35 =	vld [tilespmem:s14+$0x0];
	v40 =	vmin.f32 v36, v30  }
0x1a2: {  	v36 =	vld [tilespmem:s31+$0x0];
	v40 =	vsub.f32 v40, v41  }
0x1a3: {  	p1 =	por $0x1, $0x1;
	v42 =	vmax.f32 v37, v33;
	v37 =	vld [tilespmem:s0+$0x0];
	v63 =	vmin.f32 v38, v31  }
0x1a4: {  	s14 =	simm.s32 $0x7E90;
	s0 =	simm.s32 $0x7D60;
	v38 =	vld [tilespmem:s1+$0x0];
	s1 =	simm.s32 $0x7FC0;
	v45 =	vsub.f32 v63, v42;
	v44 =	vmax.f32 v40, $0.0e+00;
	v41 =	vmax.f32 v39, v32  }
0x1a5: {  	_ = 	snop  }
0x1a6: {  	v42 =	vld [tilespmem:s14+$0x0];
	p5 =	sgt.s32 s29, $0x3;
	v39 =	vmax.f32 v45, $0.0e+00  }
.Ltmp9:
0x1a7: {  	s31 =	simm.s32 $0x8220;
	v39 =	vmul.f32 v44, v39;
	(pc) =	sbr.rel @!p5 .LBB2_11-.Ltmp9, $4  }
0x1a8: {  	s15 =	simm.s32 $0x80F0;
	v43 =	vadd.f32 v35, v29;
	v35 =	vld [tilespmem:s31+$0x0];
	v40 =	vmin.f32 v36, v30;
	v63 =	vmax.f32 v37, v33  }
0x1a9: {  	v36 =	vld [tilespmem:s15+$0x0];
	v41 =	vsub.f32 v40, v41;
	v38 =	vmin.f32 v38, v31;
	v40 =	vsub.f32 v48, v39  }
0x1aa: {  	s14 =	simm.s32 $0x7FD0;
	v37 =	vld [tilespmem:s0+$0x0];
	v45 =	vsub.f32 v38, v63  }
0x1ab: {  	p2 =	por $0x1, $0x1;
	s0 =	simm.s32 $0x7D70;
	v38 =	vld [tilespmem:s1+$0x0];
	v44 =	vmax.f32 v41, $0.0e+00;
	v41 =	vmax.f32 v42, v32;
	s1 =	simm.s32 $0x7EA0;
	(erf) = vrcp.f32 v40  }
0x1ac: {  	v42 =	vmax.f32 v45, $0.0e+00  }
0x1ad: {  	v42 =	vmul.f32 v44, v42;
	_ =	sdelay $0x1  }
0x1ae: {  	v43 =	vsub.f32 v43, v42;
	_ =	sdelay $0x1  }
0x1af: {  	v46 =	vld [tilespmem:s1+$0x0];
	p5 =	sgt.s32 s29, $0x4;
	(erf) = vrcp.f32 v43  }
.Ltmp10:
0x1b0: {  	s31 =	simm.s32 $0x8230;
	(pc) =	sbr.rel @!p5 .LBB2_13-.Ltmp10, $4  }
0x1b1: {  	s15 =	simm.s32 $0x8100;
	v48 =	vadd.f32 v35, v29;
	v35 =	vld [tilespmem:s31+$0x0];
	v62 =	vmin.f32 v36, v30  }
0x1b2: {  	v36 =	vld [tilespmem:s15+$0x0];
	v41 =	vsub.f32 v62, v41  }
0x1b3: {  	s1 =	simm.s32 $0x7D80;
	v63 =	vmax.f32 v37, v33;
	v37 =	vld [tilespmem:s0+$0x0];
	v38 =	vmin.f32 v38, v31  }
0x1b4: {  	p3 =	por $0x1, $0x1;
	s0 =	simm.s32 $0x7EB0;
	v45 =	vsub.f32 v38, v63;
	v38 =	vld [tilespmem:s14+$0x0];
	v44 =	vmax.f32 v41, $0.0e+00;
	v41 =	vmax.f32 v46, v32;
	s14 =	simm.s32 $0x7FE0  }
0x1b5: {  	_ = 	snop  }
0x1b6: {  	v45 =	vmax.f32 v45, $0.0e+00  }
0x1b7: {  	v46 =	vmul.f32 v44, v45  }
0x1b8: {  	v49 =	vld [tilespmem:s0+$0x0];
	p5 =	sgt.s32 s29, $0x5  }
.Ltmp11:
0x1b9: {  	s30 =	simm.s32 $0x8240;
	v62 =	vpop (erf);
	vm3 =	vgt.f32 v40, $0.0e+00;
	v47 =	vsub.f32 v48, v46;
	(pc) =	sbr.rel @!p5 .LBB2_15-.Ltmp11, $4  }
0x1ba: {  	s31 =	simm.s32 $0x8110;
	v51 =	vadd.f32 v35, v29;
	v35 =	vld [tilespmem:s30+$0x0];
	v63 =	vmul.f32 v62, v39;
	v36 =	vmin.f32 v36, v30  }
0x1bb: {  	vm2 =	vmmov vm1;
	v41 =	vsub.f32 v36, v41;
	v36 =	vld [tilespmem:s31+$0x0];
	(erf) = vrcp.f32 v47  }
0x1bc: {  	s0 =	simm.s32 $0x5;
	s15 =	simm.s32 $0x7FF0;
	v61 =	vmax.f32 v37, v33;
	v37 =	vld [tilespmem:s1+$0x0];
	vm4 =	vgt.f32 v63, $5.000000000e-01;
	v38 =	vmin.f32 v38, v31  }
0x1bd: {  	p4 =	por $0x1, $0x1;
	v50 =	vmovc v43;
	s1 =	simm.s32 $0x7D90;
	v45 =	vsub.f32 v38, v61;
	v44 =	vmax.f32 v41, $0.0e+00;
	v38 =	vld [tilespmem:s14+$0x0];
	v41 =	vmax.f32 v49, v32;
	s14 =	simm.s32 $0x7EC0;
	v49 =	vmovc v42  }
.LBB2_16:
0x1be: {  	s0 =	sadd.s32 $0x1, s0  }
0x1bf: {  	v48 =	vld [tilespmem:s14+$0x0];
	v52 =	vadd.f32 v35, v29;
	s31 =	sadd.s32 $0x10, s31;
	s30 =	sadd.s32 $0x10, s30;
	v55 =	vmax.f32 v45, $0.0e+00;
	vm3 =	vmand vm3, vm4;
	p5 =	sgt.s32 s29, s0  }
.Ltmp12:
0x1c0: {  	v35 =	vld [tilespmem:s30+$0x0];
	v53 =	vmin.f32 v36, v30;
	v54 =	vmul.f32 v44, v55;
	vm2 =	vmor vm2, vm3;
	(pc) =	sbr.rel @p5 .LBB2_16-.Ltmp12, $4  }
0x1c1: {  	v36 =	vld [tilespmem:s31+$0x0];
	v44 =	vmax.f32 v37, v33;
	v41 =	vsub.f32 v53, v41;
	v45 =	vpop (erf)  }
0x1c2: {  	v37 =	vld [tilespmem:s1+$0x0];
	v53 =	vmin.f32 v38, v31;
	v55 =	vsub.f32 v51, v54;
	v56 =	vmul.f32 v45, v49;
	v51 =	vmovc v52  }
0x1c3: {  	vm3 =	vgt.f32 v50, $0.0e+00;
	v49 =	vmovc v46;
	v46 =	vmovc v54;
	v38 =	vld [tilespmem:s15+$0x0];
	v45 =	vsub.f32 v53, v44;
	v44 =	vmax.f32 v41, $0.0e+00  }
0x1c4: {  	s14 =	sadd.s32 $0x10, s14;
	v50 =	vmovc v47;
	s1 =	sadd.s32 $0x10, s1;
	s15 =	sadd.s32 $0x10, s15;
	v41 =	vmax.f32 v48, v32;
	(erf) = vrcp.f32 v55;
	vm4 =	vgt.f32 v56, $5.000000000e-01;
	v47 =	vmovc v55  }
0x1c5: {  	v48 =	vmov v51  }
.LBB2_18:
0x1c6: {  	_ = 	snop  }
0x1c7: {  	v45 =	vmax.f32 @p1 v45, $0.0e+00  }
0x1c8: {  	v36 =	vmin.f32 v36, v30;
	v37 =	vmax.f32 v37, v33;
	v38 =	vmin.f32 v38, v31  }
0x1c9: {  	v44 =	vmul.f32 @p1 v44, v45;
	v36 =	vsub.f32 v36, v41;
	v37 =	vsub.f32 v38, v37;
	_ =	sdelay $0x1  }
0x1ca: {  	v38 =	vsub.f32 @p1 v48, v44;
	v36 =	vmax.f32 v36, $0.0e+00;
	v37 =	vmax.f32 v37, $0.0e+00  }
0x1cb: {  	v35 =	vadd.f32 v35, v29;
	v36 =	vmul.f32 v36, v37  }
0x1cc: {  	(erf) = vrcp.f32 @p1 v38  }
0x1cd: {  	v35 =	vsub.f32 v35, v36  }
0x1ce: {  	vm3 =	vmand @p4 vm3, vm4;
	v37 =	vpop @p3 (erf)  }
0x1cf: {  	vm4 =	vgt.f32 @p3 v50, $0.0e+00;
	v45 =	vmovc @p2 v46;
	v37 =	vmul.f32 @p3 v37, v49;
	(erf) = vrcp.f32 v35  }
0x1d0: {  	vm5 =	vmmov vm1;
	vm2 =	vmor @p4 vm2, vm3;
	v39 =	vpsel p2, v45, v39;
	v41 =	vpop @p2 (erf)  }
0x1d1: {  	vm4 =	vmmov @p3 vm4;
	v39 =	vmul.f32 @p2 v41, v39;
	vm3 =	vgt.f32 @p3 v37, $5.000000000e-01  }
0x1d2: {  	vm5 =	vmmov @p4 vm2;
	v38 =	vpsel p1, v38, v43;
	vm3 =	vmmov @p3 vm3  }
0x1d3: {  	v38 =	vpsel p1, v38, v0;
	v37 =	vmovc @p1 v44;
	v44 =	vmovc @p2 v47;
	vm2 =	vmand @p3 vm4, vm3;
	vm4 =	vgt.f32 @p2 v39, $5.000000000e-01  }
0x1d4: {  	v37 =	vpsel p1, v37, v42;
	v40 =	vpsel p2, v44, v40;
	vm2 =	vmor @p3 vm5, vm2  }
0x1d5: {  	v39 =	vpop @p1 (erf);
	vm4 =	vmmov @p2 vm4;
	vm3 =	vgt.f32 @p2 v40, $0.0e+00;
	v37 =	vpsel p1, v37, v0  }
0x1d6: {  	vm5 =	vmmov vm1;
	vm3 =	vmmov @p2 vm3;
	v37 =	vmul.f32 @p1 v39, v37  }
0x1d7: {  	vm5 =	vmmov @p3 vm2;
	vm2 =	vmand @p2 vm3, vm4;
	vm3 =	vgt.f32 @p1 v38, $0.0e+00  }
0x1d8: {  	vm2 =	vmor @p2 vm5, vm2;
	vm4 =	vgt.f32 @p1 v37, $5.000000000e-01;
	vm3 =	vmmov @p1 vm3;
	v62 =	vpop (erf)  }
0x1d9: {  	vm5 =	vmmov vm1;
	vm4 =	vmmov @p1 vm4;
	v36 =	vmul.f32 v62, v36  }
0x1da: {  	vm5 =	vmmov @p2 vm2;
	vm2 =	vmand @p1 vm3, vm4;
	vm3 =	vgt.f32 v35, $0.0e+00  }
.Ltmp13:
0x1db: {  	vm2 =	vmor @p1 vm5, vm2;
	vm5 =	vmmov vm1;
	vm15 =	vgt.f32 v36, $5.000000000e-01;
	(pc) =	sbr.rel .LBB2_19-.Ltmp13, $4  }
0x1dc: {  	vm5 =	vmmov @p1 vm2;
	vm2 =	vmand vm3, vm15  }
0x1dd: {  	vm2 =	vmor vm5, vm2  }
0x1de: {  	v63 =	vsel vm2, $0x1, v17  }
0x1df: {  	v35 =	vor.u32 $0x80000000, v63  }
.LBB2_7:
.Ltmp14:
0x1e0: {  	(pc) =	sbr.rel .LBB2_18-.Ltmp14, $2  }
0x1e1: {  	_ =	sdelay $0x2  }
0x1e2: {  	vm2 =	vmmov vm1  }
.LBB2_9:
.Ltmp15:
0x1e3: {  	(pc) =	sbr.rel .LBB2_18-.Ltmp15, $2  }
0x1e4: {  	_ =	sdelay $0x2  }
0x1e5: {  	vm2 =	vmmov vm1  }
.LBB2_11:
.Ltmp16:
0x1e6: {  	(pc) =	sbr.rel .LBB2_18-.Ltmp16, $2  }
0x1e7: {  	_ =	sdelay $0x2  }
0x1e8: {  	v46 =	vmovc v39;
	v47 =	vmov v40;
	vm2 =	vmmov vm1;
	v48 =	vmov v43  }
.LBB2_13:
.Ltmp17:
0x1e9: {  	(pc) =	sbr.rel .LBB2_18-.Ltmp17, $2  }
0x1ea: {  	_ =	sdelay $0x2  }
0x1eb: {  	vm2 =	vmmov vm1;
	v49 =	vmovc v39;
	v50 =	vmovc v40;
	v46 =	vmov v42;
	v47 =	vmov v43  }
.LBB2_15:
.Ltmp18:
0x1ec: {  	(pc) =	sbr.rel .LBB2_18-.Ltmp18, $2  }
0x1ed: {  	_ =	sdelay $0x2  }
0x1ee: {  	vm2 =	vmmov vm1;
	v48 =	vmovc v51;
	v49 =	vmov v42;
	v50 =	vmov v43  }
.LBB2_21:
0x1ef: {  	_ =	sfence.sel $0x180000  }
0x1f0: {  	[bflag:$0x0] =	sbarrier.arrive $0xFFFF  }
0x1f1: {  	_ =	strace $0x90000047  }
0x1f2: {  	s0 =	stileid.u32;
	[bflag:$0x2] =	sbarrier.arrive $0xFFFF  }
0x1f3: {  	p0 =	sne.s32 s0, $0x0;
	s0 =	rddreg [dreg:$0x4]  }
0x1f4: {  	s0 =	sadd.s32 @!p0 $0x100000, s0  }
0x1f5: {  	[sflag:s0] =	ssyncadd.tile.s32 @!p0 $0x1;
	_ =	shalt  }
.Lfunc_end2:
_tile_overlayer_lowered:
.L_overlay_start_2:
0x1f6: {  	(tag) =	ssettag $0x2  }
0x1f7: {  	s0 =	rddreg [dreg:$0x0];
	s2 =	stileid.u32  }
0x1f8: {  	s1 =	rddreg [dreg:$0x1];
	p0 =	sne.s32 s2, $0x0  }
0x1f9: {  	s3 =	rddreg [dreg:$0x2];
	[bflag:$0x3] =	sbarrier.arrive $0xFFFF;
	s2 =	simm.s32 @!p0 $0x1C01  }
0x1fa: {  	[timem:s3], [sflag:s2] =	dma.local @!p0 [hbm:s0], s1  }
0x1fb: {  	s0 =	simm.s32 @!p0 $0x1  }
0x1fc: {  	_ =	swait.ge @!p0 [sflag:s0], s1  }
0x1fd: {  	s1 =	ssub.s32 @!p0 $0x0, s1;
	[sflag:s0] =	ssyncset.done @!p0 $0x0  }
0x1fe: {  	[sflag:s0] =	ssyncadd.s32 @!p0 s1  }
0x1ff: {  	[bflag:$0x3] =	sbarrier.arrive $0xFFFF  }
0x200: {  	_ =	shalt  }

</sc_bundles>
